<compile_context>
chip_gen: v7x
topology: tpu7x:2x2x1
jax: 0.10.2.dev20260603
libtpu: 0.0.44.dev20260713+nightly
codegen_flags: <defaults>
</compile_context>

<pallas_src>
import functools

import jax
import jax.numpy as jnp
from jax import lax
from jax.experimental import pallas as pl
from jax.experimental.pallas import tpu as pltpu
from jax.experimental.pallas import tpu_sc as plsc

N_NODES = 10000
N_EDGES = 320000
D_H = 128

NC = 2
NS = 16
NW = NC * NS
CHUNK = 64
KB = 40
CPW = 160
NBUF = 2
EPW = CPW * CHUNK
E_PAD = NW * EPW
ROWS_PER_TILE = 640
N_PAD = NS * ROWS_PER_TILE

_MESH = dict(core_axis_name="c", subcore_axis_name="s",
             num_cores=NC, num_subcores=NS)


def _zero_acc(z_hbm, acc_sh, base):
  for k in range(ROWS_PER_TILE // CHUNK):
    pltpu.sync_copy(z_hbm, acc_sh.at[pl.ds(base + k * CHUNK, CHUNK)])


def _make_sc_agg(cpw):
  out_type = [jax.ShapeDtypeStruct((NC, N_PAD, D_H), jnp.float32)]
  scratch = [
      pltpu.VMEM((KB, CHUNK), jnp.int32),
      pltpu.VMEM((KB, CHUNK), jnp.int32),
      [[pltpu.VMEM((CHUNK, D_H), jnp.float32) for _ in range(NBUF)]
       for _ in range(2)],
      pltpu.VMEM_SHARED((N_PAD, D_H), jnp.float32),
      [[pltpu.SemaphoreType.DMA for _ in range(NBUF)] for _ in range(2)],
      [[pltpu.SemaphoreType.DMA for _ in range(NBUF)] for _ in range(2)],
  ]

  def body(x_hbm, src_hbm, dst_hbm, z_hbm, out_hbm,
           src_v, dst_v, rows, acc_sh, sem_g, sem_s):
    cid = lax.axis_index("c")
    sid = lax.axis_index("s")
    wid = sid * NC + cid
    base = sid * ROWS_PER_TILE

    _zero_acc(z_hbm, acc_sh, base)
    plsc.subcore_barrier()

    def fire_gathers(s, j0):
      for u in range(NBUF):
        pltpu.async_copy(x_hbm.at[src_v.at[j0 + u]], rows[s][u], sem_g[s][u])

    def drain_gathers(s, j0):
      for u in range(NBUF):
        pltpu.make_async_copy(x_hbm.at[src_v.at[j0 + u]], rows[s][u],
                              sem_g[s][u]).wait()

    def fire_scatters(s, j0):
      for u in range(NBUF):
        pltpu.async_copy(rows[s][u], acc_sh.at[dst_v.at[j0 + u]],
                         sem_s[s][u], add=True)

    def drain_scatters(s, j0):
      for u in range(NBUF):
        pltpu.make_async_copy(rows[s][u], acc_sh.at[dst_v.at[j0 + u]],
                              sem_s[s][u]).wait()

    @pl.loop(0, cpw // KB)
    def _group(g):
      pltpu.sync_copy(src_hbm.at[wid, pl.ds(g * KB, KB)], src_v)
      pltpu.sync_copy(dst_hbm.at[wid, pl.ds(g * KB, KB)], dst_v)

      @pl.loop(0, KB // (2 * NBUF))
      def _pair(t):
        j0 = t * 2 * NBUF
        fire_gathers(0, j0)

        @pl.when(t > 0)
        def _():
          drain_scatters(1, j0 - NBUF)
        drain_gathers(0, j0)
        fire_scatters(0, j0)

        fire_gathers(1, j0 + NBUF)
        drain_scatters(0, j0)
        drain_gathers(1, j0 + NBUF)
        fire_scatters(1, j0 + NBUF)

      drain_scatters(1, KB - NBUF)

    plsc.subcore_barrier()
    pltpu.sync_copy(acc_sh.at[pl.ds(base, ROWS_PER_TILE)],
                    out_hbm.at[cid, pl.ds(base, ROWS_PER_TILE)])

  mesh = plsc.VectorSubcoreMesh(**_MESH)
  return pl.kernel(body, out_type=out_type, mesh=mesh, scratch_types=scratch)


def _make_sc_deg(cpw):
  out_type = [jax.ShapeDtypeStruct((NC, N_PAD, D_H), jnp.float32)]
  scratch = [
      pltpu.VMEM((KB, CHUNK), jnp.int32),
      pltpu.VMEM((CHUNK, D_H), jnp.float32),
      pltpu.VMEM_SHARED((N_PAD, D_H), jnp.float32),
      [pltpu.SemaphoreType.DMA for _ in range(NBUF)],
  ]

  def body(dst_hbm, ones_hbm, z_hbm, out_hbm, dst_v, ones_v, acc_sh, sem_s):
    cid = lax.axis_index("c")
    sid = lax.axis_index("s")
    wid = sid * NC + cid
    base = sid * ROWS_PER_TILE

    _zero_acc(z_hbm, acc_sh, base)
    pltpu.sync_copy(ones_hbm, ones_v)
    plsc.subcore_barrier()

    @pl.loop(0, cpw // KB)
    def _group(g):
      pltpu.sync_copy(dst_hbm.at[wid, pl.ds(g * KB, KB)], dst_v)

      @pl.loop(0, KB // NBUF)
      def _quad(t):
        sds = [pltpu.async_copy(ones_v, acc_sh.at[dst_v.at[t * NBUF + u]],
                                sem_s[u], add=True)
               for u in range(NBUF)]
        for d in sds:
          d.wait()

    plsc.subcore_barrier()
    pltpu.sync_copy(acc_sh.at[pl.ds(base, ROWS_PER_TILE)],
                    out_hbm.at[cid, pl.ds(base, ROWS_PER_TILE)])

  mesh = plsc.VectorSubcoreMesh(**_MESH)
  return pl.kernel(body, out_type=out_type, mesh=mesh, scratch_types=scratch)


def _make_tc_layer(d_out, relu):
  R = 1024
  grid = (N_PAD // R,)

  def body(x_ref, agg_ref, deg_ref, ws_ref, wn_ref, b_ref, o_ref):
    deg = deg_ref[0, :, 0:1] + deg_ref[1, :, 0:1]
    inv = 1.0 / jnp.maximum(deg, 1.0)
    neigh = (agg_ref[0] + agg_ref[1]) * inv
    y = (jnp.dot(x_ref[...], ws_ref[...], preferred_element_type=jnp.float32)
         + jnp.dot(neigh, wn_ref[...], preferred_element_type=jnp.float32)
         + b_ref[...])
    o_ref[...] = jnp.maximum(y, 0.0) if relu else y

  return pl.pallas_call(
      body,
      grid=grid,
      in_specs=[
          pl.BlockSpec((R, D_H), lambda i: (i, 0)),
          pl.BlockSpec((NC, R, D_H), lambda i: (0, i, 0)),
          pl.BlockSpec((NC, R, D_H), lambda i: (0, i, 0)),
          pl.BlockSpec((D_H, d_out), lambda i: (0, 0)),
          pl.BlockSpec((D_H, d_out), lambda i: (0, 0)),
          pl.BlockSpec((1, d_out), lambda i: (0, 0)),
      ],
      out_specs=pl.BlockSpec((R, d_out), lambda i: (i, 0)),
      out_shape=jax.ShapeDtypeStruct((N_PAD, d_out), jnp.float32),
  )


def _forward(x_pad, Ws0, Wn0, b0, Ws1, Wn1, b1, Ws2, Wn2, b2,
             src_r, dst_r, cpw, axis_name):
  z128 = jnp.zeros((CHUNK, D_H), jnp.float32)
  ones128 = jnp.ones((CHUNK, D_H), jnp.float32)

  agg = _make_sc_agg(cpw)
  degk = _make_sc_deg(cpw)
  tc_h = _make_tc_layer(D_H, True)
  tc_out = _make_tc_layer(40, False)

  def combine(p):
    return lax.psum(p, axis_name) if axis_name else p

  [deg] = degk(dst_r, ones128, z128)
  deg = combine(deg)
  [a0] = agg(x_pad, src_r, dst_r, z128)
  h1 = tc_h(x_pad, combine(a0), deg, Ws0, Wn0, b0.reshape(1, D_H))

  [a1] = agg(h1, src_r, dst_r, z128)
  h2 = tc_h(h1, combine(a1), deg, Ws1, Wn1, b1.reshape(1, D_H))

  [a2] = agg(h2, src_r, dst_r, z128)
  out = tc_out(h2, combine(a2), deg, Ws2, Wn2, b2.reshape(1, 40))
  return out[:N_NODES]


@jax.jit
def kernel(inputs, Ws0, Wn0, b0, Ws1, Wn1, b1, Ws2, Wn2, b2, edge_index):
  src = edge_index[0]
  dst = edge_index[1]
  pad = E_PAD - N_EDGES
  src_p = jnp.concatenate([src, jnp.zeros((pad,), jnp.int32)])
  dst_p = jnp.concatenate([dst, jnp.full((pad,), N_NODES, jnp.int32)])

  x_pad = jnp.pad(inputs, ((0, N_PAD - N_NODES), (0, 0)))
  weights = (Ws0, Wn0, b0, Ws1, Wn1, b1, Ws2, Wn2, b2)

  src_r = src_p.reshape(NW, CPW, CHUNK)
  dst_r = dst_p.reshape(NW, CPW, CHUNK)
  return _forward(x_pad, *weights, src_r, dst_r, CPW, None)

# --- scband reference (transcript-rebuilt; emitter-appended) ---
"""Pipeline reference for scband-graph-sage-31550829756707 (READ-ONLY COPY).

The authoritative reference and input builder live on the scoring server;
editing this copy changes nothing except your own understanding.
"""

import jax, jax.numpy as jnp
import numpy as np

N_NODES = 10000
N_EDGES = 320000
D_IN = 128
D_H = 128
N_CLASSES = 40


def setup_inputs(seed: int = 0) -> dict:
    key = jax.random.key(seed)
    ks = jax.random.split(key, 12)
    inputs = jax.random.normal(ks[0], (N_NODES, D_IN), dtype=jnp.float32)
    edge_index = jax.random.randint(ks[1], (2, N_EDGES), 0, N_NODES, dtype=jnp.int32)

    def glorot(k, shape):
        fan_in = shape[0]
        return jax.random.normal(k, shape, dtype=jnp.float32) * (1.0 / np.sqrt(fan_in))

    # Layer 0: D_IN -> D_H
    Ws0 = glorot(ks[2], (D_IN, D_H))
    Wn0 = glorot(ks[3], (D_IN, D_H))
    b0 = jnp.zeros((D_H,), dtype=jnp.float32)
    # Layer 1: D_H -> D_H
    Ws1 = glorot(ks[4], (D_H, D_H))
    Wn1 = glorot(ks[5], (D_H, D_H))
    b1 = jnp.zeros((D_H,), dtype=jnp.float32)
    # Layer 2: D_H -> N_CLASSES
    Ws2 = glorot(ks[6], (D_H, N_CLASSES))
    Wn2 = glorot(ks[7], (D_H, N_CLASSES))
    b2 = jnp.zeros((N_CLASSES,), dtype=jnp.float32)

    return {
        "inputs": inputs,
        "Ws0": Ws0, "Wn0": Wn0, "b0": b0,
        "Ws1": Ws1, "Wn1": Wn1, "b1": b1,
        "Ws2": Ws2, "Wn2": Wn2, "b2": b2,
        "edge_index": edge_index,
    }


def _sage_conv_mean(x, src, dst, Ws, Wn, b):
    # DGL SAGEConv with aggregator_type='mean':
    # h_neigh = mean_{u in N(v)} x_u ; out = x @ W_self + h_neigh @ W_neigh + b
    msg = jnp.take(x, src, axis=0)                                  # gather over edges
    agg = jax.ops.segment_sum(msg, dst, num_segments=N_NODES)        # scatter-add by dst
    deg = jax.ops.segment_sum(jnp.ones((src.shape[0],), x.dtype), dst, num_segments=N_NODES)
    h_neigh = agg / jnp.clip(deg, 1.0)[:, None]
    return x @ Ws + h_neigh @ Wn + b


def reference(inputs, Ws0, Wn0, b0, Ws1, Wn1, b1, Ws2, Wn2, b2, edge_index):
    src = edge_index[0]
    dst = edge_index[1]
    h = _sage_conv_mean(inputs, src, dst, Ws0, Wn0, b0)
    h = jax.nn.relu(h)  # dropout=0.0 -> identity
    h = _sage_conv_mean(h, src, dst, Ws1, Wn1, b1)
    h = jax.nn.relu(h)
    h = _sage_conv_mean(h, src, dst, Ws2, Wn2, b2)
    return h

if __name__ == "__main__":
    import jax
    _d = setup_inputs()
    print(jax.jit(kernel)(*tuple(_d.values())))

</pallas_src>

<mosaic_0001>
#map = affine_map<(d0, d1) -> (0, 0)>
#map1 = affine_map<(d0, d1) -> (0, 0, 0)>
module attributes {stable_mosaic.version = 14 : i64} {
  func.func @body(%arg0: i32, %arg1: i32, %arg2: memref<10240x128xf32, #tpu.memory_space<hbm>>, %arg3: memref<32x160x64xi32, #tpu.memory_space<hbm>>, %arg4: memref<32x160x64xi32, #tpu.memory_space<hbm>>, %arg5: memref<64x128xf32, #tpu.memory_space<hbm>>, %arg6: memref<2x10240x128xf32, #tpu.memory_space<hbm>>, %arg7: memref<40x64xi32, #tpu.memory_space<vmem>>, %arg8: memref<40x64xi32, #tpu.memory_space<vmem>>, %arg9: memref<64x128xf32, #tpu.memory_space<vmem>>, %arg10: memref<64x128xf32, #tpu.memory_space<vmem>>, %arg11: memref<64x128xf32, #tpu.memory_space<vmem>>, %arg12: memref<64x128xf32, #tpu.memory_space<vmem>>, %arg13: memref<10240x128xf32, #tpu.memory_space<vmem_shared>>, %arg14: memref<!tpu.dma_semaphore, #tpu.memory_space<semaphore_mem>>, %arg15: memref<!tpu.dma_semaphore, #tpu.memory_space<semaphore_mem>>, %arg16: memref<!tpu.dma_semaphore, #tpu.memory_space<semaphore_mem>>, %arg17: memref<!tpu.dma_semaphore, #tpu.memory_space<semaphore_mem>>, %arg18: memref<!tpu.dma_semaphore, #tpu.memory_space<semaphore_mem>>, %arg19: memref<!tpu.dma_semaphore, #tpu.memory_space<semaphore_mem>>, %arg20: memref<!tpu.dma_semaphore, #tpu.memory_space<semaphore_mem>>, %arg21: memref<!tpu.dma_semaphore, #tpu.memory_space<semaphore_mem>>) attributes {dimension_semantics = [#tpu.dimension_semantics<core_parallel>, #tpu.dimension_semantics<subcore_parallel>], iteration_bounds = array<i64: 2, 16>, scalar_prefetch = 0 : i64, scratch_operands = 15 : i64, tpu.core_type = #tpu.core_type<sc_vector_subcore>, window_params = [{transform_indices = #map}, {transform_indices = #map1}, {transform_indices = #map1}, {transform_indices = #map}, {transform_indices = #map1}]} {
    %mul3A = arith.constant 2 : i32
    %mul3A_0 = arith.muli %arg1, %mul3A : i32
    %add3A = arith.addi %mul3A_0, %arg0 : i32
    %mul3A_1 = arith.constant 640 : i32
    %mul3A_2 = arith.muli %arg1, %mul3A_1 : i32
    %add3A_3 = arith.constant 0 : i32
    %add3A_4 = arith.addi %mul3A_2, %add3A_3 : i32
    "tpu.region"() ({
      %run_scoped3A = tpu.sem_alloc : memref<!tpu.dma_semaphore, #tpu.memory_space<semaphore_mem>>
      %dma_start3A = arith.constant 0 : i32
      %dma_start3A_28 = tpu.memref_slice %arg13[%add3A_4, %dma_start3A] : memref<10240x128xf32, #tpu.memory_space<vmem_shared>> -> memref<64x128xf32, #tpu.memory_space<vmem_shared>>
      tpu.enqueue_dma source(%arg5 : memref<64x128xf32, #tpu.memory_space<hbm>>) target(%dma_start3A_28 : memref<64x128xf32, #tpu.memory_space<vmem_shared>>) target_semaphore(%run_scoped3A : memref<!tpu.dma_semaphore, #tpu.memory_space<semaphore_mem>>)
      %dma_wait3A = arith.constant 0 : i32
      %dma_wait3A_29 = tpu.memref_slice %arg13[%add3A_4, %dma_wait3A] : memref<10240x128xf32, #tpu.memory_space<vmem_shared>> -> memref<64x128xf32, #tpu.memory_space<vmem_shared>>
      tpu.wait_dma2 semaphore(%run_scoped3A : memref<!tpu.dma_semaphore, #tpu.memory_space<semaphore_mem>>) src(%arg5 : memref<64x128xf32, #tpu.memory_space<hbm>>) dst(%dma_wait3A_29 : memref<64x128xf32, #tpu.memory_space<vmem_shared>>)
      tpu.yield
    }) : () -> ()
    %add3A_5 = arith.constant 64 : i32
    %add3A_6 = arith.addi %mul3A_2, %add3A_5 : i32
    "tpu.region"() ({
      %run_scoped3A = tpu.sem_alloc : memref<!tpu.dma_semaphore, #tpu.memory_space<semaphore_mem>>
      %dma_start3A = arith.constant 0 : i32
      %dma_start3A_28 = tpu.memref_slice %arg13[%add3A_6, %dma_start3A] : memref<10240x128xf32, #tpu.memory_space<vmem_shared>> -> memref<64x128xf32, #tpu.memory_space<vmem_shared>>
      tpu.enqueue_dma source(%arg5 : memref<64x128xf32, #tpu.memory_space<hbm>>) target(%dma_start3A_28 : memref<64x128xf32, #tpu.memory_space<vmem_shared>>) target_semaphore(%run_scoped3A : memref<!tpu.dma_semaphore, #tpu.memory_space<semaphore_mem>>)
      %dma_wait3A = arith.constant 0 : i32
      %dma_wait3A_29 = tpu.memref_slice %arg13[%add3A_6, %dma_wait3A] : memref<10240x128xf32, #tpu.memory_space<vmem_shared>> -> memref<64x128xf32, #tpu.memory_space<vmem_shared>>
      tpu.wait_dma2 semaphore(%run_scoped3A : memref<!tpu.dma_semaphore, #tpu.memory_space<semaphore_mem>>) src(%arg5 : memref<64x128xf32, #tpu.memory_space<hbm>>) dst(%dma_wait3A_29 : memref<64x128xf32, #tpu.memory_space<vmem_shared>>)
      tpu.yield
    }) : () -> ()
    %add3A_7 = arith.constant 128 : i32
    %add3A_8 = arith.addi %mul3A_2, %add3A_7 : i32
    "tpu.region"() ({
      %run_scoped3A = tpu.sem_alloc : memref<!tpu.dma_semaphore, #tpu.memory_space<semaphore_mem>>
      %dma_start3A = arith.constant 0 : i32
      %dma_start3A_28 = tpu.memref_slice %arg13[%add3A_8, %dma_start3A] : memref<10240x128xf32, #tpu.memory_space<vmem_shared>> -> memref<64x128xf32, #tpu.memory_space<vmem_shared>>
      tpu.enqueue_dma source(%arg5 : memref<64x128xf32, #tpu.memory_space<hbm>>) target(%dma_start3A_28 : memref<64x128xf32, #tpu.memory_space<vmem_shared>>) target_semaphore(%run_scoped3A : memref<!tpu.dma_semaphore, #tpu.memory_space<semaphore_mem>>)
      %dma_wait3A = arith.constant 0 : i32
      %dma_wait3A_29 = tpu.memref_slice %arg13[%add3A_8, %dma_wait3A] : memref<10240x128xf32, #tpu.memory_space<vmem_shared>> -> memref<64x128xf32, #tpu.memory_space<vmem_shared>>
      tpu.wait_dma2 semaphore(%run_scoped3A : memref<!tpu.dma_semaphore, #tpu.memory_space<semaphore_mem>>) src(%arg5 : memref<64x128xf32, #tpu.memory_space<hbm>>) dst(%dma_wait3A_29 : memref<64x128xf32, #tpu.memory_space<vmem_shared>>)
      tpu.yield
    }) : () -> ()
    %add3A_9 = arith.constant 192 : i32
    %add3A_10 = arith.addi %mul3A_2, %add3A_9 : i32
    "tpu.region"() ({
      %run_scoped3A = tpu.sem_alloc : memref<!tpu.dma_semaphore, #tpu.memory_space<semaphore_mem>>
      %dma_start3A = arith.constant 0 : i32
      %dma_start3A_28 = tpu.memref_slice %arg13[%add3A_10, %dma_start3A] : memref<10240x128xf32, #tpu.memory_space<vmem_shared>> -> memref<64x128xf32, #tpu.memory_space<vmem_shared>>
      tpu.enqueue_dma source(%arg5 : memref<64x128xf32, #tpu.memory_space<hbm>>) target(%dma_start3A_28 : memref<64x128xf32, #tpu.memory_space<vmem_shared>>) target_semaphore(%run_scoped3A : memref<!tpu.dma_semaphore, #tpu.memory_space<semaphore_mem>>)
      %dma_wait3A = arith.constant 0 : i32
      %dma_wait3A_29 = tpu.memref_slice %arg13[%add3A_10, %dma_wait3A] : memref<10240x128xf32, #tpu.memory_space<vmem_shared>> -> memref<64x128xf32, #tpu.memory_space<vmem_shared>>
      tpu.wait_dma2 semaphore(%run_scoped3A : memref<!tpu.dma_semaphore, #tpu.memory_space<semaphore_mem>>) src(%arg5 : memref<64x128xf32, #tpu.memory_space<hbm>>) dst(%dma_wait3A_29 : memref<64x128xf32, #tpu.memory_space<vmem_shared>>)
      tpu.yield
    }) : () -> ()
    %add3A_11 = arith.constant 256 : i32
    %add3A_12 = arith.addi %mul3A_2, %add3A_11 : i32
    "tpu.region"() ({
      %run_scoped3A = tpu.sem_alloc : memref<!tpu.dma_semaphore, #tpu.memory_space<semaphore_mem>>
      %dma_start3A = arith.constant 0 : i32
      %dma_start3A_28 = tpu.memref_slice %arg13[%add3A_12, %dma_start3A] : memref<10240x128xf32, #tpu.memory_space<vmem_shared>> -> memref<64x128xf32, #tpu.memory_space<vmem_shared>>
      tpu.enqueue_dma source(%arg5 : memref<64x128xf32, #tpu.memory_space<hbm>>) target(%dma_start3A_28 : memref<64x128xf32, #tpu.memory_space<vmem_shared>>) target_semaphore(%run_scoped3A : memref<!tpu.dma_semaphore, #tpu.memory_space<semaphore_mem>>)
      %dma_wait3A = arith.constant 0 : i32
      %dma_wait3A_29 = tpu.memref_slice %arg13[%add3A_12, %dma_wait3A] : memref<10240x128xf32, #tpu.memory_space<vmem_shared>> -> memref<64x128xf32, #tpu.memory_space<vmem_shared>>
      tpu.wait_dma2 semaphore(%run_scoped3A : memref<!tpu.dma_semaphore, #tpu.memory_space<semaphore_mem>>) src(%arg5 : memref<64x128xf32, #tpu.memory_space<hbm>>) dst(%dma_wait3A_29 : memref<64x128xf32, #tpu.memory_space<vmem_shared>>)
      tpu.yield
    }) : () -> ()
    %add3A_13 = arith.constant 320 : i32
    %add3A_14 = arith.addi %mul3A_2, %add3A_13 : i32
    "tpu.region"() ({
      %run_scoped3A = tpu.sem_alloc : memref<!tpu.dma_semaphore, #tpu.memory_space<semaphore_mem>>
      %dma_start3A = arith.constant 0 : i32
      %dma_start3A_28 = tpu.memref_slice %arg13[%add3A_14, %dma_start3A] : memref<10240x128xf32, #tpu.memory_space<vmem_shared>> -> memref<64x128xf32, #tpu.memory_space<vmem_shared>>
      tpu.enqueue_dma source(%arg5 : memref<64x128xf32, #tpu.memory_space<hbm>>) target(%dma_start3A_28 : memref<64x128xf32, #tpu.memory_space<vmem_shared>>) target_semaphore(%run_scoped3A : memref<!tpu.dma_semaphore, #tpu.memory_space<semaphore_mem>>)
      %dma_wait3A = arith.constant 0 : i32
      %dma_wait3A_29 = tpu.memref_slice %arg13[%add3A_14, %dma_wait3A] : memref<10240x128xf32, #tpu.memory_space<vmem_shared>> -> memref<64x128xf32, #tpu.memory_space<vmem_shared>>
      tpu.wait_dma2 semaphore(%run_scoped3A : memref<!tpu.dma_semaphore, #tpu.memory_space<semaphore_mem>>) src(%arg5 : memref<64x128xf32, #tpu.memory_space<hbm>>) dst(%dma_wait3A_29 : memref<64x128xf32, #tpu.memory_space<vmem_shared>>)
      tpu.yield
    }) : () -> ()
    %add3A_15 = arith.constant 384 : i32
    %add3A_16 = arith.addi %mul3A_2, %add3A_15 : i32
    "tpu.region"() ({
      %run_scoped3A = tpu.sem_alloc : memref<!tpu.dma_semaphore, #tpu.memory_space<semaphore_mem>>
      %dma_start3A = arith.constant 0 : i32
      %dma_start3A_28 = tpu.memref_slice %arg13[%add3A_16, %dma_start3A] : memref<10240x128xf32, #tpu.memory_space<vmem_shared>> -> memref<64x128xf32, #tpu.memory_space<vmem_shared>>
      tpu.enqueue_dma source(%arg5 : memref<64x128xf32, #tpu.memory_space<hbm>>) target(%dma_start3A_28 : memref<64x128xf32, #tpu.memory_space<vmem_shared>>) target_semaphore(%run_scoped3A : memref<!tpu.dma_semaphore, #tpu.memory_space<semaphore_mem>>)
      %dma_wait3A = arith.constant 0 : i32
      %dma_wait3A_29 = tpu.memref_slice %arg13[%add3A_16, %dma_wait3A] : memref<10240x128xf32, #tpu.memory_space<vmem_shared>> -> memref<64x128xf32, #tpu.memory_space<vmem_shared>>
      tpu.wait_dma2 semaphore(%run_scoped3A : memref<!tpu.dma_semaphore, #tpu.memory_space<semaphore_mem>>) src(%arg5 : memref<64x128xf32, #tpu.memory_space<hbm>>) dst(%dma_wait3A_29 : memref<64x128xf32, #tpu.memory_space<vmem_shared>>)
      tpu.yield
    }) : () -> ()
    %add3A_17 = arith.constant 448 : i32
    %add3A_18 = arith.addi %mul3A_2, %add3A_17 : i32
    "tpu.region"() ({
      %run_scoped3A = tpu.sem_alloc : memref<!tpu.dma_semaphore, #tpu.memory_space<semaphore_mem>>
      %dma_start3A = arith.constant 0 : i32
      %dma_start3A_28 = tpu.memref_slice %arg13[%add3A_18, %dma_start3A] : memref<10240x128xf32, #tpu.memory_space<vmem_shared>> -> memref<64x128xf32, #tpu.memory_space<vmem_shared>>
      tpu.enqueue_dma source(%arg5 : memref<64x128xf32, #tpu.memory_space<hbm>>) target(%dma_start3A_28 : memref<64x128xf32, #tpu.memory_space<vmem_shared>>) target_semaphore(%run_scoped3A : memref<!tpu.dma_semaphore, #tpu.memory_space<semaphore_mem>>)
      %dma_wait3A = arith.constant 0 : i32
      %dma_wait3A_29 = tpu.memref_slice %arg13[%add3A_18, %dma_wait3A] : memref<10240x128xf32, #tpu.memory_space<vmem_shared>> -> memref<64x128xf32, #tpu.memory_space<vmem_shared>>
      tpu.wait_dma2 semaphore(%run_scoped3A : memref<!tpu.dma_semaphore, #tpu.memory_space<semaphore_mem>>) src(%arg5 : memref<64x128xf32, #tpu.memory_space<hbm>>) dst(%dma_wait3A_29 : memref<64x128xf32, #tpu.memory_space<vmem_shared>>)
      tpu.yield
    }) : () -> ()
    %add3A_19 = arith.constant 512 : i32
    %add3A_20 = arith.addi %mul3A_2, %add3A_19 : i32
    "tpu.region"() ({
      %run_scoped3A = tpu.sem_alloc : memref<!tpu.dma_semaphore, #tpu.memory_space<semaphore_mem>>
      %dma_start3A = arith.constant 0 : i32
      %dma_start3A_28 = tpu.memref_slice %arg13[%add3A_20, %dma_start3A] : memref<10240x128xf32, #tpu.memory_space<vmem_shared>> -> memref<64x128xf32, #tpu.memory_space<vmem_shared>>
      tpu.enqueue_dma source(%arg5 : memref<64x128xf32, #tpu.memory_space<hbm>>) target(%dma_start3A_28 : memref<64x128xf32, #tpu.memory_space<vmem_shared>>) target_semaphore(%run_scoped3A : memref<!tpu.dma_semaphore, #tpu.memory_space<semaphore_mem>>)
      %dma_wait3A = arith.constant 0 : i32
      %dma_wait3A_29 = tpu.memref_slice %arg13[%add3A_20, %dma_wait3A] : memref<10240x128xf32, #tpu.memory_space<vmem_shared>> -> memref<64x128xf32, #tpu.memory_space<vmem_shared>>
      tpu.wait_dma2 semaphore(%run_scoped3A : memref<!tpu.dma_semaphore, #tpu.memory_space<semaphore_mem>>) src(%arg5 : memref<64x128xf32, #tpu.memory_space<hbm>>) dst(%dma_wait3A_29 : memref<64x128xf32, #tpu.memory_space<vmem_shared>>)
      tpu.yield
    }) : () -> ()
    %add3A_21 = arith.constant 576 : i32
    %add3A_22 = arith.addi %mul3A_2, %add3A_21 : i32
    "tpu.region"() ({
      %run_scoped3A = tpu.sem_alloc : memref<!tpu.dma_semaphore, #tpu.memory_space<semaphore_mem>>
      %dma_start3A = arith.constant 0 : i32
      %dma_start3A_28 = tpu.memref_slice %arg13[%add3A_22, %dma_start3A] : memref<10240x128xf32, #tpu.memory_space<vmem_shared>> -> memref<64x128xf32, #tpu.memory_space<vmem_shared>>
      tpu.enqueue_dma source(%arg5 : memref<64x128xf32, #tpu.memory_space<hbm>>) target(%dma_start3A_28 : memref<64x128xf32, #tpu.memory_space<vmem_shared>>) target_semaphore(%run_scoped3A : memref<!tpu.dma_semaphore, #tpu.memory_space<semaphore_mem>>)
      %dma_wait3A = arith.constant 0 : i32
      %dma_wait3A_29 = tpu.memref_slice %arg13[%add3A_22, %dma_wait3A] : memref<10240x128xf32, #tpu.memory_space<vmem_shared>> -> memref<64x128xf32, #tpu.memory_space<vmem_shared>>
      tpu.wait_dma2 semaphore(%run_scoped3A : memref<!tpu.dma_semaphore, #tpu.memory_space<semaphore_mem>>) src(%arg5 : memref<64x128xf32, #tpu.memory_space<hbm>>) dst(%dma_wait3A_29 : memref<64x128xf32, #tpu.memory_space<vmem_shared>>)
      tpu.yield
    }) : () -> ()
    %barrier3A = arith.constant 0 : index
    tpu.barrier barrier_id(%barrier3A)
    %scan3A = arith.constant 0 : i32
    %scan3A_23 = arith.constant 4 : i32
    %scan3A_24 = arith.addi %scan3A, %scan3A_23 : i32
    %scan3A_25 = arith.constant 1 : i32
    scf.for %scan3A_28 = %scan3A to %scan3A_24 step %scan3A_25  : i32 {
      %mul3A_29 = arith.constant 1 : i32
      %mul3A_30 = arith.muli %scan3A_28, %mul3A_29 : i32
      %add3A_31 = arith.constant 0 : i32
      %add3A_32 = arith.addi %add3A_31, %mul3A_30 : i32
      %mul3A_33 = arith.constant 40 : i32
      %mul3A_34 = arith.muli %add3A_32, %mul3A_33 : i32
      "tpu.region"() ({
        %run_scoped3A = tpu.sem_alloc : memref<!tpu.dma_semaphore, #tpu.memory_space<semaphore_mem>>
        %dma_start3A = arith.constant 0 : i32
        %dma_start3A_55 = tpu.memref_slice %arg3[%add3A, %mul3A_34, %dma_start3A] : memref<32x160x64xi32, #tpu.memory_space<hbm>> -> memref<1x40x64xi32, #tpu.memory_space<hbm>>
        %dma_start3A_56 = tpu.memref_squeeze %dma_start3A_55 : memref<1x40x64xi32, #tpu.memory_space<hbm>> -> memref<40x64xi32, #tpu.memory_space<hbm>>
        %dma_start3A_57 = arith.constant 0 : i32
        %dma_start3A_58 = tpu.memref_slice %arg3[%add3A, %mul3A_34, %dma_start3A_57] : memref<32x160x64xi32, #tpu.memory_space<hbm>> -> memref<1x40x64xi32, #tpu.memory_space<hbm>>
        %dma_start3A_59 = tpu.memref_squeeze %dma_start3A_58 : memref<1x40x64xi32, #tpu.memory_space<hbm>> -> memref<40x64xi32, #tpu.memory_space<hbm>>
        tpu.enqueue_dma source(%dma_start3A_59 : memref<40x64xi32, #tpu.memory_space<hbm>>) target(%arg7 : memref<40x64xi32, #tpu.memory_space<vmem>>) target_semaphore(%run_scoped3A : memref<!tpu.dma_semaphore, #tpu.memory_space<semaphore_mem>>)
        %dma_wait3A_60 = arith.constant 0 : i32
        %dma_wait3A_61 = tpu.memref_slice %arg3[%add3A, %mul3A_34, %dma_wait3A_60] : memref<32x160x64xi32, #tpu.memory_space<hbm>> -> memref<1x40x64xi32, #tpu.memory_space<hbm>>
        %dma_wait3A_62 = tpu.memref_squeeze %dma_wait3A_61 : memref<1x40x64xi32, #tpu.memory_space<hbm>> -> memref<40x64xi32, #tpu.memory_space<hbm>>
        %dma_wait3A_63 = arith.constant 0 : i32
        %dma_wait3A_64 = tpu.memref_slice %arg3[%add3A, %mul3A_34, %dma_wait3A_63] : memref<32x160x64xi32, #tpu.memory_space<hbm>> -> memref<1x40x64xi32, #tpu.memory_space<hbm>>
        %dma_wait3A_65 = tpu.memref_squeeze %dma_wait3A_64 : memref<1x40x64xi32, #tpu.memory_space<hbm>> -> memref<40x64xi32, #tpu.memory_space<hbm>>
        tpu.wait_dma2 semaphore(%run_scoped3A : memref<!tpu.dma_semaphore, #tpu.memory_space<semaphore_mem>>) src(%dma_wait3A_65 : memref<40x64xi32, #tpu.memory_space<hbm>>) dst(%arg7 : memref<40x64xi32, #tpu.memory_space<vmem>>)
        tpu.yield
      }) : () -> ()
      %mul3A_35 = arith.constant 40 : i32
      %mul3A_36 = arith.muli %add3A_32, %mul3A_35 : i32
      "tpu.region"() ({
        %run_scoped3A = tpu.sem_alloc : memref<!tpu.dma_semaphore, #tpu.memory_space<semaphore_mem>>
        %dma_start3A = arith.constant 0 : i32
        %dma_start3A_55 = tpu.memref_slice %arg4[%add3A, %mul3A_36, %dma_start3A] : memref<32x160x64xi32, #tpu.memory_space<hbm>> -> memref<1x40x64xi32, #tpu.memory_space<hbm>>
        %dma_start3A_56 = tpu.memref_squeeze %dma_start3A_55 : memref<1x40x64xi32, #tpu.memory_space<hbm>> -> memref<40x64xi32, #tpu.memory_space<hbm>>
        %dma_start3A_57 = arith.constant 0 : i32
        %dma_start3A_58 = tpu.memref_slice %arg4[%add3A, %mul3A_36, %dma_start3A_57] : memref<32x160x64xi32, #tpu.memory_space<hbm>> -> memref<1x40x64xi32, #tpu.memory_space<hbm>>
        %dma_start3A_59 = tpu.memref_squeeze %dma_start3A_58 : memref<1x40x64xi32, #tpu.memory_space<hbm>> -> memref<40x64xi32, #tpu.memory_space<hbm>>
        tpu.enqueue_dma source(%dma_start3A_59 : memref<40x64xi32, #tpu.memory_space<hbm>>) target(%arg8 : memref<40x64xi32, #tpu.memory_space<vmem>>) target_semaphore(%run_scoped3A : memref<!tpu.dma_semaphore, #tpu.memory_space<semaphore_mem>>)
        %dma_wait3A_60 = arith.constant 0 : i32
        %dma_wait3A_61 = tpu.memref_slice %arg4[%add3A, %mul3A_36, %dma_wait3A_60] : memref<32x160x64xi32, #tpu.memory_space<hbm>> -> memref<1x40x64xi32, #tpu.memory_space<hbm>>
        %dma_wait3A_62 = tpu.memref_squeeze %dma_wait3A_61 : memref<1x40x64xi32, #tpu.memory_space<hbm>> -> memref<40x64xi32, #tpu.memory_space<hbm>>
        %dma_wait3A_63 = arith.constant 0 : i32
        %dma_wait3A_64 = tpu.memref_slice %arg4[%add3A, %mul3A_36, %dma_wait3A_63] : memref<32x160x64xi32, #tpu.memory_space<hbm>> -> memref<1x40x64xi32, #tpu.memory_space<hbm>>
        %dma_wait3A_65 = tpu.memref_squeeze %dma_wait3A_64 : memref<1x40x64xi32, #tpu.memory_space<hbm>> -> memref<40x64xi32, #tpu.memory_space<hbm>>
        tpu.wait_dma2 semaphore(%run_scoped3A : memref<!tpu.dma_semaphore, #tpu.memory_space<semaphore_mem>>) src(%dma_wait3A_65 : memref<40x64xi32, #tpu.memory_space<hbm>>) dst(%arg8 : memref<40x64xi32, #tpu.memory_space<vmem>>)
        tpu.yield
      }) : () -> ()
      %scan3A_37 = arith.constant 0 : i32
      %scan3A_38 = arith.constant 10 : i32
      %scan3A_39 = arith.addi %scan3A_37, %scan3A_38 : i32
      %scan3A_40 = arith.constant 1 : i32
      scf.for %scan3A_55 = %scan3A_37 to %scan3A_39 step %scan3A_40  : i32 {
        %mul3A_56 = arith.constant 1 : i32
        %mul3A_57 = arith.muli %scan3A_55, %mul3A_56 : i32
        %add3A_58 = arith.constant 0 : i32
        %add3A_59 = arith.addi %add3A_58, %mul3A_57 : i32
        %mul3A_60 = arith.constant 2 : i32
        %mul3A_61 = arith.muli %add3A_59, %mul3A_60 : i32
        %mul3A_62 = arith.constant 2 : i32
        %mul3A_63 = arith.muli %mul3A_61, %mul3A_62 : i32
        %add3A_64 = arith.constant 0 : i32
        %add3A_65 = arith.addi %mul3A_63, %add3A_64 : i32
        %dma_start3A = arith.constant 0 : i32
        %dma_start3A_66 = tpu.memref_slice %arg7[%add3A_65, %dma_start3A] : memref<40x64xi32, #tpu.memory_space<vmem>> -> memref<1x64xi32, #tpu.memory_space<vmem>>
        %dma_start3A_67 = tpu.memref_squeeze %dma_start3A_66 : memref<1x64xi32, #tpu.memory_space<vmem>> -> memref<64xi32, #tpu.memory_space<vmem>>
        %dma_start3A_68 = arith.constant 0 : i32
        %dma_start3A_69 = arith.constant 0 : i32
        %dma_start3A_70 = tpu.memref_slice %arg2[%dma_start3A_68, %dma_start3A_69] : memref<10240x128xf32, #tpu.memory_space<hbm>> -> memref<10240x128xf32, #tpu.memory_space<hbm>>
        tpu.enqueue_indirect_dma source(%dma_start3A_70 : memref<10240x128xf32, #tpu.memory_space<hbm>>) target(%arg9 : memref<64x128xf32, #tpu.memory_space<vmem>>) offsets(%dma_start3A_67 : memref<64xi32, #tpu.memory_space<vmem>>) semaphore(%arg14 : memref<!tpu.dma_semaphore, #tpu.memory_space<semaphore_mem>>)
        %add3A_71 = arith.constant 1 : i32
        %add3A_72 = arith.addi %mul3A_63, %add3A_71 : i32
        %dma_start3A_73 = arith.constant 0 : i32
        %dma_start3A_74 = tpu.memref_slice %arg7[%add3A_72, %dma_start3A_73] : memref<40x64xi32, #tpu.memory_space<vmem>> -> memref<1x64xi32, #tpu.memory_space<vmem>>
        %dma_start3A_75 = tpu.memref_squeeze %dma_start3A_74 : memref<1x64xi32, #tpu.memory_space<vmem>> -> memref<64xi32, #tpu.memory_space<vmem>>
        %dma_start3A_76 = arith.constant 0 : i32
        %dma_start3A_77 = arith.constant 0 : i32
        %dma_start3A_78 = tpu.memref_slice %arg2[%dma_start3A_76, %dma_start3A_77] : memref<10240x128xf32, #tpu.memory_space<hbm>> -> memref<10240x128xf32, #tpu.memory_space<hbm>>
        tpu.enqueue_indirect_dma source(%dma_start3A_78 : memref<10240x128xf32, #tpu.memory_space<hbm>>) target(%arg10 : memref<64x128xf32, #tpu.memory_space<vmem>>) offsets(%dma_start3A_75 : memref<64xi32, #tpu.memory_space<vmem>>) semaphore(%arg15 : memref<!tpu.dma_semaphore, #tpu.memory_space<semaphore_mem>>)
        %gt3A = arith.constant 0 : i32
        %gt3A_79 = arith.cmpi sgt, %add3A_59, %gt3A : i32
        %convert_element_type3A = arith.extui %gt3A_79 : i1 to i32
        %cond3A = arith.constant 0 : i32
        %cond3A_80 = arith.cmpi ne, %convert_element_type3A, %cond3A : i32
        scf.if %cond3A_80 {
          %sub3A = arith.constant 2 : i32
          %sub3A_183 = arith.subi %mul3A_63, %sub3A : i32
          %add3A_184 = arith.constant 0 : i32
          %add3A_185 = arith.addi %sub3A_183, %add3A_184 : i32
          %dma_wait3A_186 = arith.constant 0 : i32
          %dma_wait3A_187 = tpu.memref_slice %arg8[%add3A_185, %dma_wait3A_186] : memref<40x64xi32, #tpu.memory_space<vmem>> -> memref<1x64xi32, #tpu.memory_space<vmem>>
          %dma_wait3A_188 = tpu.memref_squeeze %dma_wait3A_187 : memref<1x64xi32, #tpu.memory_space<vmem>> -> memref<64xi32, #tpu.memory_space<vmem>>
          %dma_wait3A_189 = arith.constant 0 : i32
          %dma_wait3A_190 = arith.constant 0 : i32
          %dma_wait3A_191 = tpu.memref_slice %arg13[%dma_wait3A_189, %dma_wait3A_190] : memref<10240x128xf32, #tpu.memory_space<vmem_shared>> -> memref<10240x128xf32, #tpu.memory_space<vmem_shared>>
          tpu.wait_indirect_dma semaphore(%arg20 : memref<!tpu.dma_semaphore, #tpu.memory_space<semaphore_mem>>) src(%arg11 : memref<64x128xf32, #tpu.memory_space<vmem>>) dst(%dma_wait3A_191 : memref<10240x128xf32, #tpu.memory_space<vmem_shared>>)
          %add3A_192 = arith.constant 1 : i32
          %add3A_193 = arith.addi %sub3A_183, %add3A_192 : i32
          %dma_wait3A_194 = arith.constant 0 : i32
          %dma_wait3A_195 = tpu.memref_slice %arg8[%add3A_193, %dma_wait3A_194] : memref<40x64xi32, #tpu.memory_space<vmem>> -> memref<1x64xi32, #tpu.memory_space<vmem>>
          %dma_wait3A_196 = tpu.memref_squeeze %dma_wait3A_195 : memref<1x64xi32, #tpu.memory_space<vmem>> -> memref<64xi32, #tpu.memory_space<vmem>>
          %dma_wait3A_197 = arith.constant 0 : i32
          %dma_wait3A_198 = arith.constant 0 : i32
          %dma_wait3A_199 = tpu.memref_slice %arg13[%dma_wait3A_197, %dma_wait3A_198] : memref<10240x128xf32, #tpu.memory_space<vmem_shared>> -> memref<10240x128xf32, #tpu.memory_space<vmem_shared>>
          tpu.wait_indirect_dma semaphore(%arg21 : memref<!tpu.dma_semaphore, #tpu.memory_space<semaphore_mem>>) src(%arg12 : memref<64x128xf32, #tpu.memory_space<vmem>>) dst(%dma_wait3A_199 : memref<10240x128xf32, #tpu.memory_space<vmem_shared>>)
        } else {
        }
        %add3A_81 = arith.constant 0 : i32
        %add3A_82 = arith.addi %mul3A_63, %add3A_81 : i32
        %dma_wait3A_83 = arith.constant 0 : i32
        %dma_wait3A_84 = tpu.memref_slice %arg7[%add3A_82, %dma_wait3A_83] : memref<40x64xi32, #tpu.memory_space<vmem>> -> memref<1x64xi32, #tpu.memory_space<vmem>>
        %dma_wait3A_85 = tpu.memref_squeeze %dma_wait3A_84 : memref<1x64xi32, #tpu.memory_space<vmem>> -> memref<64xi32, #tpu.memory_space<vmem>>
        %dma_wait3A_86 = arith.constant 0 : i32
        %dma_wait3A_87 = arith.constant 0 : i32
        %dma_wait3A_88 = tpu.memref_slice %arg2[%dma_wait3A_86, %dma_wait3A_87] : memref<10240x128xf32, #tpu.memory_space<hbm>> -> memref<10240x128xf32, #tpu.memory_space<hbm>>
        tpu.wait_indirect_dma semaphore(%arg14 : memref<!tpu.dma_semaphore, #tpu.memory_space<semaphore_mem>>) src(%dma_wait3A_88 : memref<10240x128xf32, #tpu.memory_space<hbm>>) dst(%arg9 : memref<64x128xf32, #tpu.memory_space<vmem>>)
        %add3A_89 = arith.constant 1 : i32
        %add3A_90 = arith.addi %mul3A_63, %add3A_89 : i32
        %dma_wait3A_91 = arith.constant 0 : i32
        %dma_wait3A_92 = tpu.memref_slice %arg7[%add3A_90, %dma_wait3A_91] : memref<40x64xi32, #tpu.memory_space<vmem>> -> memref<1x64xi32, #tpu.memory_space<vmem>>
        %dma_wait3A_93 = tpu.memref_squeeze %dma_wait3A_92 : memref<1x64xi32, #tpu.memory_space<vmem>> -> memref<64xi32, #tpu.memory_space<vmem>>
        %dma_wait3A_94 = arith.constant 0 : i32
        %dma_wait3A_95 = arith.constant 0 : i32
        %dma_wait3A_96 = tpu.memref_slice %arg2[%dma_wait3A_94, %dma_wait3A_95] : memref<10240x128xf32, #tpu.memory_space<hbm>> -> memref<10240x128xf32, #tpu.memory_space<hbm>>
        tpu.wait_indirect_dma semaphore(%arg15 : memref<!tpu.dma_semaphore, #tpu.memory_space<semaphore_mem>>) src(%dma_wait3A_96 : memref<10240x128xf32, #tpu.memory_space<hbm>>) dst(%arg10 : memref<64x128xf32, #tpu.memory_space<vmem>>)
        %add3A_97 = arith.constant 0 : i32
        %add3A_98 = arith.addi %mul3A_63, %add3A_97 : i32
        %dma_start3A_99 = arith.constant 0 : i32
        %dma_start3A_100 = tpu.memref_slice %arg8[%add3A_98, %dma_start3A_99] : memref<40x64xi32, #tpu.memory_space<vmem>> -> memref<1x64xi32, #tpu.memory_space<vmem>>
        %dma_start3A_101 = tpu.memref_squeeze %dma_start3A_100 : memref<1x64xi32, #tpu.memory_space<vmem>> -> memref<64xi32, #tpu.memory_space<vmem>>
        %dma_start3A_102 = arith.constant 0 : i32
        %dma_start3A_103 = arith.constant 0 : i32
        %dma_start3A_104 = tpu.memref_slice %arg13[%dma_start3A_102, %dma_start3A_103] : memref<10240x128xf32, #tpu.memory_space<vmem_shared>> -> memref<10240x128xf32, #tpu.memory_space<vmem_shared>>
        tpu.enqueue_indirect_dma source(%arg9 : memref<64x128xf32, #tpu.memory_space<vmem>>) target(%dma_start3A_104 : memref<10240x128xf32, #tpu.memory_space<vmem_shared>>) offsets(%dma_start3A_101 : memref<64xi32, #tpu.memory_space<vmem>>) semaphore(%arg18 : memref<!tpu.dma_semaphore, #tpu.memory_space<semaphore_mem>>) {add = true}
        %add3A_105 = arith.constant 1 : i32
        %add3A_106 = arith.addi %mul3A_63, %add3A_105 : i32
        %dma_start3A_107 = arith.constant 0 : i32
        %dma_start3A_108 = tpu.memref_slice %arg8[%add3A_106, %dma_start3A_107] : memref<40x64xi32, #tpu.memory_space<vmem>> -> memref<1x64xi32, #tpu.memory_space<vmem>>
        %dma_start3A_109 = tpu.memref_squeeze %dma_start3A_108 : memref<1x64xi32, #tpu.memory_space<vmem>> -> memref<64xi32, #tpu.memory_space<vmem>>
        %dma_start3A_110 = arith.constant 0 : i32
        %dma_start3A_111 = arith.constant 0 : i32
        %dma_start3A_112 = tpu.memref_slice %arg13[%dma_start3A_110, %dma_start3A_111] : memref<10240x128xf32, #tpu.memory_space<vmem_shared>> -> memref<10240x128xf32, #tpu.memory_space<vmem_shared>>
        tpu.enqueue_indirect_dma source(%arg10 : memref<64x128xf32, #tpu.memory_space<vmem>>) target(%dma_start3A_112 : memref<10240x128xf32, #tpu.memory_space<vmem_shared>>) offsets(%dma_start3A_109 : memref<64xi32, #tpu.memory_space<vmem>>) semaphore(%arg19 : memref<!tpu.dma_semaphore, #tpu.memory_space<semaphore_mem>>) {add = true}
        %add3A_113 = arith.constant 2 : i32
        %add3A_114 = arith.addi %mul3A_63, %add3A_113 : i32
        %add3A_115 = arith.constant 0 : i32
        %add3A_116 = arith.addi %add3A_114, %add3A_115 : i32
        %dma_start3A_117 = arith.constant 0 : i32
        %dma_start3A_118 = tpu.memref_slice %arg7[%add3A_116, %dma_start3A_117] : memref<40x64xi32, #tpu.memory_space<vmem>> -> memref<1x64xi32, #tpu.memory_space<vmem>>
        %dma_start3A_119 = tpu.memref_squeeze %dma_start3A_118 : memref<1x64xi32, #tpu.memory_space<vmem>> -> memref<64xi32, #tpu.memory_space<vmem>>
        %dma_start3A_120 = arith.constant 0 : i32
        %dma_start3A_121 = arith.constant 0 : i32
        %dma_start3A_122 = tpu.memref_slice %arg2[%dma_start3A_120, %dma_start3A_121] : memref<10240x128xf32, #tpu.memory_space<hbm>> -> memref<10240x128xf32, #tpu.memory_space<hbm>>
        tpu.enqueue_indirect_dma source(%dma_start3A_122 : memref<10240x128xf32, #tpu.memory_space<hbm>>) target(%arg11 : memref<64x128xf32, #tpu.memory_space<vmem>>) offsets(%dma_start3A_119 : memref<64xi32, #tpu.memory_space<vmem>>) semaphore(%arg16 : memref<!tpu.dma_semaphore, #tpu.memory_space<semaphore_mem>>)
        %add3A_123 = arith.constant 1 : i32
        %add3A_124 = arith.addi %add3A_114, %add3A_123 : i32
        %dma_start3A_125 = arith.constant 0 : i32
        %dma_start3A_126 = tpu.memref_slice %arg7[%add3A_124, %dma_start3A_125] : memref<40x64xi32, #tpu.memory_space<vmem>> -> memref<1x64xi32, #tpu.memory_space<vmem>>
        %dma_start3A_127 = tpu.memref_squeeze %dma_start3A_126 : memref<1x64xi32, #tpu.memory_space<vmem>> -> memref<64xi32, #tpu.memory_space<vmem>>
        %dma_start3A_128 = arith.constant 0 : i32
        %dma_start3A_129 = arith.constant 0 : i32
        %dma_start3A_130 = tpu.memref_slice %arg2[%dma_start3A_128, %dma_start3A_129] : memref<10240x128xf32, #tpu.memory_space<hbm>> -> memref<10240x128xf32, #tpu.memory_space<hbm>>
        tpu.enqueue_indirect_dma source(%dma_start3A_130 : memref<10240x128xf32, #tpu.memory_space<hbm>>) target(%arg12 : memref<64x128xf32, #tpu.memory_space<vmem>>) offsets(%dma_start3A_127 : memref<64xi32, #tpu.memory_space<vmem>>) semaphore(%arg17 : memref<!tpu.dma_semaphore, #tpu.memory_space<semaphore_mem>>)
        %add3A_131 = arith.constant 0 : i32
        %add3A_132 = arith.addi %mul3A_63, %add3A_131 : i32
        %dma_wait3A_133 = arith.constant 0 : i32
        %dma_wait3A_134 = tpu.memref_slice %arg8[%add3A_132, %dma_wait3A_133] : memref<40x64xi32, #tpu.memory_space<vmem>> -> memref<1x64xi32, #tpu.memory_space<vmem>>
        %dma_wait3A_135 = tpu.memref_squeeze %dma_wait3A_134 : memref<1x64xi32, #tpu.memory_space<vmem>> -> memref<64xi32, #tpu.memory_space<vmem>>
        %dma_wait3A_136 = arith.constant 0 : i32
        %dma_wait3A_137 = arith.constant 0 : i32
        %dma_wait3A_138 = tpu.memref_slice %arg13[%dma_wait3A_136, %dma_wait3A_137] : memref<10240x128xf32, #tpu.memory_space<vmem_shared>> -> memref<10240x128xf32, #tpu.memory_space<vmem_shared>>
        tpu.wait_indirect_dma semaphore(%arg18 : memref<!tpu.dma_semaphore, #tpu.memory_space<semaphore_mem>>) src(%arg9 : memref<64x128xf32, #tpu.memory_space<vmem>>) dst(%dma_wait3A_138 : memref<10240x128xf32, #tpu.memory_space<vmem_shared>>)
        %add3A_139 = arith.constant 1 : i32
        %add3A_140 = arith.addi %mul3A_63, %add3A_139 : i32
        %dma_wait3A_141 = arith.constant 0 : i32
        %dma_wait3A_142 = tpu.memref_slice %arg8[%add3A_140, %dma_wait3A_141] : memref<40x64xi32, #tpu.memory_space<vmem>> -> memref<1x64xi32, #tpu.memory_space<vmem>>
        %dma_wait3A_143 = tpu.memref_squeeze %dma_wait3A_142 : memref<1x64xi32, #tpu.memory_space<vmem>> -> memref<64xi32, #tpu.memory_space<vmem>>
        %dma_wait3A_144 = arith.constant 0 : i32
        %dma_wait3A_145 = arith.constant 0 : i32
        %dma_wait3A_146 = tpu.memref_slice %arg13[%dma_wait3A_144, %dma_wait3A_145] : memref<10240x128xf32, #tpu.memory_space<vmem_shared>> -> memref<10240x128xf32, #tpu.memory_space<vmem_shared>>
        tpu.wait_indirect_dma semaphore(%arg19 : memref<!tpu.dma_semaphore, #tpu.memory_space<semaphore_mem>>) src(%arg10 : memref<64x128xf32, #tpu.memory_space<vmem>>) dst(%dma_wait3A_146 : memref<10240x128xf32, #tpu.memory_space<vmem_shared>>)
        %add3A_147 = arith.constant 2 : i32
        %add3A_148 = arith.addi %mul3A_63, %add3A_147 : i32
        %add3A_149 = arith.constant 0 : i32
        %add3A_150 = arith.addi %add3A_148, %add3A_149 : i32
        %dma_wait3A_151 = arith.constant 0 : i32
        %dma_wait3A_152 = tpu.memref_slice %arg7[%add3A_150, %dma_wait3A_151] : memref<40x64xi32, #tpu.memory_space<vmem>> -> memref<1x64xi32, #tpu.memory_space<vmem>>
        %dma_wait3A_153 = tpu.memref_squeeze %dma_wait3A_152 : memref<1x64xi32, #tpu.memory_space<vmem>> -> memref<64xi32, #tpu.memory_space<vmem>>
        %dma_wait3A_154 = arith.constant 0 : i32
        %dma_wait3A_155 = arith.constant 0 : i32
        %dma_wait3A_156 = tpu.memref_slice %arg2[%dma_wait3A_154, %dma_wait3A_155] : memref<10240x128xf32, #tpu.memory_space<hbm>> -> memref<10240x128xf32, #tpu.memory_space<hbm>>
        tpu.wait_indirect_dma semaphore(%arg16 : memref<!tpu.dma_semaphore, #tpu.memory_space<semaphore_mem>>) src(%dma_wait3A_156 : memref<10240x128xf32, #tpu.memory_space<hbm>>) dst(%arg11 : memref<64x128xf32, #tpu.memory_space<vmem>>)
        %add3A_157 = arith.constant 1 : i32
        %add3A_158 = arith.addi %add3A_148, %add3A_157 : i32
        %dma_wait3A_159 = arith.constant 0 : i32
        %dma_wait3A_160 = tpu.memref_slice %arg7[%add3A_158, %dma_wait3A_159] : memref<40x64xi32, #tpu.memory_space<vmem>> -> memref<1x64xi32, #tpu.memory_space<vmem>>
        %dma_wait3A_161 = tpu.memref_squeeze %dma_wait3A_160 : memref<1x64xi32, #tpu.memory_space<vmem>> -> memref<64xi32, #tpu.memory_space<vmem>>
        %dma_wait3A_162 = arith.constant 0 : i32
        %dma_wait3A_163 = arith.constant 0 : i32
        %dma_wait3A_164 = tpu.memref_slice %arg2[%dma_wait3A_162, %dma_wait3A_163] : memref<10240x128xf32, #tpu.memory_space<hbm>> -> memref<10240x128xf32, #tpu.memory_space<hbm>>
        tpu.wait_indirect_dma semaphore(%arg17 : memref<!tpu.dma_semaphore, #tpu.memory_space<semaphore_mem>>) src(%dma_wait3A_164 : memref<10240x128xf32, #tpu.memory_space<hbm>>) dst(%arg12 : memref<64x128xf32, #tpu.memory_space<vmem>>)
        %add3A_165 = arith.constant 2 : i32
        %add3A_166 = arith.addi %mul3A_63, %add3A_165 : i32
        %add3A_167 = arith.constant 0 : i32
        %add3A_168 = arith.addi %add3A_166, %add3A_167 : i32
        %dma_start3A_169 = arith.constant 0 : i32
        %dma_start3A_170 = tpu.memref_slice %arg8[%add3A_168, %dma_start3A_169] : memref<40x64xi32, #tpu.memory_space<vmem>> -> memref<1x64xi32, #tpu.memory_space<vmem>>
        %dma_start3A_171 = tpu.memref_squeeze %dma_start3A_170 : memref<1x64xi32, #tpu.memory_space<vmem>> -> memref<64xi32, #tpu.memory_space<vmem>>
        %dma_start3A_172 = arith.constant 0 : i32
        %dma_start3A_173 = arith.constant 0 : i32
        %dma_start3A_174 = tpu.memref_slice %arg13[%dma_start3A_172, %dma_start3A_173] : memref<10240x128xf32, #tpu.memory_space<vmem_shared>> -> memref<10240x128xf32, #tpu.memory_space<vmem_shared>>
        tpu.enqueue_indirect_dma source(%arg11 : memref<64x128xf32, #tpu.memory_space<vmem>>) target(%dma_start3A_174 : memref<10240x128xf32, #tpu.memory_space<vmem_shared>>) offsets(%dma_start3A_171 : memref<64xi32, #tpu.memory_space<vmem>>) semaphore(%arg20 : memref<!tpu.dma_semaphore, #tpu.memory_space<semaphore_mem>>) {add = true}
        %add3A_175 = arith.constant 1 : i32
        %add3A_176 = arith.addi %add3A_166, %add3A_175 : i32
        %dma_start3A_177 = arith.constant 0 : i32
        %dma_start3A_178 = tpu.memref_slice %arg8[%add3A_176, %dma_start3A_177] : memref<40x64xi32, #tpu.memory_space<vmem>> -> memref<1x64xi32, #tpu.memory_space<vmem>>
        %dma_start3A_179 = tpu.memref_squeeze %dma_start3A_178 : memref<1x64xi32, #tpu.memory_space<vmem>> -> memref<64xi32, #tpu.memory_space<vmem>>
        %dma_start3A_180 = arith.constant 0 : i32
        %dma_start3A_181 = arith.constant 0 : i32
        %dma_start3A_182 = tpu.memref_slice %arg13[%dma_start3A_180, %dma_start3A_181] : memref<10240x128xf32, #tpu.memory_space<vmem_shared>> -> memref<10240x128xf32, #tpu.memory_space<vmem_shared>>
        tpu.enqueue_indirect_dma source(%arg12 : memref<64x128xf32, #tpu.memory_space<vmem>>) target(%dma_start3A_182 : memref<10240x128xf32, #tpu.memory_space<vmem_shared>>) offsets(%dma_start3A_179 : memref<64xi32, #tpu.memory_space<vmem>>) semaphore(%arg21 : memref<!tpu.dma_semaphore, #tpu.memory_space<semaphore_mem>>) {add = true}
      }
      %scan3A_41 = arith.constant 10 : i32
      %dma_wait3A = arith.constant 38 : i32
      %dma_wait3A_42 = arith.constant 0 : i32
      %dma_wait3A_43 = tpu.memref_slice %arg8[%dma_wait3A, %dma_wait3A_42] : memref<40x64xi32, #tpu.memory_space<vmem>> -> memref<1x64xi32, #tpu.memory_space<vmem>>
      %dma_wait3A_44 = tpu.memref_squeeze %dma_wait3A_43 : memref<1x64xi32, #tpu.memory_space<vmem>> -> memref<64xi32, #tpu.memory_space<vmem>>
      %dma_wait3A_45 = arith.constant 0 : i32
      %dma_wait3A_46 = arith.constant 0 : i32
      %dma_wait3A_47 = tpu.memref_slice %arg13[%dma_wait3A_45, %dma_wait3A_46] : memref<10240x128xf32, #tpu.memory_space<vmem_shared>> -> memref<10240x128xf32, #tpu.memory_space<vmem_shared>>
      tpu.wait_indirect_dma semaphore(%arg20 : memref<!tpu.dma_semaphore, #tpu.memory_space<semaphore_mem>>) src(%arg11 : memref<64x128xf32, #tpu.memory_space<vmem>>) dst(%dma_wait3A_47 : memref<10240x128xf32, #tpu.memory_space<vmem_shared>>)
      %dma_wait3A_48 = arith.constant 39 : i32
      %dma_wait3A_49 = arith.constant 0 : i32
      %dma_wait3A_50 = tpu.memref_slice %arg8[%dma_wait3A_48, %dma_wait3A_49] : memref<40x64xi32, #tpu.memory_space<vmem>> -> memref<1x64xi32, #tpu.memory_space<vmem>>
      %dma_wait3A_51 = tpu.memref_squeeze %dma_wait3A_50 : memref<1x64xi32, #tpu.memory_space<vmem>> -> memref<64xi32, #tpu.memory_space<vmem>>
      %dma_wait3A_52 = arith.constant 0 : i32
      %dma_wait3A_53 = arith.constant 0 : i32
      %dma_wait3A_54 = tpu.memref_slice %arg13[%dma_wait3A_52, %dma_wait3A_53] : memref<10240x128xf32, #tpu.memory_space<vmem_shared>> -> memref<10240x128xf32, #tpu.memory_space<vmem_shared>>
      tpu.wait_indirect_dma semaphore(%arg21 : memref<!tpu.dma_semaphore, #tpu.memory_space<semaphore_mem>>) src(%arg12 : memref<64x128xf32, #tpu.memory_space<vmem>>) dst(%dma_wait3A_54 : memref<10240x128xf32, #tpu.memory_space<vmem_shared>>)
    }
    %scan3A_26 = arith.constant 4 : i32
    %barrier3A_27 = arith.constant 0 : index
    tpu.barrier barrier_id(%barrier3A_27)
    "tpu.region"() ({
      %run_scoped3A = tpu.sem_alloc : memref<!tpu.dma_semaphore, #tpu.memory_space<semaphore_mem>>
      %dma_start3A = arith.constant 0 : i32
      %dma_start3A_28 = tpu.memref_slice %arg6[%arg0, %mul3A_2, %dma_start3A] : memref<2x10240x128xf32, #tpu.memory_space<hbm>> -> memref<1x640x128xf32, #tpu.memory_space<hbm>>
      %dma_start3A_29 = tpu.memref_squeeze %dma_start3A_28 : memref<1x640x128xf32, #tpu.memory_space<hbm>> -> memref<640x128xf32, #tpu.memory_space<hbm>>
      %dma_start3A_30 = arith.constant 0 : i32
      %dma_start3A_31 = tpu.memref_slice %arg13[%mul3A_2, %dma_start3A_30] : memref<10240x128xf32, #tpu.memory_space<vmem_shared>> -> memref<640x128xf32, #tpu.memory_space<vmem_shared>>
      tpu.enqueue_dma source(%dma_start3A_31 : memref<640x128xf32, #tpu.memory_space<vmem_shared>>) target(%dma_start3A_29 : memref<640x128xf32, #tpu.memory_space<hbm>>) target_semaphore(%run_scoped3A : memref<!tpu.dma_semaphore, #tpu.memory_space<semaphore_mem>>)
      %dma_wait3A = arith.constant 0 : i32
      %dma_wait3A_32 = tpu.memref_slice %arg6[%arg0, %mul3A_2, %dma_wait3A] : memref<2x10240x128xf32, #tpu.memory_space<hbm>> -> memref<1x640x128xf32, #tpu.memory_space<hbm>>
      %dma_wait3A_33 = tpu.memref_squeeze %dma_wait3A_32 : memref<1x640x128xf32, #tpu.memory_space<hbm>> -> memref<640x128xf32, #tpu.memory_space<hbm>>
      %dma_wait3A_34 = arith.constant 0 : i32
      %dma_wait3A_35 = tpu.memref_slice %arg13[%mul3A_2, %dma_wait3A_34] : memref<10240x128xf32, #tpu.memory_space<vmem_shared>> -> memref<640x128xf32, #tpu.memory_space<vmem_shared>>
      tpu.wait_dma2 semaphore(%run_scoped3A : memref<!tpu.dma_semaphore, #tpu.memory_space<semaphore_mem>>) src(%dma_wait3A_35 : memref<640x128xf32, #tpu.memory_space<vmem_shared>>) dst(%dma_wait3A_33 : memref<640x128xf32, #tpu.memory_space<hbm>>)
      tpu.yield
    }) : () -> ()
    return
  }
}

#map = affine_map<(d0, d1) -> (0, 0, 0)>
#map1 = affine_map<(d0, d1) -> (0, 0)>
module attributes {stable_mosaic.version = 14 : i64} {
  func.func @body(%arg0: i32, %arg1: i32, %arg2: memref<32x160x64xi32, #tpu.memory_space<hbm>>, %arg3: memref<64x128xf32, #tpu.memory_space<hbm>>, %arg4: memref<64x128xf32, #tpu.memory_space<hbm>>, %arg5: memref<2x10240x128xf32, #tpu.memory_space<hbm>>, %arg6: memref<40x64xi32, #tpu.memory_space<vmem>>, %arg7: memref<64x128xf32, #tpu.memory_space<vmem>>, %arg8: memref<10240x128xf32, #tpu.memory_space<vmem_shared>>, %arg9: memref<!tpu.dma_semaphore, #tpu.memory_space<semaphore_mem>>, %arg10: memref<!tpu.dma_semaphore, #tpu.memory_space<semaphore_mem>>) attributes {dimension_semantics = [#tpu.dimension_semantics<core_parallel>, #tpu.dimension_semantics<subcore_parallel>], iteration_bounds = array<i64: 2, 16>, scalar_prefetch = 0 : i64, scratch_operands = 5 : i64, tpu.core_type = #tpu.core_type<sc_vector_subcore>, window_params = [{transform_indices = #map}, {transform_indices = #map1}, {transform_indices = #map1}, {transform_indices = #map}]} {
    %mul3A = arith.constant 2 : i32
    %mul3A_0 = arith.muli %arg1, %mul3A : i32
    %add3A = arith.addi %mul3A_0, %arg0 : i32
    %mul3A_1 = arith.constant 640 : i32
    %mul3A_2 = arith.muli %arg1, %mul3A_1 : i32
    %add3A_3 = arith.constant 0 : i32
    %add3A_4 = arith.addi %mul3A_2, %add3A_3 : i32
    "tpu.region"() ({
      %run_scoped3A = tpu.sem_alloc : memref<!tpu.dma_semaphore, #tpu.memory_space<semaphore_mem>>
      %dma_start3A = arith.constant 0 : i32
      %dma_start3A_28 = tpu.memref_slice %arg8[%add3A_4, %dma_start3A] : memref<10240x128xf32, #tpu.memory_space<vmem_shared>> -> memref<64x128xf32, #tpu.memory_space<vmem_shared>>
      tpu.enqueue_dma source(%arg4 : memref<64x128xf32, #tpu.memory_space<hbm>>) target(%dma_start3A_28 : memref<64x128xf32, #tpu.memory_space<vmem_shared>>) target_semaphore(%run_scoped3A : memref<!tpu.dma_semaphore, #tpu.memory_space<semaphore_mem>>)
      %dma_wait3A = arith.constant 0 : i32
      %dma_wait3A_29 = tpu.memref_slice %arg8[%add3A_4, %dma_wait3A] : memref<10240x128xf32, #tpu.memory_space<vmem_shared>> -> memref<64x128xf32, #tpu.memory_space<vmem_shared>>
      tpu.wait_dma2 semaphore(%run_scoped3A : memref<!tpu.dma_semaphore, #tpu.memory_space<semaphore_mem>>) src(%arg4 : memref<64x128xf32, #tpu.memory_space<hbm>>) dst(%dma_wait3A_29 : memref<64x128xf32, #tpu.memory_space<vmem_shared>>)
      tpu.yield
    }) : () -> ()
    %add3A_5 = arith.constant 64 : i32
    %add3A_6 = arith.addi %mul3A_2, %add3A_5 : i32
    "tpu.region"() ({
      %run_scoped3A = tpu.sem_alloc : memref<!tpu.dma_semaphore, #tpu.memory_space<semaphore_mem>>
      %dma_start3A = arith.constant 0 : i32
      %dma_start3A_28 = tpu.memref_slice %arg8[%add3A_6, %dma_start3A] : memref<10240x128xf32, #tpu.memory_space<vmem_shared>> -> memref<64x128xf32, #tpu.memory_space<vmem_shared>>
      tpu.enqueue_dma source(%arg4 : memref<64x128xf32, #tpu.memory_space<hbm>>) target(%dma_start3A_28 : memref<64x128xf32, #tpu.memory_space<vmem_shared>>) target_semaphore(%run_scoped3A : memref<!tpu.dma_semaphore, #tpu.memory_space<semaphore_mem>>)
      %dma_wait3A = arith.constant 0 : i32
      %dma_wait3A_29 = tpu.memref_slice %arg8[%add3A_6, %dma_wait3A] : memref<10240x128xf32, #tpu.memory_space<vmem_shared>> -> memref<64x128xf32, #tpu.memory_space<vmem_shared>>
      tpu.wait_dma2 semaphore(%run_scoped3A : memref<!tpu.dma_semaphore, #tpu.memory_space<semaphore_mem>>) src(%arg4 : memref<64x128xf32, #tpu.memory_space<hbm>>) dst(%dma_wait3A_29 : memref<64x128xf32, #tpu.memory_space<vmem_shared>>)
      tpu.yield
    }) : () -> ()
    %add3A_7 = arith.constant 128 : i32
    %add3A_8 = arith.addi %mul3A_2, %add3A_7 : i32
    "tpu.region"() ({
      %run_scoped3A = tpu.sem_alloc : memref<!tpu.dma_semaphore, #tpu.memory_space<semaphore_mem>>
      %dma_start3A = arith.constant 0 : i32
      %dma_start3A_28 = tpu.memref_slice %arg8[%add3A_8, %dma_start3A] : memref<10240x128xf32, #tpu.memory_space<vmem_shared>> -> memref<64x128xf32, #tpu.memory_space<vmem_shared>>
      tpu.enqueue_dma source(%arg4 : memref<64x128xf32, #tpu.memory_space<hbm>>) target(%dma_start3A_28 : memref<64x128xf32, #tpu.memory_space<vmem_shared>>) target_semaphore(%run_scoped3A : memref<!tpu.dma_semaphore, #tpu.memory_space<semaphore_mem>>)
      %dma_wait3A = arith.constant 0 : i32
      %dma_wait3A_29 = tpu.memref_slice %arg8[%add3A_8, %dma_wait3A] : memref<10240x128xf32, #tpu.memory_space<vmem_shared>> -> memref<64x128xf32, #tpu.memory_space<vmem_shared>>
      tpu.wait_dma2 semaphore(%run_scoped3A : memref<!tpu.dma_semaphore, #tpu.memory_space<semaphore_mem>>) src(%arg4 : memref<64x128xf32, #tpu.memory_space<hbm>>) dst(%dma_wait3A_29 : memref<64x128xf32, #tpu.memory_space<vmem_shared>>)
      tpu.yield
    }) : () -> ()
    %add3A_9 = arith.constant 192 : i32
    %add3A_10 = arith.addi %mul3A_2, %add3A_9 : i32
    "tpu.region"() ({
      %run_scoped3A = tpu.sem_alloc : memref<!tpu.dma_semaphore, #tpu.memory_space<semaphore_mem>>
      %dma_start3A = arith.constant 0 : i32
      %dma_start3A_28 = tpu.memref_slice %arg8[%add3A_10, %dma_start3A] : memref<10240x128xf32, #tpu.memory_space<vmem_shared>> -> memref<64x128xf32, #tpu.memory_space<vmem_shared>>
      tpu.enqueue_dma source(%arg4 : memref<64x128xf32, #tpu.memory_space<hbm>>) target(%dma_start3A_28 : memref<64x128xf32, #tpu.memory_space<vmem_shared>>) target_semaphore(%run_scoped3A : memref<!tpu.dma_semaphore, #tpu.memory_space<semaphore_mem>>)
      %dma_wait3A = arith.constant 0 : i32
      %dma_wait3A_29 = tpu.memref_slice %arg8[%add3A_10, %dma_wait3A] : memref<10240x128xf32, #tpu.memory_space<vmem_shared>> -> memref<64x128xf32, #tpu.memory_space<vmem_shared>>
      tpu.wait_dma2 semaphore(%run_scoped3A : memref<!tpu.dma_semaphore, #tpu.memory_space<semaphore_mem>>) src(%arg4 : memref<64x128xf32, #tpu.memory_space<hbm>>) dst(%dma_wait3A_29 : memref<64x128xf32, #tpu.memory_space<vmem_shared>>)
      tpu.yield
    }) : () -> ()
    %add3A_11 = arith.constant 256 : i32
    %add3A_12 = arith.addi %mul3A_2, %add3A_11 : i32
    "tpu.region"() ({
      %run_scoped3A = tpu.sem_alloc : memref<!tpu.dma_semaphore, #tpu.memory_space<semaphore_mem>>
      %dma_start3A = arith.constant 0 : i32
      %dma_start3A_28 = tpu.memref_slice %arg8[%add3A_12, %dma_start3A] : memref<10240x128xf32, #tpu.memory_space<vmem_shared>> -> memref<64x128xf32, #tpu.memory_space<vmem_shared>>
      tpu.enqueue_dma source(%arg4 : memref<64x128xf32, #tpu.memory_space<hbm>>) target(%dma_start3A_28 : memref<64x128xf32, #tpu.memory_space<vmem_shared>>) target_semaphore(%run_scoped3A : memref<!tpu.dma_semaphore, #tpu.memory_space<semaphore_mem>>)
      %dma_wait3A = arith.constant 0 : i32
      %dma_wait3A_29 = tpu.memref_slice %arg8[%add3A_12, %dma_wait3A] : memref<10240x128xf32, #tpu.memory_space<vmem_shared>> -> memref<64x128xf32, #tpu.memory_space<vmem_shared>>
      tpu.wait_dma2 semaphore(%run_scoped3A : memref<!tpu.dma_semaphore, #tpu.memory_space<semaphore_mem>>) src(%arg4 : memref<64x128xf32, #tpu.memory_space<hbm>>) dst(%dma_wait3A_29 : memref<64x128xf32, #tpu.memory_space<vmem_shared>>)
      tpu.yield
    }) : () -> ()
    %add3A_13 = arith.constant 320 : i32
    %add3A_14 = arith.addi %mul3A_2, %add3A_13 : i32
    "tpu.region"() ({
      %run_scoped3A = tpu.sem_alloc : memref<!tpu.dma_semaphore, #tpu.memory_space<semaphore_mem>>
      %dma_start3A = arith.constant 0 : i32
      %dma_start3A_28 = tpu.memref_slice %arg8[%add3A_14, %dma_start3A] : memref<10240x128xf32, #tpu.memory_space<vmem_shared>> -> memref<64x128xf32, #tpu.memory_space<vmem_shared>>
      tpu.enqueue_dma source(%arg4 : memref<64x128xf32, #tpu.memory_space<hbm>>) target(%dma_start3A_28 : memref<64x128xf32, #tpu.memory_space<vmem_shared>>) target_semaphore(%run_scoped3A : memref<!tpu.dma_semaphore, #tpu.memory_space<semaphore_mem>>)
      %dma_wait3A = arith.constant 0 : i32
      %dma_wait3A_29 = tpu.memref_slice %arg8[%add3A_14, %dma_wait3A] : memref<10240x128xf32, #tpu.memory_space<vmem_shared>> -> memref<64x128xf32, #tpu.memory_space<vmem_shared>>
      tpu.wait_dma2 semaphore(%run_scoped3A : memref<!tpu.dma_semaphore, #tpu.memory_space<semaphore_mem>>) src(%arg4 : memref<64x128xf32, #tpu.memory_space<hbm>>) dst(%dma_wait3A_29 : memref<64x128xf32, #tpu.memory_space<vmem_shared>>)
      tpu.yield
    }) : () -> ()
    %add3A_15 = arith.constant 384 : i32
    %add3A_16 = arith.addi %mul3A_2, %add3A_15 : i32
    "tpu.region"() ({
      %run_scoped3A = tpu.sem_alloc : memref<!tpu.dma_semaphore, #tpu.memory_space<semaphore_mem>>
      %dma_start3A = arith.constant 0 : i32
      %dma_start3A_28 = tpu.memref_slice %arg8[%add3A_16, %dma_start3A] : memref<10240x128xf32, #tpu.memory_space<vmem_shared>> -> memref<64x128xf32, #tpu.memory_space<vmem_shared>>
      tpu.enqueue_dma source(%arg4 : memref<64x128xf32, #tpu.memory_space<hbm>>) target(%dma_start3A_28 : memref<64x128xf32, #tpu.memory_space<vmem_shared>>) target_semaphore(%run_scoped3A : memref<!tpu.dma_semaphore, #tpu.memory_space<semaphore_mem>>)
      %dma_wait3A = arith.constant 0 : i32
      %dma_wait3A_29 = tpu.memref_slice %arg8[%add3A_16, %dma_wait3A] : memref<10240x128xf32, #tpu.memory_space<vmem_shared>> -> memref<64x128xf32, #tpu.memory_space<vmem_shared>>
      tpu.wait_dma2 semaphore(%run_scoped3A : memref<!tpu.dma_semaphore, #tpu.memory_space<semaphore_mem>>) src(%arg4 : memref<64x128xf32, #tpu.memory_space<hbm>>) dst(%dma_wait3A_29 : memref<64x128xf32, #tpu.memory_space<vmem_shared>>)
      tpu.yield
    }) : () -> ()
    %add3A_17 = arith.constant 448 : i32
    %add3A_18 = arith.addi %mul3A_2, %add3A_17 : i32
    "tpu.region"() ({
      %run_scoped3A = tpu.sem_alloc : memref<!tpu.dma_semaphore, #tpu.memory_space<semaphore_mem>>
      %dma_start3A = arith.constant 0 : i32
      %dma_start3A_28 = tpu.memref_slice %arg8[%add3A_18, %dma_start3A] : memref<10240x128xf32, #tpu.memory_space<vmem_shared>> -> memref<64x128xf32, #tpu.memory_space<vmem_shared>>
      tpu.enqueue_dma source(%arg4 : memref<64x128xf32, #tpu.memory_space<hbm>>) target(%dma_start3A_28 : memref<64x128xf32, #tpu.memory_space<vmem_shared>>) target_semaphore(%run_scoped3A : memref<!tpu.dma_semaphore, #tpu.memory_space<semaphore_mem>>)
      %dma_wait3A = arith.constant 0 : i32
      %dma_wait3A_29 = tpu.memref_slice %arg8[%add3A_18, %dma_wait3A] : memref<10240x128xf32, #tpu.memory_space<vmem_shared>> -> memref<64x128xf32, #tpu.memory_space<vmem_shared>>
      tpu.wait_dma2 semaphore(%run_scoped3A : memref<!tpu.dma_semaphore, #tpu.memory_space<semaphore_mem>>) src(%arg4 : memref<64x128xf32, #tpu.memory_space<hbm>>) dst(%dma_wait3A_29 : memref<64x128xf32, #tpu.memory_space<vmem_shared>>)
      tpu.yield
    }) : () -> ()
    %add3A_19 = arith.constant 512 : i32
    %add3A_20 = arith.addi %mul3A_2, %add3A_19 : i32
    "tpu.region"() ({
      %run_scoped3A = tpu.sem_alloc : memref<!tpu.dma_semaphore, #tpu.memory_space<semaphore_mem>>
      %dma_start3A = arith.constant 0 : i32
      %dma_start3A_28 = tpu.memref_slice %arg8[%add3A_20, %dma_start3A] : memref<10240x128xf32, #tpu.memory_space<vmem_shared>> -> memref<64x128xf32, #tpu.memory_space<vmem_shared>>
      tpu.enqueue_dma source(%arg4 : memref<64x128xf32, #tpu.memory_space<hbm>>) target(%dma_start3A_28 : memref<64x128xf32, #tpu.memory_space<vmem_shared>>) target_semaphore(%run_scoped3A : memref<!tpu.dma_semaphore, #tpu.memory_space<semaphore_mem>>)
      %dma_wait3A = arith.constant 0 : i32
      %dma_wait3A_29 = tpu.memref_slice %arg8[%add3A_20, %dma_wait3A] : memref<10240x128xf32, #tpu.memory_space<vmem_shared>> -> memref<64x128xf32, #tpu.memory_space<vmem_shared>>
      tpu.wait_dma2 semaphore(%run_scoped3A : memref<!tpu.dma_semaphore, #tpu.memory_space<semaphore_mem>>) src(%arg4 : memref<64x128xf32, #tpu.memory_space<hbm>>) dst(%dma_wait3A_29 : memref<64x128xf32, #tpu.memory_space<vmem_shared>>)
      tpu.yield
    }) : () -> ()
    %add3A_21 = arith.constant 576 : i32
    %add3A_22 = arith.addi %mul3A_2, %add3A_21 : i32
    "tpu.region"() ({
      %run_scoped3A = tpu.sem_alloc : memref<!tpu.dma_semaphore, #tpu.memory_space<semaphore_mem>>
      %dma_start3A = arith.constant 0 : i32
      %dma_start3A_28 = tpu.memref_slice %arg8[%add3A_22, %dma_start3A] : memref<10240x128xf32, #tpu.memory_space<vmem_shared>> -> memref<64x128xf32, #tpu.memory_space<vmem_shared>>
      tpu.enqueue_dma source(%arg4 : memref<64x128xf32, #tpu.memory_space<hbm>>) target(%dma_start3A_28 : memref<64x128xf32, #tpu.memory_space<vmem_shared>>) target_semaphore(%run_scoped3A : memref<!tpu.dma_semaphore, #tpu.memory_space<semaphore_mem>>)
      %dma_wait3A = arith.constant 0 : i32
      %dma_wait3A_29 = tpu.memref_slice %arg8[%add3A_22, %dma_wait3A] : memref<10240x128xf32, #tpu.memory_space<vmem_shared>> -> memref<64x128xf32, #tpu.memory_space<vmem_shared>>
      tpu.wait_dma2 semaphore(%run_scoped3A : memref<!tpu.dma_semaphore, #tpu.memory_space<semaphore_mem>>) src(%arg4 : memref<64x128xf32, #tpu.memory_space<hbm>>) dst(%dma_wait3A_29 : memref<64x128xf32, #tpu.memory_space<vmem_shared>>)
      tpu.yield
    }) : () -> ()
    "tpu.region"() ({
      %run_scoped3A = tpu.sem_alloc : memref<!tpu.dma_semaphore, #tpu.memory_space<semaphore_mem>>
      tpu.enqueue_dma source(%arg3 : memref<64x128xf32, #tpu.memory_space<hbm>>) target(%arg7 : memref<64x128xf32, #tpu.memory_space<vmem>>) target_semaphore(%run_scoped3A : memref<!tpu.dma_semaphore, #tpu.memory_space<semaphore_mem>>)
      tpu.wait_dma2 semaphore(%run_scoped3A : memref<!tpu.dma_semaphore, #tpu.memory_space<semaphore_mem>>) src(%arg3 : memref<64x128xf32, #tpu.memory_space<hbm>>) dst(%arg7 : memref<64x128xf32, #tpu.memory_space<vmem>>)
      tpu.yield
    }) : () -> ()
    %barrier3A = arith.constant 0 : index
    tpu.barrier barrier_id(%barrier3A)
    %scan3A = arith.constant 0 : i32
    %scan3A_23 = arith.constant 4 : i32
    %scan3A_24 = arith.addi %scan3A, %scan3A_23 : i32
    %scan3A_25 = arith.constant 1 : i32
    scf.for %scan3A_28 = %scan3A to %scan3A_24 step %scan3A_25  : i32 {
      %mul3A_29 = arith.constant 1 : i32
      %mul3A_30 = arith.muli %scan3A_28, %mul3A_29 : i32
      %add3A_31 = arith.constant 0 : i32
      %add3A_32 = arith.addi %add3A_31, %mul3A_30 : i32
      %mul3A_33 = arith.constant 40 : i32
      %mul3A_34 = arith.muli %add3A_32, %mul3A_33 : i32
      "tpu.region"() ({
        %run_scoped3A = tpu.sem_alloc : memref<!tpu.dma_semaphore, #tpu.memory_space<semaphore_mem>>
        %dma_start3A = arith.constant 0 : i32
        %dma_start3A_40 = tpu.memref_slice %arg2[%add3A, %mul3A_34, %dma_start3A] : memref<32x160x64xi32, #tpu.memory_space<hbm>> -> memref<1x40x64xi32, #tpu.memory_space<hbm>>
        %dma_start3A_41 = tpu.memref_squeeze %dma_start3A_40 : memref<1x40x64xi32, #tpu.memory_space<hbm>> -> memref<40x64xi32, #tpu.memory_space<hbm>>
        %dma_start3A_42 = arith.constant 0 : i32
        %dma_start3A_43 = tpu.memref_slice %arg2[%add3A, %mul3A_34, %dma_start3A_42] : memref<32x160x64xi32, #tpu.memory_space<hbm>> -> memref<1x40x64xi32, #tpu.memory_space<hbm>>
        %dma_start3A_44 = tpu.memref_squeeze %dma_start3A_43 : memref<1x40x64xi32, #tpu.memory_space<hbm>> -> memref<40x64xi32, #tpu.memory_space<hbm>>
        tpu.enqueue_dma source(%dma_start3A_44 : memref<40x64xi32, #tpu.memory_space<hbm>>) target(%arg6 : memref<40x64xi32, #tpu.memory_space<vmem>>) target_semaphore(%run_scoped3A : memref<!tpu.dma_semaphore, #tpu.memory_space<semaphore_mem>>)
        %dma_wait3A = arith.constant 0 : i32
        %dma_wait3A_45 = tpu.memref_slice %arg2[%add3A, %mul3A_34, %dma_wait3A] : memref<32x160x64xi32, #tpu.memory_space<hbm>> -> memref<1x40x64xi32, #tpu.memory_space<hbm>>
        %dma_wait3A_46 = tpu.memref_squeeze %dma_wait3A_45 : memref<1x40x64xi32, #tpu.memory_space<hbm>> -> memref<40x64xi32, #tpu.memory_space<hbm>>
        %dma_wait3A_47 = arith.constant 0 : i32
        %dma_wait3A_48 = tpu.memref_slice %arg2[%add3A, %mul3A_34, %dma_wait3A_47] : memref<32x160x64xi32, #tpu.memory_space<hbm>> -> memref<1x40x64xi32, #tpu.memory_space<hbm>>
        %dma_wait3A_49 = tpu.memref_squeeze %dma_wait3A_48 : memref<1x40x64xi32, #tpu.memory_space<hbm>> -> memref<40x64xi32, #tpu.memory_space<hbm>>
        tpu.wait_dma2 semaphore(%run_scoped3A : memref<!tpu.dma_semaphore, #tpu.memory_space<semaphore_mem>>) src(%dma_wait3A_49 : memref<40x64xi32, #tpu.memory_space<hbm>>) dst(%arg6 : memref<40x64xi32, #tpu.memory_space<vmem>>)
        tpu.yield
      }) : () -> ()
      %scan3A_35 = arith.constant 0 : i32
      %scan3A_36 = arith.constant 20 : i32
      %scan3A_37 = arith.addi %scan3A_35, %scan3A_36 : i32
      %scan3A_38 = arith.constant 1 : i32
      scf.for %scan3A_40 = %scan3A_35 to %scan3A_37 step %scan3A_38  : i32 {
        %mul3A_41 = arith.constant 1 : i32
        %mul3A_42 = arith.muli %scan3A_40, %mul3A_41 : i32
        %add3A_43 = arith.constant 0 : i32
        %add3A_44 = arith.addi %add3A_43, %mul3A_42 : i32
        %mul3A_45 = arith.constant 2 : i32
        %mul3A_46 = arith.muli %add3A_44, %mul3A_45 : i32
        %add3A_47 = arith.constant 0 : i32
        %add3A_48 = arith.addi %mul3A_46, %add3A_47 : i32
        %dma_start3A = arith.constant 0 : i32
        %dma_start3A_49 = tpu.memref_slice %arg6[%add3A_48, %dma_start3A] : memref<40x64xi32, #tpu.memory_space<vmem>> -> memref<1x64xi32, #tpu.memory_space<vmem>>
        %dma_start3A_50 = tpu.memref_squeeze %dma_start3A_49 : memref<1x64xi32, #tpu.memory_space<vmem>> -> memref<64xi32, #tpu.memory_space<vmem>>
        %dma_start3A_51 = arith.constant 0 : i32
        %dma_start3A_52 = arith.constant 0 : i32
        %dma_start3A_53 = tpu.memref_slice %arg8[%dma_start3A_51, %dma_start3A_52] : memref<10240x128xf32, #tpu.memory_space<vmem_shared>> -> memref<10240x128xf32, #tpu.memory_space<vmem_shared>>
        tpu.enqueue_indirect_dma source(%arg7 : memref<64x128xf32, #tpu.memory_space<vmem>>) target(%dma_start3A_53 : memref<10240x128xf32, #tpu.memory_space<vmem_shared>>) offsets(%dma_start3A_50 : memref<64xi32, #tpu.memory_space<vmem>>) semaphore(%arg9 : memref<!tpu.dma_semaphore, #tpu.memory_space<semaphore_mem>>) {add = true}
        %mul3A_54 = arith.constant 2 : i32
        %mul3A_55 = arith.muli %add3A_44, %mul3A_54 : i32
        %add3A_56 = arith.constant 1 : i32
        %add3A_57 = arith.addi %mul3A_55, %add3A_56 : i32
        %dma_start3A_58 = arith.constant 0 : i32
        %dma_start3A_59 = tpu.memref_slice %arg6[%add3A_57, %dma_start3A_58] : memref<40x64xi32, #tpu.memory_space<vmem>> -> memref<1x64xi32, #tpu.memory_space<vmem>>
        %dma_start3A_60 = tpu.memref_squeeze %dma_start3A_59 : memref<1x64xi32, #tpu.memory_space<vmem>> -> memref<64xi32, #tpu.memory_space<vmem>>
        %dma_start3A_61 = arith.constant 0 : i32
        %dma_start3A_62 = arith.constant 0 : i32
        %dma_start3A_63 = tpu.memref_slice %arg8[%dma_start3A_61, %dma_start3A_62] : memref<10240x128xf32, #tpu.memory_space<vmem_shared>> -> memref<10240x128xf32, #tpu.memory_space<vmem_shared>>
        tpu.enqueue_indirect_dma source(%arg7 : memref<64x128xf32, #tpu.memory_space<vmem>>) target(%dma_start3A_63 : memref<10240x128xf32, #tpu.memory_space<vmem_shared>>) offsets(%dma_start3A_60 : memref<64xi32, #tpu.memory_space<vmem>>) semaphore(%arg10 : memref<!tpu.dma_semaphore, #tpu.memory_space<semaphore_mem>>) {add = true}
        %dma_wait3A = arith.constant 0 : i32
        %dma_wait3A_64 = tpu.memref_slice %arg6[%add3A_48, %dma_wait3A] : memref<40x64xi32, #tpu.memory_space<vmem>> -> memref<1x64xi32, #tpu.memory_space<vmem>>
        %dma_wait3A_65 = tpu.memref_squeeze %dma_wait3A_64 : memref<1x64xi32, #tpu.memory_space<vmem>> -> memref<64xi32, #tpu.memory_space<vmem>>
        %dma_wait3A_66 = arith.constant 0 : i32
        %dma_wait3A_67 = arith.constant 0 : i32
        %dma_wait3A_68 = tpu.memref_slice %arg8[%dma_wait3A_66, %dma_wait3A_67] : memref<10240x128xf32, #tpu.memory_space<vmem_shared>> -> memref<10240x128xf32, #tpu.memory_space<vmem_shared>>
        tpu.wait_indirect_dma semaphore(%arg9 : memref<!tpu.dma_semaphore, #tpu.memory_space<semaphore_mem>>) src(%arg7 : memref<64x128xf32, #tpu.memory_space<vmem>>) dst(%dma_wait3A_68 : memref<10240x128xf32, #tpu.memory_space<vmem_shared>>)
        %dma_wait3A_69 = arith.constant 0 : i32
        %dma_wait3A_70 = tpu.memref_slice %arg6[%add3A_57, %dma_wait3A_69] : memref<40x64xi32, #tpu.memory_space<vmem>> -> memref<1x64xi32, #tpu.memory_space<vmem>>
        %dma_wait3A_71 = tpu.memref_squeeze %dma_wait3A_70 : memref<1x64xi32, #tpu.memory_space<vmem>> -> memref<64xi32, #tpu.memory_space<vmem>>
        %dma_wait3A_72 = arith.constant 0 : i32
        %dma_wait3A_73 = arith.constant 0 : i32
        %dma_wait3A_74 = tpu.memref_slice %arg8[%dma_wait3A_72, %dma_wait3A_73] : memref<10240x128xf32, #tpu.memory_space<vmem_shared>> -> memref<10240x128xf32, #tpu.memory_space<vmem_shared>>
        tpu.wait_indirect_dma semaphore(%arg10 : memref<!tpu.dma_semaphore, #tpu.memory_space<semaphore_mem>>) src(%arg7 : memref<64x128xf32, #tpu.memory_space<vmem>>) dst(%dma_wait3A_74 : memref<10240x128xf32, #tpu.memory_space<vmem_shared>>)
      }
      %scan3A_39 = arith.constant 20 : i32
    }
    %scan3A_26 = arith.constant 4 : i32
    %barrier3A_27 = arith.constant 0 : index
    tpu.barrier barrier_id(%barrier3A_27)
    "tpu.region"() ({
      %run_scoped3A = tpu.sem_alloc : memref<!tpu.dma_semaphore, #tpu.memory_space<semaphore_mem>>
      %dma_start3A = arith.constant 0 : i32
      %dma_start3A_28 = tpu.memref_slice %arg5[%arg0, %mul3A_2, %dma_start3A] : memref<2x10240x128xf32, #tpu.memory_space<hbm>> -> memref<1x640x128xf32, #tpu.memory_space<hbm>>
      %dma_start3A_29 = tpu.memref_squeeze %dma_start3A_28 : memref<1x640x128xf32, #tpu.memory_space<hbm>> -> memref<640x128xf32, #tpu.memory_space<hbm>>
      %dma_start3A_30 = arith.constant 0 : i32
      %dma_start3A_31 = tpu.memref_slice %arg8[%mul3A_2, %dma_start3A_30] : memref<10240x128xf32, #tpu.memory_space<vmem_shared>> -> memref<640x128xf32, #tpu.memory_space<vmem_shared>>
      tpu.enqueue_dma source(%dma_start3A_31 : memref<640x128xf32, #tpu.memory_space<vmem_shared>>) target(%dma_start3A_29 : memref<640x128xf32, #tpu.memory_space<hbm>>) target_semaphore(%run_scoped3A : memref<!tpu.dma_semaphore, #tpu.memory_space<semaphore_mem>>)
      %dma_wait3A = arith.constant 0 : i32
      %dma_wait3A_32 = tpu.memref_slice %arg5[%arg0, %mul3A_2, %dma_wait3A] : memref<2x10240x128xf32, #tpu.memory_space<hbm>> -> memref<1x640x128xf32, #tpu.memory_space<hbm>>
      %dma_wait3A_33 = tpu.memref_squeeze %dma_wait3A_32 : memref<1x640x128xf32, #tpu.memory_space<hbm>> -> memref<640x128xf32, #tpu.memory_space<hbm>>
      %dma_wait3A_34 = arith.constant 0 : i32
      %dma_wait3A_35 = tpu.memref_slice %arg8[%mul3A_2, %dma_wait3A_34] : memref<10240x128xf32, #tpu.memory_space<vmem_shared>> -> memref<640x128xf32, #tpu.memory_space<vmem_shared>>
      tpu.wait_dma2 semaphore(%run_scoped3A : memref<!tpu.dma_semaphore, #tpu.memory_space<semaphore_mem>>) src(%dma_wait3A_35 : memref<640x128xf32, #tpu.memory_space<vmem_shared>>) dst(%dma_wait3A_33 : memref<640x128xf32, #tpu.memory_space<hbm>>)
      tpu.yield
    }) : () -> ()
    return
  }
}

#map = affine_map<(d0, d1) -> (0, 0)>
#map1 = affine_map<(d0, d1) -> (0, 0, 0)>
module attributes {stable_mosaic.version = 14 : i64} {
  func.func @body(%arg0: i32, %arg1: i32, %arg2: memref<10240x128xf32, #tpu.memory_space<hbm>>, %arg3: memref<32x160x64xi32, #tpu.memory_space<hbm>>, %arg4: memref<32x160x64xi32, #tpu.memory_space<hbm>>, %arg5: memref<64x128xf32, #tpu.memory_space<hbm>>, %arg6: memref<2x10240x128xf32, #tpu.memory_space<hbm>>, %arg7: memref<40x64xi32, #tpu.memory_space<vmem>>, %arg8: memref<40x64xi32, #tpu.memory_space<vmem>>, %arg9: memref<64x128xf32, #tpu.memory_space<vmem>>, %arg10: memref<64x128xf32, #tpu.memory_space<vmem>>, %arg11: memref<64x128xf32, #tpu.memory_space<vmem>>, %arg12: memref<64x128xf32, #tpu.memory_space<vmem>>, %arg13: memref<10240x128xf32, #tpu.memory_space<vmem_shared>>, %arg14: memref<!tpu.dma_semaphore, #tpu.memory_space<semaphore_mem>>, %arg15: memref<!tpu.dma_semaphore, #tpu.memory_space<semaphore_mem>>, %arg16: memref<!tpu.dma_semaphore, #tpu.memory_space<semaphore_mem>>, %arg17: memref<!tpu.dma_semaphore, #tpu.memory_space<semaphore_mem>>, %arg18: memref<!tpu.dma_semaphore, #tpu.memory_space<semaphore_mem>>, %arg19: memref<!tpu.dma_semaphore, #tpu.memory_space<semaphore_mem>>, %arg20: memref<!tpu.dma_semaphore, #tpu.memory_space<semaphore_mem>>, %arg21: memref<!tpu.dma_semaphore, #tpu.memory_space<semaphore_mem>>) attributes {dimension_semantics = [#tpu.dimension_semantics<core_parallel>, #tpu.dimension_semantics<subcore_parallel>], iteration_bounds = array<i64: 2, 16>, scalar_prefetch = 0 : i64, scratch_operands = 15 : i64, tpu.core_type = #tpu.core_type<sc_vector_subcore>, window_params = [{transform_indices = #map}, {transform_indices = #map1}, {transform_indices = #map1}, {transform_indices = #map}, {transform_indices = #map1}]} {
    %mul3A = arith.constant 2 : i32
    %mul3A_0 = arith.muli %arg1, %mul3A : i32
    %add3A = arith.addi %mul3A_0, %arg0 : i32
    %mul3A_1 = arith.constant 640 : i32
    %mul3A_2 = arith.muli %arg1, %mul3A_1 : i32
    %add3A_3 = arith.constant 0 : i32
    %add3A_4 = arith.addi %mul3A_2, %add3A_3 : i32
    "tpu.region"() ({
      %run_scoped3A = tpu.sem_alloc : memref<!tpu.dma_semaphore, #tpu.memory_space<semaphore_mem>>
      %dma_start3A = arith.constant 0 : i32
      %dma_start3A_28 = tpu.memref_slice %arg13[%add3A_4, %dma_start3A] : memref<10240x128xf32, #tpu.memory_space<vmem_shared>> -> memref<64x128xf32, #tpu.memory_space<vmem_shared>>
      tpu.enqueue_dma source(%arg5 : memref<64x128xf32, #tpu.memory_space<hbm>>) target(%dma_start3A_28 : memref<64x128xf32, #tpu.memory_space<vmem_shared>>) target_semaphore(%run_scoped3A : memref<!tpu.dma_semaphore, #tpu.memory_space<semaphore_mem>>)
      %dma_wait3A = arith.constant 0 : i32
      %dma_wait3A_29 = tpu.memref_slice %arg13[%add3A_4, %dma_wait3A] : memref<10240x128xf32, #tpu.memory_space<vmem_shared>> -> memref<64x128xf32, #tpu.memory_space<vmem_shared>>
      tpu.wait_dma2 semaphore(%run_scoped3A : memref<!tpu.dma_semaphore, #tpu.memory_space<semaphore_mem>>) src(%arg5 : memref<64x128xf32, #tpu.memory_space<hbm>>) dst(%dma_wait3A_29 : memref<64x128xf32, #tpu.memory_space<vmem_shared>>)
      tpu.yield
    }) : () -> ()
    %add3A_5 = arith.constant 64 : i32
    %add3A_6 = arith.addi %mul3A_2, %add3A_5 : i32
    "tpu.region"() ({
      %run_scoped3A = tpu.sem_alloc : memref<!tpu.dma_semaphore, #tpu.memory_space<semaphore_mem>>
      %dma_start3A = arith.constant 0 : i32
      %dma_start3A_28 = tpu.memref_slice %arg13[%add3A_6, %dma_start3A] : memref<10240x128xf32, #tpu.memory_space<vmem_shared>> -> memref<64x128xf32, #tpu.memory_space<vmem_shared>>
      tpu.enqueue_dma source(%arg5 : memref<64x128xf32, #tpu.memory_space<hbm>>) target(%dma_start3A_28 : memref<64x128xf32, #tpu.memory_space<vmem_shared>>) target_semaphore(%run_scoped3A : memref<!tpu.dma_semaphore, #tpu.memory_space<semaphore_mem>>)
      %dma_wait3A = arith.constant 0 : i32
      %dma_wait3A_29 = tpu.memref_slice %arg13[%add3A_6, %dma_wait3A] : memref<10240x128xf32, #tpu.memory_space<vmem_shared>> -> memref<64x128xf32, #tpu.memory_space<vmem_shared>>
      tpu.wait_dma2 semaphore(%run_scoped3A : memref<!tpu.dma_semaphore, #tpu.memory_space<semaphore_mem>>) src(%arg5 : memref<64x128xf32, #tpu.memory_space<hbm>>) dst(%dma_wait3A_29 : memref<64x128xf32, #tpu.memory_space<vmem_shared>>)
      tpu.yield
    }) : () -> ()
    %add3A_7 = arith.constant 128 : i32
    %add3A_8 = arith.addi %mul3A_2, %add3A_7 : i32
    "tpu.region"() ({
      %run_scoped3A = tpu.sem_alloc : memref<!tpu.dma_semaphore, #tpu.memory_space<semaphore_mem>>
      %dma_start3A = arith.constant 0 : i32
      %dma_start3A_28 = tpu.memref_slice %arg13[%add3A_8, %dma_start3A] : memref<10240x128xf32, #tpu.memory_space<vmem_shared>> -> memref<64x128xf32, #tpu.memory_space<vmem_shared>>
      tpu.enqueue_dma source(%arg5 : memref<64x128xf32, #tpu.memory_space<hbm>>) target(%dma_start3A_28 : memref<64x128xf32, #tpu.memory_space<vmem_shared>>) target_semaphore(%run_scoped3A : memref<!tpu.dma_semaphore, #tpu.memory_space<semaphore_mem>>)
      %dma_wait3A = arith.constant 0 : i32
      %dma_wait3A_29 = tpu.memref_slice %arg13[%add3A_8, %dma_wait3A] : memref<10240x128xf32, #tpu.memory_space<vmem_shared>> -> memref<64x128xf32, #tpu.memory_space<vmem_shared>>
      tpu.wait_dma2 semaphore(%run_scoped3A : memref<!tpu.dma_semaphore, #tpu.memory_space<semaphore_mem>>) src(%arg5 : memref<64x128xf32, #tpu.memory_space<hbm>>) dst(%dma_wait3A_29 : memref<64x128xf32, #tpu.memory_space<vmem_shared>>)
      tpu.yield
    }) : () -> ()
    %add3A_9 = arith.constant 192 : i32
    %add3A_10 = arith.addi %mul3A_2, %add3A_9 : i32
    "tpu.region"() ({
      %run_scoped3A = tpu.sem_alloc : memref<!tpu.dma_semaphore, #tpu.memory_space<semaphore_mem>>
      %dma_start3A = arith.constant 0 : i32
      %dma_start3A_28 = tpu.memref_slice %arg13[%add3A_10, %dma_start3A] : memref<10240x128xf32, #tpu.memory_space<vmem_shared>> -> memref<64x128xf32, #tpu.memory_space<vmem_shared>>
      tpu.enqueue_dma source(%arg5 : memref<64x128xf32, #tpu.memory_space<hbm>>) target(%dma_start3A_28 : memref<64x128xf32, #tpu.memory_space<vmem_shared>>) target_semaphore(%run_scoped3A : memref<!tpu.dma_semaphore, #tpu.memory_space<semaphore_mem>>)
      %dma_wait3A = arith.constant 0 : i32
      %dma_wait3A_29 = tpu.memref_slice %arg13[%add3A_10, %dma_wait3A] : memref<10240x128xf32, #tpu.memory_space<vmem_shared>> -> memref<64x128xf32, #tpu.memory_space<vmem_shared>>
      tpu.wait_dma2 semaphore(%run_scoped3A : memref<!tpu.dma_semaphore, #tpu.memory_space<semaphore_mem>>) src(%arg5 : memref<64x128xf32, #tpu.memory_space<hbm>>) dst(%dma_wait3A_29 : memref<64x128xf32, #tpu.memory_space<vmem_shared>>)
      tpu.yield
    }) : () -> ()
    %add3A_11 = arith.constant 256 : i32
    %add3A_12 = arith.addi %mul3A_2, %add3A_11 : i32
    "tpu.region"() ({
      %run_scoped3A = tpu.sem_alloc : memref<!tpu.dma_semaphore, #tpu.memory_space<semaphore_mem>>
      %dma_start3A = arith.constant 0 : i32
      %dma_start3A_28 = tpu.memref_slice %arg13[%add3A_12, %dma_start3A] : memref<10240x128xf32, #tpu.memory_space<vmem_shared>> -> memref<64x128xf32, #tpu.memory_space<vmem_shared>>
      tpu.enqueue_dma source(%arg5 : memref<64x128xf32, #tpu.memory_space<hbm>>) target(%dma_start3A_28 : memref<64x128xf32, #tpu.memory_space<vmem_shared>>) target_semaphore(%run_scoped3A : memref<!tpu.dma_semaphore, #tpu.memory_space<semaphore_mem>>)
      %dma_wait3A = arith.constant 0 : i32
      %dma_wait3A_29 = tpu.memref_slice %arg13[%add3A_12, %dma_wait3A] : memref<10240x128xf32, #tpu.memory_space<vmem_shared>> -> memref<64x128xf32, #tpu.memory_space<vmem_shared>>
      tpu.wait_dma2 semaphore(%run_scoped3A : memref<!tpu.dma_semaphore, #tpu.memory_space<semaphore_mem>>) src(%arg5 : memref<64x128xf32, #tpu.memory_space<hbm>>) dst(%dma_wait3A_29 : memref<64x128xf32, #tpu.memory_space<vmem_shared>>)
      tpu.yield
    }) : () -> ()
    %add3A_13 = arith.constant 320 : i32
    %add3A_14 = arith.addi %mul3A_2, %add3A_13 : i32
    "tpu.region"() ({
      %run_scoped3A = tpu.sem_alloc : memref<!tpu.dma_semaphore, #tpu.memory_space<semaphore_mem>>
      %dma_start3A = arith.constant 0 : i32
      %dma_start3A_28 = tpu.memref_slice %arg13[%add3A_14, %dma_start3A] : memref<10240x128xf32, #tpu.memory_space<vmem_shared>> -> memref<64x128xf32, #tpu.memory_space<vmem_shared>>
      tpu.enqueue_dma source(%arg5 : memref<64x128xf32, #tpu.memory_space<hbm>>) target(%dma_start3A_28 : memref<64x128xf32, #tpu.memory_space<vmem_shared>>) target_semaphore(%run_scoped3A : memref<!tpu.dma_semaphore, #tpu.memory_space<semaphore_mem>>)
      %dma_wait3A = arith.constant 0 : i32
      %dma_wait3A_29 = tpu.memref_slice %arg13[%add3A_14, %dma_wait3A] : memref<10240x128xf32, #tpu.memory_space<vmem_shared>> -> memref<64x128xf32, #tpu.memory_space<vmem_shared>>
      tpu.wait_dma2 semaphore(%run_scoped3A : memref<!tpu.dma_semaphore, #tpu.memory_space<semaphore_mem>>) src(%arg5 : memref<64x128xf32, #tpu.memory_space<hbm>>) dst(%dma_wait3A_29 : memref<64x128xf32, #tpu.memory_space<vmem_shared>>)
      tpu.yield
    }) : () -> ()
    %add3A_15 = arith.constant 384 : i32
    %add3A_16 = arith.addi %mul3A_2, %add3A_15 : i32
    "tpu.region"() ({
      %run_scoped3A = tpu.sem_alloc : memref<!tpu.dma_semaphore, #tpu.memory_space<semaphore_mem>>
      %dma_start3A = arith.constant 0 : i32
      %dma_start3A_28 = tpu.memref_slice %arg13[%add3A_16, %dma_start3A] : memref<10240x128xf32, #tpu.memory_space<vmem_shared>> -> memref<64x128xf32, #tpu.memory_space<vmem_shared>>
      tpu.enqueue_dma source(%arg5 : memref<64x128xf32, #tpu.memory_space<hbm>>) target(%dma_start3A_28 : memref<64x128xf32, #tpu.memory_space<vmem_shared>>) target_semaphore(%run_scoped3A : memref<!tpu.dma_semaphore, #tpu.memory_space<semaphore_mem>>)
      %dma_wait3A = arith.constant 0 : i32
      %dma_wait3A_29 = tpu.memref_slice %arg13[%add3A_16, %dma_wait3A] : memref<10240x128xf32, #tpu.memory_space<vmem_shared>> -> memref<64x128xf32, #tpu.memory_space<vmem_shared>>
      tpu.wait_dma2 semaphore(%run_scoped3A : memref<!tpu.dma_semaphore, #tpu.memory_space<semaphore_mem>>) src(%arg5 : memref<64x128xf32, #tpu.memory_space<hbm>>) dst(%dma_wait3A_29 : memref<64x128xf32, #tpu.memory_space<vmem_shared>>)
      tpu.yield
    }) : () -> ()
    %add3A_17 = arith.constant 448 : i32
    %add3A_18 = arith.addi %mul3A_2, %add3A_17 : i32
    "tpu.region"() ({
      %run_scoped3A = tpu.sem_alloc : memref<!tpu.dma_semaphore, #tpu.memory_space<semaphore_mem>>
      %dma_start3A = arith.constant 0 : i32
      %dma_start3A_28 = tpu.memref_slice %arg13[%add3A_18, %dma_start3A] : memref<10240x128xf32, #tpu.memory_space<vmem_shared>> -> memref<64x128xf32, #tpu.memory_space<vmem_shared>>
      tpu.enqueue_dma source(%arg5 : memref<64x128xf32, #tpu.memory_space<hbm>>) target(%dma_start3A_28 : memref<64x128xf32, #tpu.memory_space<vmem_shared>>) target_semaphore(%run_scoped3A : memref<!tpu.dma_semaphore, #tpu.memory_space<semaphore_mem>>)
      %dma_wait3A = arith.constant 0 : i32
      %dma_wait3A_29 = tpu.memref_slice %arg13[%add3A_18, %dma_wait3A] : memref<10240x128xf32, #tpu.memory_space<vmem_shared>> -> memref<64x128xf32, #tpu.memory_space<vmem_shared>>
      tpu.wait_dma2 semaphore(%run_scoped3A : memref<!tpu.dma_semaphore, #tpu.memory_space<semaphore_mem>>) src(%arg5 : memref<64x128xf32, #tpu.memory_space<hbm>>) dst(%dma_wait3A_29 : memref<64x128xf32, #tpu.memory_space<vmem_shared>>)
      tpu.yield
    }) : () -> ()
    %add3A_19 = arith.constant 512 : i32
    %add3A_20 = arith.addi %mul3A_2, %add3A_19 : i32
    "tpu.region"() ({
      %run_scoped3A = tpu.sem_alloc : memref<!tpu.dma_semaphore, #tpu.memory_space<semaphore_mem>>
      %dma_start3A = arith.constant 0 : i32
      %dma_start3A_28 = tpu.memref_slice %arg13[%add3A_20, %dma_start3A] : memref<10240x128xf32, #tpu.memory_space<vmem_shared>> -> memref<64x128xf32, #tpu.memory_space<vmem_shared>>
      tpu.enqueue_dma source(%arg5 : memref<64x128xf32, #tpu.memory_space<hbm>>) target(%dma_start3A_28 : memref<64x128xf32, #tpu.memory_space<vmem_shared>>) target_semaphore(%run_scoped3A : memref<!tpu.dma_semaphore, #tpu.memory_space<semaphore_mem>>)
      %dma_wait3A = arith.constant 0 : i32
      %dma_wait3A_29 = tpu.memref_slice %arg13[%add3A_20, %dma_wait3A] : memref<10240x128xf32, #tpu.memory_space<vmem_shared>> -> memref<64x128xf32, #tpu.memory_space<vmem_shared>>
      tpu.wait_dma2 semaphore(%run_scoped3A : memref<!tpu.dma_semaphore, #tpu.memory_space<semaphore_mem>>) src(%arg5 : memref<64x128xf32, #tpu.memory_space<hbm>>) dst(%dma_wait3A_29 : memref<64x128xf32, #tpu.memory_space<vmem_shared>>)
      tpu.yield
    }) : () -> ()
    %add3A_21 = arith.constant 576 : i32
    %add3A_22 = arith.addi %mul3A_2, %add3A_21 : i32
    "tpu.region"() ({
      %run_scoped3A = tpu.sem_alloc : memref<!tpu.dma_semaphore, #tpu.memory_space<semaphore_mem>>
      %dma_start3A = arith.constant 0 : i32
      %dma_start3A_28 = tpu.memref_slice %arg13[%add3A_22, %dma_start3A] : memref<10240x128xf32, #tpu.memory_space<vmem_shared>> -> memref<64x128xf32, #tpu.memory_space<vmem_shared>>
      tpu.enqueue_dma source(%arg5 : memref<64x128xf32, #tpu.memory_space<hbm>>) target(%dma_start3A_28 : memref<64x128xf32, #tpu.memory_space<vmem_shared>>) target_semaphore(%run_scoped3A : memref<!tpu.dma_semaphore, #tpu.memory_space<semaphore_mem>>)
      %dma_wait3A = arith.constant 0 : i32
      %dma_wait3A_29 = tpu.memref_slice %arg13[%add3A_22, %dma_wait3A] : memref<10240x128xf32, #tpu.memory_space<vmem_shared>> -> memref<64x128xf32, #tpu.memory_space<vmem_shared>>
      tpu.wait_dma2 semaphore(%run_scoped3A : memref<!tpu.dma_semaphore, #tpu.memory_space<semaphore_mem>>) src(%arg5 : memref<64x128xf32, #tpu.memory_space<hbm>>) dst(%dma_wait3A_29 : memref<64x128xf32, #tpu.memory_space<vmem_shared>>)
      tpu.yield
    }) : () -> ()
    %barrier3A = arith.constant 0 : index
    tpu.barrier barrier_id(%barrier3A)
    %scan3A = arith.constant 0 : i32
    %scan3A_23 = arith.constant 4 : i32
    %scan3A_24 = arith.addi %scan3A, %scan3A_23 : i32
    %scan3A_25 = arith.constant 1 : i32
    scf.for %scan3A_28 = %scan3A to %scan3A_24 step %scan3A_25  : i32 {
      %mul3A_29 = arith.constant 1 : i32
      %mul3A_30 = arith.muli %scan3A_28, %mul3A_29 : i32
      %add3A_31 = arith.constant 0 : i32
      %add3A_32 = arith.addi %add3A_31, %mul3A_30 : i32
      %mul3A_33 = arith.constant 40 : i32
      %mul3A_34 = arith.muli %add3A_32, %mul3A_33 : i32
      "tpu.region"() ({
        %run_scoped3A = tpu.sem_alloc : memref<!tpu.dma_semaphore, #tpu.memory_space<semaphore_mem>>
        %dma_start3A = arith.constant 0 : i32
        %dma_start3A_55 = tpu.memref_slice %arg3[%add3A, %mul3A_34, %dma_start3A] : memref<32x160x64xi32, #tpu.memory_space<hbm>> -> memref<1x40x64xi32, #tpu.memory_space<hbm>>
        %dma_start3A_56 = tpu.memref_squeeze %dma_start3A_55 : memref<1x40x64xi32, #tpu.memory_space<hbm>> -> memref<40x64xi32, #tpu.memory_space<hbm>>
        %dma_start3A_57 = arith.constant 0 : i32
        %dma_start3A_58 = tpu.memref_slice %arg3[%add3A, %mul3A_34, %dma_start3A_57] : memref<32x160x64xi32, #tpu.memory_space<hbm>> -> memref<1x40x64xi32, #tpu.memory_space<hbm>>
        %dma_start3A_59 = tpu.memref_squeeze %dma_start3A_58 : memref<1x40x64xi32, #tpu.memory_space<hbm>> -> memref<40x64xi32, #tpu.memory_space<hbm>>
        tpu.enqueue_dma source(%dma_start3A_59 : memref<40x64xi32, #tpu.memory_space<hbm>>) target(%arg7 : memref<40x64xi32, #tpu.memory_space<vmem>>) target_semaphore(%run_scoped3A : memref<!tpu.dma_semaphore, #tpu.memory_space<semaphore_mem>>)
        %dma_wait3A_60 = arith.constant 0 : i32
        %dma_wait3A_61 = tpu.memref_slice %arg3[%add3A, %mul3A_34, %dma_wait3A_60] : memref<32x160x64xi32, #tpu.memory_space<hbm>> -> memref<1x40x64xi32, #tpu.memory_space<hbm>>
        %dma_wait3A_62 = tpu.memref_squeeze %dma_wait3A_61 : memref<1x40x64xi32, #tpu.memory_space<hbm>> -> memref<40x64xi32, #tpu.memory_space<hbm>>
        %dma_wait3A_63 = arith.constant 0 : i32
        %dma_wait3A_64 = tpu.memref_slice %arg3[%add3A, %mul3A_34, %dma_wait3A_63] : memref<32x160x64xi32, #tpu.memory_space<hbm>> -> memref<1x40x64xi32, #tpu.memory_space<hbm>>
        %dma_wait3A_65 = tpu.memref_squeeze %dma_wait3A_64 : memref<1x40x64xi32, #tpu.memory_space<hbm>> -> memref<40x64xi32, #tpu.memory_space<hbm>>
        tpu.wait_dma2 semaphore(%run_scoped3A : memref<!tpu.dma_semaphore, #tpu.memory_space<semaphore_mem>>) src(%dma_wait3A_65 : memref<40x64xi32, #tpu.memory_space<hbm>>) dst(%arg7 : memref<40x64xi32, #tpu.memory_space<vmem>>)
        tpu.yield
      }) : () -> ()
      %mul3A_35 = arith.constant 40 : i32
      %mul3A_36 = arith.muli %add3A_32, %mul3A_35 : i32
      "tpu.region"() ({
        %run_scoped3A = tpu.sem_alloc : memref<!tpu.dma_semaphore, #tpu.memory_space<semaphore_mem>>
        %dma_start3A = arith.constant 0 : i32
        %dma_start3A_55 = tpu.memref_slice %arg4[%add3A, %mul3A_36, %dma_start3A] : memref<32x160x64xi32, #tpu.memory_space<hbm>> -> memref<1x40x64xi32, #tpu.memory_space<hbm>>
        %dma_start3A_56 = tpu.memref_squeeze %dma_start3A_55 : memref<1x40x64xi32, #tpu.memory_space<hbm>> -> memref<40x64xi32, #tpu.memory_space<hbm>>
        %dma_start3A_57 = arith.constant 0 : i32
        %dma_start3A_58 = tpu.memref_slice %arg4[%add3A, %mul3A_36, %dma_start3A_57] : memref<32x160x64xi32, #tpu.memory_space<hbm>> -> memref<1x40x64xi32, #tpu.memory_space<hbm>>
        %dma_start3A_59 = tpu.memref_squeeze %dma_start3A_58 : memref<1x40x64xi32, #tpu.memory_space<hbm>> -> memref<40x64xi32, #tpu.memory_space<hbm>>
        tpu.enqueue_dma source(%dma_start3A_59 : memref<40x64xi32, #tpu.memory_space<hbm>>) target(%arg8 : memref<40x64xi32, #tpu.memory_space<vmem>>) target_semaphore(%run_scoped3A : memref<!tpu.dma_semaphore, #tpu.memory_space<semaphore_mem>>)
        %dma_wait3A_60 = arith.constant 0 : i32
        %dma_wait3A_61 = tpu.memref_slice %arg4[%add3A, %mul3A_36, %dma_wait3A_60] : memref<32x160x64xi32, #tpu.memory_space<hbm>> -> memref<1x40x64xi32, #tpu.memory_space<hbm>>
        %dma_wait3A_62 = tpu.memref_squeeze %dma_wait3A_61 : memref<1x40x64xi32, #tpu.memory_space<hbm>> -> memref<40x64xi32, #tpu.memory_space<hbm>>
        %dma_wait3A_63 = arith.constant 0 : i32
        %dma_wait3A_64 = tpu.memref_slice %arg4[%add3A, %mul3A_36, %dma_wait3A_63] : memref<32x160x64xi32, #tpu.memory_space<hbm>> -> memref<1x40x64xi32, #tpu.memory_space<hbm>>
        %dma_wait3A_65 = tpu.memref_squeeze %dma_wait3A_64 : memref<1x40x64xi32, #tpu.memory_space<hbm>> -> memref<40x64xi32, #tpu.memory_space<hbm>>
        tpu.wait_dma2 semaphore(%run_scoped3A : memref<!tpu.dma_semaphore, #tpu.memory_space<semaphore_mem>>) src(%dma_wait3A_65 : memref<40x64xi32, #tpu.memory_space<hbm>>) dst(%arg8 : memref<40x64xi32, #tpu.memory_space<vmem>>)
        tpu.yield
      }) : () -> ()
      %scan3A_37 = arith.constant 0 : i32
      %scan3A_38 = arith.constant 10 : i32
      %scan3A_39 = arith.addi %scan3A_37, %scan3A_38 : i32
      %scan3A_40 = arith.constant 1 : i32
      scf.for %scan3A_55 = %scan3A_37 to %scan3A_39 step %scan3A_40  : i32 {
        %mul3A_56 = arith.constant 1 : i32
        %mul3A_57 = arith.muli %scan3A_55, %mul3A_56 : i32
        %add3A_58 = arith.constant 0 : i32
        %add3A_59 = arith.addi %add3A_58, %mul3A_57 : i32
        %mul3A_60 = arith.constant 2 : i32
        %mul3A_61 = arith.muli %add3A_59, %mul3A_60 : i32
        %mul3A_62 = arith.constant 2 : i32
        %mul3A_63 = arith.muli %mul3A_61, %mul3A_62 : i32
        %add3A_64 = arith.constant 0 : i32
        %add3A_65 = arith.addi %mul3A_63, %add3A_64 : i32
        %dma_start3A = arith.constant 0 : i32
        %dma_start3A_66 = tpu.memref_slice %arg7[%add3A_65, %dma_start3A] : memref<40x64xi32, #tpu.memory_space<vmem>> -> memref<1x64xi32, #tpu.memory_space<vmem>>
        %dma_start3A_67 = tpu.memref_squeeze %dma_start3A_66 : memref<1x64xi32, #tpu.memory_space<vmem>> -> memref<64xi32, #tpu.memory_space<vmem>>
        %dma_start3A_68 = arith.constant 0 : i32
        %dma_start3A_69 = arith.constant 0 : i32
        %dma_start3A_70 = tpu.memref_slice %arg2[%dma_start3A_68, %dma_start3A_69] : memref<10240x128xf32, #tpu.memory_space<hbm>> -> memref<10240x128xf32, #tpu.memory_space<hbm>>
        tpu.enqueue_indirect_dma source(%dma_start3A_70 : memref<10240x128xf32, #tpu.memory_space<hbm>>) target(%arg9 : memref<64x128xf32, #tpu.memory_space<vmem>>) offsets(%dma_start3A_67 : memref<64xi32, #tpu.memory_space<vmem>>) semaphore(%arg14 : memref<!tpu.dma_semaphore, #tpu.memory_space<semaphore_mem>>)
        %add3A_71 = arith.constant 1 : i32
        %add3A_72 = arith.addi %mul3A_63, %add3A_71 : i32
        %dma_start3A_73 = arith.constant 0 : i32
        %dma_start3A_74 = tpu.memref_slice %arg7[%add3A_72, %dma_start3A_73] : memref<40x64xi32, #tpu.memory_space<vmem>> -> memref<1x64xi32, #tpu.memory_space<vmem>>
        %dma_start3A_75 = tpu.memref_squeeze %dma_start3A_74 : memref<1x64xi32, #tpu.memory_space<vmem>> -> memref<64xi32, #tpu.memory_space<vmem>>
        %dma_start3A_76 = arith.constant 0 : i32
        %dma_start3A_77 = arith.constant 0 : i32
        %dma_start3A_78 = tpu.memref_slice %arg2[%dma_start3A_76, %dma_start3A_77] : memref<10240x128xf32, #tpu.memory_space<hbm>> -> memref<10240x128xf32, #tpu.memory_space<hbm>>
        tpu.enqueue_indirect_dma source(%dma_start3A_78 : memref<10240x128xf32, #tpu.memory_space<hbm>>) target(%arg10 : memref<64x128xf32, #tpu.memory_space<vmem>>) offsets(%dma_start3A_75 : memref<64xi32, #tpu.memory_space<vmem>>) semaphore(%arg15 : memref<!tpu.dma_semaphore, #tpu.memory_space<semaphore_mem>>)
        %gt3A = arith.constant 0 : i32
        %gt3A_79 = arith.cmpi sgt, %add3A_59, %gt3A : i32
        %convert_element_type3A = arith.extui %gt3A_79 : i1 to i32
        %cond3A = arith.constant 0 : i32
        %cond3A_80 = arith.cmpi ne, %convert_element_type3A, %cond3A : i32
        scf.if %cond3A_80 {
          %sub3A = arith.constant 2 : i32
          %sub3A_183 = arith.subi %mul3A_63, %sub3A : i32
          %add3A_184 = arith.constant 0 : i32
          %add3A_185 = arith.addi %sub3A_183, %add3A_184 : i32
          %dma_wait3A_186 = arith.constant 0 : i32
          %dma_wait3A_187 = tpu.memref_slice %arg8[%add3A_185, %dma_wait3A_186] : memref<40x64xi32, #tpu.memory_space<vmem>> -> memref<1x64xi32, #tpu.memory_space<vmem>>
          %dma_wait3A_188 = tpu.memref_squeeze %dma_wait3A_187 : memref<1x64xi32, #tpu.memory_space<vmem>> -> memref<64xi32, #tpu.memory_space<vmem>>
          %dma_wait3A_189 = arith.constant 0 : i32
          %dma_wait3A_190 = arith.constant 0 : i32
          %dma_wait3A_191 = tpu.memref_slice %arg13[%dma_wait3A_189, %dma_wait3A_190] : memref<10240x128xf32, #tpu.memory_space<vmem_shared>> -> memref<10240x128xf32, #tpu.memory_space<vmem_shared>>
          tpu.wait_indirect_dma semaphore(%arg20 : memref<!tpu.dma_semaphore, #tpu.memory_space<semaphore_mem>>) src(%arg11 : memref<64x128xf32, #tpu.memory_space<vmem>>) dst(%dma_wait3A_191 : memref<10240x128xf32, #tpu.memory_space<vmem_shared>>)
          %add3A_192 = arith.constant 1 : i32
          %add3A_193 = arith.addi %sub3A_183, %add3A_192 : i32
          %dma_wait3A_194 = arith.constant 0 : i32
          %dma_wait3A_195 = tpu.memref_slice %arg8[%add3A_193, %dma_wait3A_194] : memref<40x64xi32, #tpu.memory_space<vmem>> -> memref<1x64xi32, #tpu.memory_space<vmem>>
          %dma_wait3A_196 = tpu.memref_squeeze %dma_wait3A_195 : memref<1x64xi32, #tpu.memory_space<vmem>> -> memref<64xi32, #tpu.memory_space<vmem>>
          %dma_wait3A_197 = arith.constant 0 : i32
          %dma_wait3A_198 = arith.constant 0 : i32
          %dma_wait3A_199 = tpu.memref_slice %arg13[%dma_wait3A_197, %dma_wait3A_198] : memref<10240x128xf32, #tpu.memory_space<vmem_shared>> -> memref<10240x128xf32, #tpu.memory_space<vmem_shared>>
          tpu.wait_indirect_dma semaphore(%arg21 : memref<!tpu.dma_semaphore, #tpu.memory_space<semaphore_mem>>) src(%arg12 : memref<64x128xf32, #tpu.memory_space<vmem>>) dst(%dma_wait3A_199 : memref<10240x128xf32, #tpu.memory_space<vmem_shared>>)
        } else {
        }
        %add3A_81 = arith.constant 0 : i32
        %add3A_82 = arith.addi %mul3A_63, %add3A_81 : i32
        %dma_wait3A_83 = arith.constant 0 : i32
        %dma_wait3A_84 = tpu.memref_slice %arg7[%add3A_82, %dma_wait3A_83] : memref<40x64xi32, #tpu.memory_space<vmem>> -> memref<1x64xi32, #tpu.memory_space<vmem>>
        %dma_wait3A_85 = tpu.memref_squeeze %dma_wait3A_84 : memref<1x64xi32, #tpu.memory_space<vmem>> -> memref<64xi32, #tpu.memory_space<vmem>>
        %dma_wait3A_86 = arith.constant 0 : i32
        %dma_wait3A_87 = arith.constant 0 : i32
        %dma_wait3A_88 = tpu.memref_slice %arg2[%dma_wait3A_86, %dma_wait3A_87] : memref<10240x128xf32, #tpu.memory_space<hbm>> -> memref<10240x128xf32, #tpu.memory_space<hbm>>
        tpu.wait_indirect_dma semaphore(%arg14 : memref<!tpu.dma_semaphore, #tpu.memory_space<semaphore_mem>>) src(%dma_wait3A_88 : memref<10240x128xf32, #tpu.memory_space<hbm>>) dst(%arg9 : memref<64x128xf32, #tpu.memory_space<vmem>>)
        %add3A_89 = arith.constant 1 : i32
        %add3A_90 = arith.addi %mul3A_63, %add3A_89 : i32
        %dma_wait3A_91 = arith.constant 0 : i32
        %dma_wait3A_92 = tpu.memref_slice %arg7[%add3A_90, %dma_wait3A_91] : memref<40x64xi32, #tpu.memory_space<vmem>> -> memref<1x64xi32, #tpu.memory_space<vmem>>
        %dma_wait3A_93 = tpu.memref_squeeze %dma_wait3A_92 : memref<1x64xi32, #tpu.memory_space<vmem>> -> memref<64xi32, #tpu.memory_space<vmem>>
        %dma_wait3A_94 = arith.constant 0 : i32
        %dma_wait3A_95 = arith.constant 0 : i32
        %dma_wait3A_96 = tpu.memref_slice %arg2[%dma_wait3A_94, %dma_wait3A_95] : memref<10240x128xf32, #tpu.memory_space<hbm>> -> memref<10240x128xf32, #tpu.memory_space<hbm>>
        tpu.wait_indirect_dma semaphore(%arg15 : memref<!tpu.dma_semaphore, #tpu.memory_space<semaphore_mem>>) src(%dma_wait3A_96 : memref<10240x128xf32, #tpu.memory_space<hbm>>) dst(%arg10 : memref<64x128xf32, #tpu.memory_space<vmem>>)
        %add3A_97 = arith.constant 0 : i32
        %add3A_98 = arith.addi %mul3A_63, %add3A_97 : i32
        %dma_start3A_99 = arith.constant 0 : i32
        %dma_start3A_100 = tpu.memref_slice %arg8[%add3A_98, %dma_start3A_99] : memref<40x64xi32, #tpu.memory_space<vmem>> -> memref<1x64xi32, #tpu.memory_space<vmem>>
        %dma_start3A_101 = tpu.memref_squeeze %dma_start3A_100 : memref<1x64xi32, #tpu.memory_space<vmem>> -> memref<64xi32, #tpu.memory_space<vmem>>
        %dma_start3A_102 = arith.constant 0 : i32
        %dma_start3A_103 = arith.constant 0 : i32
        %dma_start3A_104 = tpu.memref_slice %arg13[%dma_start3A_102, %dma_start3A_103] : memref<10240x128xf32, #tpu.memory_space<vmem_shared>> -> memref<10240x128xf32, #tpu.memory_space<vmem_shared>>
        tpu.enqueue_indirect_dma source(%arg9 : memref<64x128xf32, #tpu.memory_space<vmem>>) target(%dma_start3A_104 : memref<10240x128xf32, #tpu.memory_space<vmem_shared>>) offsets(%dma_start3A_101 : memref<64xi32, #tpu.memory_space<vmem>>) semaphore(%arg18 : memref<!tpu.dma_semaphore, #tpu.memory_space<semaphore_mem>>) {add = true}
        %add3A_105 = arith.constant 1 : i32
        %add3A_106 = arith.addi %mul3A_63, %add3A_105 : i32
        %dma_start3A_107 = arith.constant 0 : i32
        %dma_start3A_108 = tpu.memref_slice %arg8[%add3A_106, %dma_start3A_107] : memref<40x64xi32, #tpu.memory_space<vmem>> -> memref<1x64xi32, #tpu.memory_space<vmem>>
        %dma_start3A_109 = tpu.memref_squeeze %dma_start3A_108 : memref<1x64xi32, #tpu.memory_space<vmem>> -> memref<64xi32, #tpu.memory_space<vmem>>
        %dma_start3A_110 = arith.constant 0 : i32
        %dma_start3A_111 = arith.constant 0 : i32
        %dma_start3A_112 = tpu.memref_slice %arg13[%dma_start3A_110, %dma_start3A_111] : memref<10240x128xf32, #tpu.memory_space<vmem_shared>> -> memref<10240x128xf32, #tpu.memory_space<vmem_shared>>
        tpu.enqueue_indirect_dma source(%arg10 : memref<64x128xf32, #tpu.memory_space<vmem>>) target(%dma_start3A_112 : memref<10240x128xf32, #tpu.memory_space<vmem_shared>>) offsets(%dma_start3A_109 : memref<64xi32, #tpu.memory_space<vmem>>) semaphore(%arg19 : memref<!tpu.dma_semaphore, #tpu.memory_space<semaphore_mem>>) {add = true}
        %add3A_113 = arith.constant 2 : i32
        %add3A_114 = arith.addi %mul3A_63, %add3A_113 : i32
        %add3A_115 = arith.constant 0 : i32
        %add3A_116 = arith.addi %add3A_114, %add3A_115 : i32
        %dma_start3A_117 = arith.constant 0 : i32
        %dma_start3A_118 = tpu.memref_slice %arg7[%add3A_116, %dma_start3A_117] : memref<40x64xi32, #tpu.memory_space<vmem>> -> memref<1x64xi32, #tpu.memory_space<vmem>>
        %dma_start3A_119 = tpu.memref_squeeze %dma_start3A_118 : memref<1x64xi32, #tpu.memory_space<vmem>> -> memref<64xi32, #tpu.memory_space<vmem>>
        %dma_start3A_120 = arith.constant 0 : i32
        %dma_start3A_121 = arith.constant 0 : i32
        %dma_start3A_122 = tpu.memref_slice %arg2[%dma_start3A_120, %dma_start3A_121] : memref<10240x128xf32, #tpu.memory_space<hbm>> -> memref<10240x128xf32, #tpu.memory_space<hbm>>
        tpu.enqueue_indirect_dma source(%dma_start3A_122 : memref<10240x128xf32, #tpu.memory_space<hbm>>) target(%arg11 : memref<64x128xf32, #tpu.memory_space<vmem>>) offsets(%dma_start3A_119 : memref<64xi32, #tpu.memory_space<vmem>>) semaphore(%arg16 : memref<!tpu.dma_semaphore, #tpu.memory_space<semaphore_mem>>)
        %add3A_123 = arith.constant 1 : i32
        %add3A_124 = arith.addi %add3A_114, %add3A_123 : i32
        %dma_start3A_125 = arith.constant 0 : i32
        %dma_start3A_126 = tpu.memref_slice %arg7[%add3A_124, %dma_start3A_125] : memref<40x64xi32, #tpu.memory_space<vmem>> -> memref<1x64xi32, #tpu.memory_space<vmem>>
        %dma_start3A_127 = tpu.memref_squeeze %dma_start3A_126 : memref<1x64xi32, #tpu.memory_space<vmem>> -> memref<64xi32, #tpu.memory_space<vmem>>
        %dma_start3A_128 = arith.constant 0 : i32
        %dma_start3A_129 = arith.constant 0 : i32
        %dma_start3A_130 = tpu.memref_slice %arg2[%dma_start3A_128, %dma_start3A_129] : memref<10240x128xf32, #tpu.memory_space<hbm>> -> memref<10240x128xf32, #tpu.memory_space<hbm>>
        tpu.enqueue_indirect_dma source(%dma_start3A_130 : memref<10240x128xf32, #tpu.memory_space<hbm>>) target(%arg12 : memref<64x128xf32, #tpu.memory_space<vmem>>) offsets(%dma_start3A_127 : memref<64xi32, #tpu.memory_space<vmem>>) semaphore(%arg17 : memref<!tpu.dma_semaphore, #tpu.memory_space<semaphore_mem>>)
        %add3A_131 = arith.constant 0 : i32
        %add3A_132 = arith.addi %mul3A_63, %add3A_131 : i32
        %dma_wait3A_133 = arith.constant 0 : i32
        %dma_wait3A_134 = tpu.memref_slice %arg8[%add3A_132, %dma_wait3A_133] : memref<40x64xi32, #tpu.memory_space<vmem>> -> memref<1x64xi32, #tpu.memory_space<vmem>>
        %dma_wait3A_135 = tpu.memref_squeeze %dma_wait3A_134 : memref<1x64xi32, #tpu.memory_space<vmem>> -> memref<64xi32, #tpu.memory_space<vmem>>
        %dma_wait3A_136 = arith.constant 0 : i32
        %dma_wait3A_137 = arith.constant 0 : i32
        %dma_wait3A_138 = tpu.memref_slice %arg13[%dma_wait3A_136, %dma_wait3A_137] : memref<10240x128xf32, #tpu.memory_space<vmem_shared>> -> memref<10240x128xf32, #tpu.memory_space<vmem_shared>>
        tpu.wait_indirect_dma semaphore(%arg18 : memref<!tpu.dma_semaphore, #tpu.memory_space<semaphore_mem>>) src(%arg9 : memref<64x128xf32, #tpu.memory_space<vmem>>) dst(%dma_wait3A_138 : memref<10240x128xf32, #tpu.memory_space<vmem_shared>>)
        %add3A_139 = arith.constant 1 : i32
        %add3A_140 = arith.addi %mul3A_63, %add3A_139 : i32
        %dma_wait3A_141 = arith.constant 0 : i32
        %dma_wait3A_142 = tpu.memref_slice %arg8[%add3A_140, %dma_wait3A_141] : memref<40x64xi32, #tpu.memory_space<vmem>> -> memref<1x64xi32, #tpu.memory_space<vmem>>
        %dma_wait3A_143 = tpu.memref_squeeze %dma_wait3A_142 : memref<1x64xi32, #tpu.memory_space<vmem>> -> memref<64xi32, #tpu.memory_space<vmem>>
        %dma_wait3A_144 = arith.constant 0 : i32
        %dma_wait3A_145 = arith.constant 0 : i32
        %dma_wait3A_146 = tpu.memref_slice %arg13[%dma_wait3A_144, %dma_wait3A_145] : memref<10240x128xf32, #tpu.memory_space<vmem_shared>> -> memref<10240x128xf32, #tpu.memory_space<vmem_shared>>
        tpu.wait_indirect_dma semaphore(%arg19 : memref<!tpu.dma_semaphore, #tpu.memory_space<semaphore_mem>>) src(%arg10 : memref<64x128xf32, #tpu.memory_space<vmem>>) dst(%dma_wait3A_146 : memref<10240x128xf32, #tpu.memory_space<vmem_shared>>)
        %add3A_147 = arith.constant 2 : i32
        %add3A_148 = arith.addi %mul3A_63, %add3A_147 : i32
        %add3A_149 = arith.constant 0 : i32
        %add3A_150 = arith.addi %add3A_148, %add3A_149 : i32
        %dma_wait3A_151 = arith.constant 0 : i32
        %dma_wait3A_152 = tpu.memref_slice %arg7[%add3A_150, %dma_wait3A_151] : memref<40x64xi32, #tpu.memory_space<vmem>> -> memref<1x64xi32, #tpu.memory_space<vmem>>
        %dma_wait3A_153 = tpu.memref_squeeze %dma_wait3A_152 : memref<1x64xi32, #tpu.memory_space<vmem>> -> memref<64xi32, #tpu.memory_space<vmem>>
        %dma_wait3A_154 = arith.constant 0 : i32
        %dma_wait3A_155 = arith.constant 0 : i32
        %dma_wait3A_156 = tpu.memref_slice %arg2[%dma_wait3A_154, %dma_wait3A_155] : memref<10240x128xf32, #tpu.memory_space<hbm>> -> memref<10240x128xf32, #tpu.memory_space<hbm>>
        tpu.wait_indirect_dma semaphore(%arg16 : memref<!tpu.dma_semaphore, #tpu.memory_space<semaphore_mem>>) src(%dma_wait3A_156 : memref<10240x128xf32, #tpu.memory_space<hbm>>) dst(%arg11 : memref<64x128xf32, #tpu.memory_space<vmem>>)
        %add3A_157 = arith.constant 1 : i32
        %add3A_158 = arith.addi %add3A_148, %add3A_157 : i32
        %dma_wait3A_159 = arith.constant 0 : i32
        %dma_wait3A_160 = tpu.memref_slice %arg7[%add3A_158, %dma_wait3A_159] : memref<40x64xi32, #tpu.memory_space<vmem>> -> memref<1x64xi32, #tpu.memory_space<vmem>>
        %dma_wait3A_161 = tpu.memref_squeeze %dma_wait3A_160 : memref<1x64xi32, #tpu.memory_space<vmem>> -> memref<64xi32, #tpu.memory_space<vmem>>
        %dma_wait3A_162 = arith.constant 0 : i32
        %dma_wait3A_163 = arith.constant 0 : i32
        %dma_wait3A_164 = tpu.memref_slice %arg2[%dma_wait3A_162, %dma_wait3A_163] : memref<10240x128xf32, #tpu.memory_space<hbm>> -> memref<10240x128xf32, #tpu.memory_space<hbm>>
        tpu.wait_indirect_dma semaphore(%arg17 : memref<!tpu.dma_semaphore, #tpu.memory_space<semaphore_mem>>) src(%dma_wait3A_164 : memref<10240x128xf32, #tpu.memory_space<hbm>>) dst(%arg12 : memref<64x128xf32, #tpu.memory_space<vmem>>)
        %add3A_165 = arith.constant 2 : i32
        %add3A_166 = arith.addi %mul3A_63, %add3A_165 : i32
        %add3A_167 = arith.constant 0 : i32
        %add3A_168 = arith.addi %add3A_166, %add3A_167 : i32
        %dma_start3A_169 = arith.constant 0 : i32
        %dma_start3A_170 = tpu.memref_slice %arg8[%add3A_168, %dma_start3A_169] : memref<40x64xi32, #tpu.memory_space<vmem>> -> memref<1x64xi32, #tpu.memory_space<vmem>>
        %dma_start3A_171 = tpu.memref_squeeze %dma_start3A_170 : memref<1x64xi32, #tpu.memory_space<vmem>> -> memref<64xi32, #tpu.memory_space<vmem>>
        %dma_start3A_172 = arith.constant 0 : i32
        %dma_start3A_173 = arith.constant 0 : i32
        %dma_start3A_174 = tpu.memref_slice %arg13[%dma_start3A_172, %dma_start3A_173] : memref<10240x128xf32, #tpu.memory_space<vmem_shared>> -> memref<10240x128xf32, #tpu.memory_space<vmem_shared>>
        tpu.enqueue_indirect_dma source(%arg11 : memref<64x128xf32, #tpu.memory_space<vmem>>) target(%dma_start3A_174 : memref<10240x128xf32, #tpu.memory_space<vmem_shared>>) offsets(%dma_start3A_171 : memref<64xi32, #tpu.memory_space<vmem>>) semaphore(%arg20 : memref<!tpu.dma_semaphore, #tpu.memory_space<semaphore_mem>>) {add = true}
        %add3A_175 = arith.constant 1 : i32
        %add3A_176 = arith.addi %add3A_166, %add3A_175 : i32
        %dma_start3A_177 = arith.constant 0 : i32
        %dma_start3A_178 = tpu.memref_slice %arg8[%add3A_176, %dma_start3A_177] : memref<40x64xi32, #tpu.memory_space<vmem>> -> memref<1x64xi32, #tpu.memory_space<vmem>>
        %dma_start3A_179 = tpu.memref_squeeze %dma_start3A_178 : memref<1x64xi32, #tpu.memory_space<vmem>> -> memref<64xi32, #tpu.memory_space<vmem>>
        %dma_start3A_180 = arith.constant 0 : i32
        %dma_start3A_181 = arith.constant 0 : i32
        %dma_start3A_182 = tpu.memref_slice %arg13[%dma_start3A_180, %dma_start3A_181] : memref<10240x128xf32, #tpu.memory_space<vmem_shared>> -> memref<10240x128xf32, #tpu.memory_space<vmem_shared>>
        tpu.enqueue_indirect_dma source(%arg12 : memref<64x128xf32, #tpu.memory_space<vmem>>) target(%dma_start3A_182 : memref<10240x128xf32, #tpu.memory_space<vmem_shared>>) offsets(%dma_start3A_179 : memref<64xi32, #tpu.memory_space<vmem>>) semaphore(%arg21 : memref<!tpu.dma_semaphore, #tpu.memory_space<semaphore_mem>>) {add = true}
      }
      %scan3A_41 = arith.constant 10 : i32
      %dma_wait3A = arith.constant 38 : i32
      %dma_wait3A_42 = arith.constant 0 : i32
      %dma_wait3A_43 = tpu.memref_slice %arg8[%dma_wait3A, %dma_wait3A_42] : memref<40x64xi32, #tpu.memory_space<vmem>> -> memref<1x64xi32, #tpu.memory_space<vmem>>
      %dma_wait3A_44 = tpu.memref_squeeze %dma_wait3A_43 : memref<1x64xi32, #tpu.memory_space<vmem>> -> memref<64xi32, #tpu.memory_space<vmem>>
      %dma_wait3A_45 = arith.constant 0 : i32
      %dma_wait3A_46 = arith.constant 0 : i32
      %dma_wait3A_47 = tpu.memref_slice %arg13[%dma_wait3A_45, %dma_wait3A_46] : memref<10240x128xf32, #tpu.memory_space<vmem_shared>> -> memref<10240x128xf32, #tpu.memory_space<vmem_shared>>
      tpu.wait_indirect_dma semaphore(%arg20 : memref<!tpu.dma_semaphore, #tpu.memory_space<semaphore_mem>>) src(%arg11 : memref<64x128xf32, #tpu.memory_space<vmem>>) dst(%dma_wait3A_47 : memref<10240x128xf32, #tpu.memory_space<vmem_shared>>)
      %dma_wait3A_48 = arith.constant 39 : i32
      %dma_wait3A_49 = arith.constant 0 : i32
      %dma_wait3A_50 = tpu.memref_slice %arg8[%dma_wait3A_48, %dma_wait3A_49] : memref<40x64xi32, #tpu.memory_space<vmem>> -> memref<1x64xi32, #tpu.memory_space<vmem>>
      %dma_wait3A_51 = tpu.memref_squeeze %dma_wait3A_50 : memref<1x64xi32, #tpu.memory_space<vmem>> -> memref<64xi32, #tpu.memory_space<vmem>>
      %dma_wait3A_52 = arith.constant 0 : i32
      %dma_wait3A_53 = arith.constant 0 : i32
      %dma_wait3A_54 = tpu.memref_slice %arg13[%dma_wait3A_52, %dma_wait3A_53] : memref<10240x128xf32, #tpu.memory_space<vmem_shared>> -> memref<10240x128xf32, #tpu.memory_space<vmem_shared>>
      tpu.wait_indirect_dma semaphore(%arg21 : memref<!tpu.dma_semaphore, #tpu.memory_space<semaphore_mem>>) src(%arg12 : memref<64x128xf32, #tpu.memory_space<vmem>>) dst(%dma_wait3A_54 : memref<10240x128xf32, #tpu.memory_space<vmem_shared>>)
    }
    %scan3A_26 = arith.constant 4 : i32
    %barrier3A_27 = arith.constant 0 : index
    tpu.barrier barrier_id(%barrier3A_27)
    "tpu.region"() ({
      %run_scoped3A = tpu.sem_alloc : memref<!tpu.dma_semaphore, #tpu.memory_space<semaphore_mem>>
      %dma_start3A = arith.constant 0 : i32
      %dma_start3A_28 = tpu.memref_slice %arg6[%arg0, %mul3A_2, %dma_start3A] : memref<2x10240x128xf32, #tpu.memory_space<hbm>> -> memref<1x640x128xf32, #tpu.memory_space<hbm>>
      %dma_start3A_29 = tpu.memref_squeeze %dma_start3A_28 : memref<1x640x128xf32, #tpu.memory_space<hbm>> -> memref<640x128xf32, #tpu.memory_space<hbm>>
      %dma_start3A_30 = arith.constant 0 : i32
      %dma_start3A_31 = tpu.memref_slice %arg13[%mul3A_2, %dma_start3A_30] : memref<10240x128xf32, #tpu.memory_space<vmem_shared>> -> memref<640x128xf32, #tpu.memory_space<vmem_shared>>
      tpu.enqueue_dma source(%dma_start3A_31 : memref<640x128xf32, #tpu.memory_space<vmem_shared>>) target(%dma_start3A_29 : memref<640x128xf32, #tpu.memory_space<hbm>>) target_semaphore(%run_scoped3A : memref<!tpu.dma_semaphore, #tpu.memory_space<semaphore_mem>>)
      %dma_wait3A = arith.constant 0 : i32
      %dma_wait3A_32 = tpu.memref_slice %arg6[%arg0, %mul3A_2, %dma_wait3A] : memref<2x10240x128xf32, #tpu.memory_space<hbm>> -> memref<1x640x128xf32, #tpu.memory_space<hbm>>
      %dma_wait3A_33 = tpu.memref_squeeze %dma_wait3A_32 : memref<1x640x128xf32, #tpu.memory_space<hbm>> -> memref<640x128xf32, #tpu.memory_space<hbm>>
      %dma_wait3A_34 = arith.constant 0 : i32
      %dma_wait3A_35 = tpu.memref_slice %arg13[%mul3A_2, %dma_wait3A_34] : memref<10240x128xf32, #tpu.memory_space<vmem_shared>> -> memref<640x128xf32, #tpu.memory_space<vmem_shared>>
      tpu.wait_dma2 semaphore(%run_scoped3A : memref<!tpu.dma_semaphore, #tpu.memory_space<semaphore_mem>>) src(%dma_wait3A_35 : memref<640x128xf32, #tpu.memory_space<vmem_shared>>) dst(%dma_wait3A_33 : memref<640x128xf32, #tpu.memory_space<hbm>>)
      tpu.yield
    }) : () -> ()
    return
  }
}

#map = affine_map<(d0, d1) -> (0, 0)>
#map1 = affine_map<(d0, d1) -> (0, 0, 0)>
module attributes {stable_mosaic.version = 14 : i64} {
  func.func @body(%arg0: i32, %arg1: i32, %arg2: memref<10240x128xf32, #tpu.memory_space<hbm>>, %arg3: memref<32x160x64xi32, #tpu.memory_space<hbm>>, %arg4: memref<32x160x64xi32, #tpu.memory_space<hbm>>, %arg5: memref<64x128xf32, #tpu.memory_space<hbm>>, %arg6: memref<2x10240x128xf32, #tpu.memory_space<hbm>>, %arg7: memref<40x64xi32, #tpu.memory_space<vmem>>, %arg8: memref<40x64xi32, #tpu.memory_space<vmem>>, %arg9: memref<64x128xf32, #tpu.memory_space<vmem>>, %arg10: memref<64x128xf32, #tpu.memory_space<vmem>>, %arg11: memref<64x128xf32, #tpu.memory_space<vmem>>, %arg12: memref<64x128xf32, #tpu.memory_space<vmem>>, %arg13: memref<10240x128xf32, #tpu.memory_space<vmem_shared>>, %arg14: memref<!tpu.dma_semaphore, #tpu.memory_space<semaphore_mem>>, %arg15: memref<!tpu.dma_semaphore, #tpu.memory_space<semaphore_mem>>, %arg16: memref<!tpu.dma_semaphore, #tpu.memory_space<semaphore_mem>>, %arg17: memref<!tpu.dma_semaphore, #tpu.memory_space<semaphore_mem>>, %arg18: memref<!tpu.dma_semaphore, #tpu.memory_space<semaphore_mem>>, %arg19: memref<!tpu.dma_semaphore, #tpu.memory_space<semaphore_mem>>, %arg20: memref<!tpu.dma_semaphore, #tpu.memory_space<semaphore_mem>>, %arg21: memref<!tpu.dma_semaphore, #tpu.memory_space<semaphore_mem>>) attributes {dimension_semantics = [#tpu.dimension_semantics<core_parallel>, #tpu.dimension_semantics<subcore_parallel>], iteration_bounds = array<i64: 2, 16>, scalar_prefetch = 0 : i64, scratch_operands = 15 : i64, tpu.core_type = #tpu.core_type<sc_vector_subcore>, window_params = [{transform_indices = #map}, {transform_indices = #map1}, {transform_indices = #map1}, {transform_indices = #map}, {transform_indices = #map1}]} {
    %mul3A = arith.constant 2 : i32
    %mul3A_0 = arith.muli %arg1, %mul3A : i32
    %add3A = arith.addi %mul3A_0, %arg0 : i32
    %mul3A_1 = arith.constant 640 : i32
    %mul3A_2 = arith.muli %arg1, %mul3A_1 : i32
    %add3A_3 = arith.constant 0 : i32
    %add3A_4 = arith.addi %mul3A_2, %add3A_3 : i32
    "tpu.region"() ({
      %run_scoped3A = tpu.sem_alloc : memref<!tpu.dma_semaphore, #tpu.memory_space<semaphore_mem>>
      %dma_start3A = arith.constant 0 : i32
      %dma_start3A_28 = tpu.memref_slice %arg13[%add3A_4, %dma_start3A] : memref<10240x128xf32, #tpu.memory_space<vmem_shared>> -> memref<64x128xf32, #tpu.memory_space<vmem_shared>>
      tpu.enqueue_dma source(%arg5 : memref<64x128xf32, #tpu.memory_space<hbm>>) target(%dma_start3A_28 : memref<64x128xf32, #tpu.memory_space<vmem_shared>>) target_semaphore(%run_scoped3A : memref<!tpu.dma_semaphore, #tpu.memory_space<semaphore_mem>>)
      %dma_wait3A = arith.constant 0 : i32
      %dma_wait3A_29 = tpu.memref_slice %arg13[%add3A_4, %dma_wait3A] : memref<10240x128xf32, #tpu.memory_space<vmem_shared>> -> memref<64x128xf32, #tpu.memory_space<vmem_shared>>
      tpu.wait_dma2 semaphore(%run_scoped3A : memref<!tpu.dma_semaphore, #tpu.memory_space<semaphore_mem>>) src(%arg5 : memref<64x128xf32, #tpu.memory_space<hbm>>) dst(%dma_wait3A_29 : memref<64x128xf32, #tpu.memory_space<vmem_shared>>)
      tpu.yield
    }) : () -> ()
    %add3A_5 = arith.constant 64 : i32
    %add3A_6 = arith.addi %mul3A_2, %add3A_5 : i32
    "tpu.region"() ({
      %run_scoped3A = tpu.sem_alloc : memref<!tpu.dma_semaphore, #tpu.memory_space<semaphore_mem>>
      %dma_start3A = arith.constant 0 : i32
      %dma_start3A_28 = tpu.memref_slice %arg13[%add3A_6, %dma_start3A] : memref<10240x128xf32, #tpu.memory_space<vmem_shared>> -> memref<64x128xf32, #tpu.memory_space<vmem_shared>>
      tpu.enqueue_dma source(%arg5 : memref<64x128xf32, #tpu.memory_space<hbm>>) target(%dma_start3A_28 : memref<64x128xf32, #tpu.memory_space<vmem_shared>>) target_semaphore(%run_scoped3A : memref<!tpu.dma_semaphore, #tpu.memory_space<semaphore_mem>>)
      %dma_wait3A = arith.constant 0 : i32
      %dma_wait3A_29 = tpu.memref_slice %arg13[%add3A_6, %dma_wait3A] : memref<10240x128xf32, #tpu.memory_space<vmem_shared>> -> memref<64x128xf32, #tpu.memory_space<vmem_shared>>
      tpu.wait_dma2 semaphore(%run_scoped3A : memref<!tpu.dma_semaphore, #tpu.memory_space<semaphore_mem>>) src(%arg5 : memref<64x128xf32, #tpu.memory_space<hbm>>) dst(%dma_wait3A_29 : memref<64x128xf32, #tpu.memory_space<vmem_shared>>)
      tpu.yield
    }) : () -> ()
    %add3A_7 = arith.constant 128 : i32
    %add3A_8 = arith.addi %mul3A_2, %add3A_7 : i32
    "tpu.region"() ({
      %run_scoped3A = tpu.sem_alloc : memref<!tpu.dma_semaphore, #tpu.memory_space<semaphore_mem>>
      %dma_start3A = arith.constant 0 : i32
      %dma_start3A_28 = tpu.memref_slice %arg13[%add3A_8, %dma_start3A] : memref<10240x128xf32, #tpu.memory_space<vmem_shared>> -> memref<64x128xf32, #tpu.memory_space<vmem_shared>>
      tpu.enqueue_dma source(%arg5 : memref<64x128xf32, #tpu.memory_space<hbm>>) target(%dma_start3A_28 : memref<64x128xf32, #tpu.memory_space<vmem_shared>>) target_semaphore(%run_scoped3A : memref<!tpu.dma_semaphore, #tpu.memory_space<semaphore_mem>>)
      %dma_wait3A = arith.constant 0 : i32
      %dma_wait3A_29 = tpu.memref_slice %arg13[%add3A_8, %dma_wait3A] : memref<10240x128xf32, #tpu.memory_space<vmem_shared>> -> memref<64x128xf32, #tpu.memory_space<vmem_shared>>
      tpu.wait_dma2 semaphore(%run_scoped3A : memref<!tpu.dma_semaphore, #tpu.memory_space<semaphore_mem>>) src(%arg5 : memref<64x128xf32, #tpu.memory_space<hbm>>) dst(%dma_wait3A_29 : memref<64x128xf32, #tpu.memory_space<vmem_shared>>)
      tpu.yield
    }) : () -> ()
    %add3A_9 = arith.constant 192 : i32
    %add3A_10 = arith.addi %mul3A_2, %add3A_9 : i32
    "tpu.region"() ({
      %run_scoped3A = tpu.sem_alloc : memref<!tpu.dma_semaphore, #tpu.memory_space<semaphore_mem>>
      %dma_start3A = arith.constant 0 : i32
      %dma_start3A_28 = tpu.memref_slice %arg13[%add3A_10, %dma_start3A] : memref<10240x128xf32, #tpu.memory_space<vmem_shared>> -> memref<64x128xf32, #tpu.memory_space<vmem_shared>>
      tpu.enqueue_dma source(%arg5 : memref<64x128xf32, #tpu.memory_space<hbm>>) target(%dma_start3A_28 : memref<64x128xf32, #tpu.memory_space<vmem_shared>>) target_semaphore(%run_scoped3A : memref<!tpu.dma_semaphore, #tpu.memory_space<semaphore_mem>>)
      %dma_wait3A = arith.constant 0 : i32
      %dma_wait3A_29 = tpu.memref_slice %arg13[%add3A_10, %dma_wait3A] : memref<10240x128xf32, #tpu.memory_space<vmem_shared>> -> memref<64x128xf32, #tpu.memory_space<vmem_shared>>
      tpu.wait_dma2 semaphore(%run_scoped3A : memref<!tpu.dma_semaphore, #tpu.memory_space<semaphore_mem>>) src(%arg5 : memref<64x128xf32, #tpu.memory_space<hbm>>) dst(%dma_wait3A_29 : memref<64x128xf32, #tpu.memory_space<vmem_shared>>)
      tpu.yield
    }) : () -> ()
    %add3A_11 = arith.constant 256 : i32
    %add3A_12 = arith.addi %mul3A_2, %add3A_11 : i32
    "tpu.region"() ({
      %run_scoped3A = tpu.sem_alloc : memref<!tpu.dma_semaphore, #tpu.memory_space<semaphore_mem>>
      %dma_start3A = arith.constant 0 : i32
      %dma_start3A_28 = tpu.memref_slice %arg13[%add3A_12, %dma_start3A] : memref<10240x128xf32, #tpu.memory_space<vmem_shared>> -> memref<64x128xf32, #tpu.memory_space<vmem_shared>>
      tpu.enqueue_dma source(%arg5 : memref<64x128xf32, #tpu.memory_space<hbm>>) target(%dma_start3A_28 : memref<64x128xf32, #tpu.memory_space<vmem_shared>>) target_semaphore(%run_scoped3A : memref<!tpu.dma_semaphore, #tpu.memory_space<semaphore_mem>>)
      %dma_wait3A = arith.constant 0 : i32
      %dma_wait3A_29 = tpu.memref_slice %arg13[%add3A_12, %dma_wait3A] : memref<10240x128xf32, #tpu.memory_space<vmem_shared>> -> memref<64x128xf32, #tpu.memory_space<vmem_shared>>
      tpu.wait_dma2 semaphore(%run_scoped3A : memref<!tpu.dma_semaphore, #tpu.memory_space<semaphore_mem>>) src(%arg5 : memref<64x128xf32, #tpu.memory_space<hbm>>) dst(%dma_wait3A_29 : memref<64x128xf32, #tpu.memory_space<vmem_shared>>)
      tpu.yield
    }) : () -> ()
    %add3A_13 = arith.constant 320 : i32
    %add3A_14 = arith.addi %mul3A_2, %add3A_13 : i32
    "tpu.region"() ({
      %run_scoped3A = tpu.sem_alloc : memref<!tpu.dma_semaphore, #tpu.memory_space<semaphore_mem>>
      %dma_start3A = arith.constant 0 : i32
      %dma_start3A_28 = tpu.memref_slice %arg13[%add3A_14, %dma_start3A] : memref<10240x128xf32, #tpu.memory_space<vmem_shared>> -> memref<64x128xf32, #tpu.memory_space<vmem_shared>>
      tpu.enqueue_dma source(%arg5 : memref<64x128xf32, #tpu.memory_space<hbm>>) target(%dma_start3A_28 : memref<64x128xf32, #tpu.memory_space<vmem_shared>>) target_semaphore(%run_scoped3A : memref<!tpu.dma_semaphore, #tpu.memory_space<semaphore_mem>>)
      %dma_wait3A = arith.constant 0 : i32
      %dma_wait3A_29 = tpu.memref_slice %arg13[%add3A_14, %dma_wait3A] : memref<10240x128xf32, #tpu.memory_space<vmem_shared>> -> memref<64x128xf32, #tpu.memory_space<vmem_shared>>
      tpu.wait_dma2 semaphore(%run_scoped3A : memref<!tpu.dma_semaphore, #tpu.memory_space<semaphore_mem>>) src(%arg5 : memref<64x128xf32, #tpu.memory_space<hbm>>) dst(%dma_wait3A_29 : memref<64x128xf32, #tpu.memory_space<vmem_shared>>)
      tpu.yield
    }) : () -> ()
    %add3A_15 = arith.constant 384 : i32
    %add3A_16 = arith.addi %mul3A_2, %add3A_15 : i32
    "tpu.region"() ({
      %run_scoped3A = tpu.sem_alloc : memref<!tpu.dma_semaphore, #tpu.memory_space<semaphore_mem>>
      %dma_start3A = arith.constant 0 : i32
      %dma_start3A_28 = tpu.memref_slice %arg13[%add3A_16, %dma_start3A] : memref<10240x128xf32, #tpu.memory_space<vmem_shared>> -> memref<64x128xf32, #tpu.memory_space<vmem_shared>>
      tpu.enqueue_dma source(%arg5 : memref<64x128xf32, #tpu.memory_space<hbm>>) target(%dma_start3A_28 : memref<64x128xf32, #tpu.memory_space<vmem_shared>>) target_semaphore(%run_scoped3A : memref<!tpu.dma_semaphore, #tpu.memory_space<semaphore_mem>>)
      %dma_wait3A = arith.constant 0 : i32
      %dma_wait3A_29 = tpu.memref_slice %arg13[%add3A_16, %dma_wait3A] : memref<10240x128xf32, #tpu.memory_space<vmem_shared>> -> memref<64x128xf32, #tpu.memory_space<vmem_shared>>
      tpu.wait_dma2 semaphore(%run_scoped3A : memref<!tpu.dma_semaphore, #tpu.memory_space<semaphore_mem>>) src(%arg5 : memref<64x128xf32, #tpu.memory_space<hbm>>) dst(%dma_wait3A_29 : memref<64x128xf32, #tpu.memory_space<vmem_shared>>)
      tpu.yield
    }) : () -> ()
    %add3A_17 = arith.constant 448 : i32
    %add3A_18 = arith.addi %mul3A_2, %add3A_17 : i32
    "tpu.region"() ({
      %run_scoped3A = tpu.sem_alloc : memref<!tpu.dma_semaphore, #tpu.memory_space<semaphore_mem>>
      %dma_start3A = arith.constant 0 : i32
      %dma_start3A_28 = tpu.memref_slice %arg13[%add3A_18, %dma_start3A] : memref<10240x128xf32, #tpu.memory_space<vmem_shared>> -> memref<64x128xf32, #tpu.memory_space<vmem_shared>>
      tpu.enqueue_dma source(%arg5 : memref<64x128xf32, #tpu.memory_space<hbm>>) target(%dma_start3A_28 : memref<64x128xf32, #tpu.memory_space<vmem_shared>>) target_semaphore(%run_scoped3A : memref<!tpu.dma_semaphore, #tpu.memory_space<semaphore_mem>>)
      %dma_wait3A = arith.constant 0 : i32
      %dma_wait3A_29 = tpu.memref_slice %arg13[%add3A_18, %dma_wait3A] : memref<10240x128xf32, #tpu.memory_space<vmem_shared>> -> memref<64x128xf32, #tpu.memory_space<vmem_shared>>
      tpu.wait_dma2 semaphore(%run_scoped3A : memref<!tpu.dma_semaphore, #tpu.memory_space<semaphore_mem>>) src(%arg5 : memref<64x128xf32, #tpu.memory_space<hbm>>) dst(%dma_wait3A_29 : memref<64x128xf32, #tpu.memory_space<vmem_shared>>)
      tpu.yield
    }) : () -> ()
    %add3A_19 = arith.constant 512 : i32
    %add3A_20 = arith.addi %mul3A_2, %add3A_19 : i32
    "tpu.region"() ({
      %run_scoped3A = tpu.sem_alloc : memref<!tpu.dma_semaphore, #tpu.memory_space<semaphore_mem>>
      %dma_start3A = arith.constant 0 : i32
      %dma_start3A_28 = tpu.memref_slice %arg13[%add3A_20, %dma_start3A] : memref<10240x128xf32, #tpu.memory_space<vmem_shared>> -> memref<64x128xf32, #tpu.memory_space<vmem_shared>>
      tpu.enqueue_dma source(%arg5 : memref<64x128xf32, #tpu.memory_space<hbm>>) target(%dma_start3A_28 : memref<64x128xf32, #tpu.memory_space<vmem_shared>>) target_semaphore(%run_scoped3A : memref<!tpu.dma_semaphore, #tpu.memory_space<semaphore_mem>>)
      %dma_wait3A = arith.constant 0 : i32
      %dma_wait3A_29 = tpu.memref_slice %arg13[%add3A_20, %dma_wait3A] : memref<10240x128xf32, #tpu.memory_space<vmem_shared>> -> memref<64x128xf32, #tpu.memory_space<vmem_shared>>
      tpu.wait_dma2 semaphore(%run_scoped3A : memref<!tpu.dma_semaphore, #tpu.memory_space<semaphore_mem>>) src(%arg5 : memref<64x128xf32, #tpu.memory_space<hbm>>) dst(%dma_wait3A_29 : memref<64x128xf32, #tpu.memory_space<vmem_shared>>)
      tpu.yield
    }) : () -> ()
    %add3A_21 = arith.constant 576 : i32
    %add3A_22 = arith.addi %mul3A_2, %add3A_21 : i32
    "tpu.region"() ({
      %run_scoped3A = tpu.sem_alloc : memref<!tpu.dma_semaphore, #tpu.memory_space<semaphore_mem>>
      %dma_start3A = arith.constant 0 : i32
      %dma_start3A_28 = tpu.memref_slice %arg13[%add3A_22, %dma_start3A] : memref<10240x128xf32, #tpu.memory_space<vmem_shared>> -> memref<64x128xf32, #tpu.memory_space<vmem_shared>>
      tpu.enqueue_dma source(%arg5 : memref<64x128xf32, #tpu.memory_space<hbm>>) target(%dma_start3A_28 : memref<64x128xf32, #tpu.memory_space<vmem_shared>>) target_semaphore(%run_scoped3A : memref<!tpu.dma_semaphore, #tpu.memory_space<semaphore_mem>>)
      %dma_wait3A = arith.constant 0 : i32
      %dma_wait3A_29 = tpu.memref_slice %arg13[%add3A_22, %dma_wait3A] : memref<10240x128xf32, #tpu.memory_space<vmem_shared>> -> memref<64x128xf32, #tpu.memory_space<vmem_shared>>
      tpu.wait_dma2 semaphore(%run_scoped3A : memref<!tpu.dma_semaphore, #tpu.memory_space<semaphore_mem>>) src(%arg5 : memref<64x128xf32, #tpu.memory_space<hbm>>) dst(%dma_wait3A_29 : memref<64x128xf32, #tpu.memory_space<vmem_shared>>)
      tpu.yield
    }) : () -> ()
    %barrier3A = arith.constant 0 : index
    tpu.barrier barrier_id(%barrier3A)
    %scan3A = arith.constant 0 : i32
    %scan3A_23 = arith.constant 4 : i32
    %scan3A_24 = arith.addi %scan3A, %scan3A_23 : i32
    %scan3A_25 = arith.constant 1 : i32
    scf.for %scan3A_28 = %scan3A to %scan3A_24 step %scan3A_25  : i32 {
      %mul3A_29 = arith.constant 1 : i32
      %mul3A_30 = arith.muli %scan3A_28, %mul3A_29 : i32
      %add3A_31 = arith.constant 0 : i32
      %add3A_32 = arith.addi %add3A_31, %mul3A_30 : i32
      %mul3A_33 = arith.constant 40 : i32
      %mul3A_34 = arith.muli %add3A_32, %mul3A_33 : i32
      "tpu.region"() ({
        %run_scoped3A = tpu.sem_alloc : memref<!tpu.dma_semaphore, #tpu.memory_space<semaphore_mem>>
        %dma_start3A = arith.constant 0 : i32
        %dma_start3A_55 = tpu.memref_slice %arg3[%add3A, %mul3A_34, %dma_start3A] : memref<32x160x64xi32, #tpu.memory_space<hbm>> -> memref<1x40x64xi32, #tpu.memory_space<hbm>>
        %dma_start3A_56 = tpu.memref_squeeze %dma_start3A_55 : memref<1x40x64xi32, #tpu.memory_space<hbm>> -> memref<40x64xi32, #tpu.memory_space<hbm>>
        %dma_start3A_57 = arith.constant 0 : i32
        %dma_start3A_58 = tpu.memref_slice %arg3[%add3A, %mul3A_34, %dma_start3A_57] : memref<32x160x64xi32, #tpu.memory_space<hbm>> -> memref<1x40x64xi32, #tpu.memory_space<hbm>>
        %dma_start3A_59 = tpu.memref_squeeze %dma_start3A_58 : memref<1x40x64xi32, #tpu.memory_space<hbm>> -> memref<40x64xi32, #tpu.memory_space<hbm>>
        tpu.enqueue_dma source(%dma_start3A_59 : memref<40x64xi32, #tpu.memory_space<hbm>>) target(%arg7 : memref<40x64xi32, #tpu.memory_space<vmem>>) target_semaphore(%run_scoped3A : memref<!tpu.dma_semaphore, #tpu.memory_space<semaphore_mem>>)
        %dma_wait3A_60 = arith.constant 0 : i32
        %dma_wait3A_61 = tpu.memref_slice %arg3[%add3A, %mul3A_34, %dma_wait3A_60] : memref<32x160x64xi32, #tpu.memory_space<hbm>> -> memref<1x40x64xi32, #tpu.memory_space<hbm>>
        %dma_wait3A_62 = tpu.memref_squeeze %dma_wait3A_61 : memref<1x40x64xi32, #tpu.memory_space<hbm>> -> memref<40x64xi32, #tpu.memory_space<hbm>>
        %dma_wait3A_63 = arith.constant 0 : i32
        %dma_wait3A_64 = tpu.memref_slice %arg3[%add3A, %mul3A_34, %dma_wait3A_63] : memref<32x160x64xi32, #tpu.memory_space<hbm>> -> memref<1x40x64xi32, #tpu.memory_space<hbm>>
        %dma_wait3A_65 = tpu.memref_squeeze %dma_wait3A_64 : memref<1x40x64xi32, #tpu.memory_space<hbm>> -> memref<40x64xi32, #tpu.memory_space<hbm>>
        tpu.wait_dma2 semaphore(%run_scoped3A : memref<!tpu.dma_semaphore, #tpu.memory_space<semaphore_mem>>) src(%dma_wait3A_65 : memref<40x64xi32, #tpu.memory_space<hbm>>) dst(%arg7 : memref<40x64xi32, #tpu.memory_space<vmem>>)
        tpu.yield
      }) : () -> ()
      %mul3A_35 = arith.constant 40 : i32
      %mul3A_36 = arith.muli %add3A_32, %mul3A_35 : i32
      "tpu.region"() ({
        %run_scoped3A = tpu.sem_alloc : memref<!tpu.dma_semaphore, #tpu.memory_space<semaphore_mem>>
        %dma_start3A = arith.constant 0 : i32
        %dma_start3A_55 = tpu.memref_slice %arg4[%add3A, %mul3A_36, %dma_start3A] : memref<32x160x64xi32, #tpu.memory_space<hbm>> -> memref<1x40x64xi32, #tpu.memory_space<hbm>>
        %dma_start3A_56 = tpu.memref_squeeze %dma_start3A_55 : memref<1x40x64xi32, #tpu.memory_space<hbm>> -> memref<40x64xi32, #tpu.memory_space<hbm>>
        %dma_start3A_57 = arith.constant 0 : i32
        %dma_start3A_58 = tpu.memref_slice %arg4[%add3A, %mul3A_36, %dma_start3A_57] : memref<32x160x64xi32, #tpu.memory_space<hbm>> -> memref<1x40x64xi32, #tpu.memory_space<hbm>>
        %dma_start3A_59 = tpu.memref_squeeze %dma_start3A_58 : memref<1x40x64xi32, #tpu.memory_space<hbm>> -> memref<40x64xi32, #tpu.memory_space<hbm>>
        tpu.enqueue_dma source(%dma_start3A_59 : memref<40x64xi32, #tpu.memory_space<hbm>>) target(%arg8 : memref<40x64xi32, #tpu.memory_space<vmem>>) target_semaphore(%run_scoped3A : memref<!tpu.dma_semaphore, #tpu.memory_space<semaphore_mem>>)
        %dma_wait3A_60 = arith.constant 0 : i32
        %dma_wait3A_61 = tpu.memref_slice %arg4[%add3A, %mul3A_36, %dma_wait3A_60] : memref<32x160x64xi32, #tpu.memory_space<hbm>> -> memref<1x40x64xi32, #tpu.memory_space<hbm>>
        %dma_wait3A_62 = tpu.memref_squeeze %dma_wait3A_61 : memref<1x40x64xi32, #tpu.memory_space<hbm>> -> memref<40x64xi32, #tpu.memory_space<hbm>>
        %dma_wait3A_63 = arith.constant 0 : i32
        %dma_wait3A_64 = tpu.memref_slice %arg4[%add3A, %mul3A_36, %dma_wait3A_63] : memref<32x160x64xi32, #tpu.memory_space<hbm>> -> memref<1x40x64xi32, #tpu.memory_space<hbm>>
        %dma_wait3A_65 = tpu.memref_squeeze %dma_wait3A_64 : memref<1x40x64xi32, #tpu.memory_space<hbm>> -> memref<40x64xi32, #tpu.memory_space<hbm>>
        tpu.wait_dma2 semaphore(%run_scoped3A : memref<!tpu.dma_semaphore, #tpu.memory_space<semaphore_mem>>) src(%dma_wait3A_65 : memref<40x64xi32, #tpu.memory_space<hbm>>) dst(%arg8 : memref<40x64xi32, #tpu.memory_space<vmem>>)
        tpu.yield
      }) : () -> ()
      %scan3A_37 = arith.constant 0 : i32
      %scan3A_38 = arith.constant 10 : i32
      %scan3A_39 = arith.addi %scan3A_37, %scan3A_38 : i32
      %scan3A_40 = arith.constant 1 : i32
      scf.for %scan3A_55 = %scan3A_37 to %scan3A_39 step %scan3A_40  : i32 {
        %mul3A_56 = arith.constant 1 : i32
        %mul3A_57 = arith.muli %scan3A_55, %mul3A_56 : i32
        %add3A_58 = arith.constant 0 : i32
        %add3A_59 = arith.addi %add3A_58, %mul3A_57 : i32
        %mul3A_60 = arith.constant 2 : i32
        %mul3A_61 = arith.muli %add3A_59, %mul3A_60 : i32
        %mul3A_62 = arith.constant 2 : i32
        %mul3A_63 = arith.muli %mul3A_61, %mul3A_62 : i32
        %add3A_64 = arith.constant 0 : i32
        %add3A_65 = arith.addi %mul3A_63, %add3A_64 : i32
        %dma_start3A = arith.constant 0 : i32
        %dma_start3A_66 = tpu.memref_slice %arg7[%add3A_65, %dma_start3A] : memref<40x64xi32, #tpu.memory_space<vmem>> -> memref<1x64xi32, #tpu.memory_space<vmem>>
        %dma_start3A_67 = tpu.memref_squeeze %dma_start3A_66 : memref<1x64xi32, #tpu.memory_space<vmem>> -> memref<64xi32, #tpu.memory_space<vmem>>
        %dma_start3A_68 = arith.constant 0 : i32
        %dma_start3A_69 = arith.constant 0 : i32
        %dma_start3A_70 = tpu.memref_slice %arg2[%dma_start3A_68, %dma_start3A_69] : memref<10240x128xf32, #tpu.memory_space<hbm>> -> memref<10240x128xf32, #tpu.memory_space<hbm>>
        tpu.enqueue_indirect_dma source(%dma_start3A_70 : memref<10240x128xf32, #tpu.memory_space<hbm>>) target(%arg9 : memref<64x128xf32, #tpu.memory_space<vmem>>) offsets(%dma_start3A_67 : memref<64xi32, #tpu.memory_space<vmem>>) semaphore(%arg14 : memref<!tpu.dma_semaphore, #tpu.memory_space<semaphore_mem>>)
        %add3A_71 = arith.constant 1 : i32
        %add3A_72 = arith.addi %mul3A_63, %add3A_71 : i32
        %dma_start3A_73 = arith.constant 0 : i32
        %dma_start3A_74 = tpu.memref_slice %arg7[%add3A_72, %dma_start3A_73] : memref<40x64xi32, #tpu.memory_space<vmem>> -> memref<1x64xi32, #tpu.memory_space<vmem>>
        %dma_start3A_75 = tpu.memref_squeeze %dma_start3A_74 : memref<1x64xi32, #tpu.memory_space<vmem>> -> memref<64xi32, #tpu.memory_space<vmem>>
        %dma_start3A_76 = arith.constant 0 : i32
        %dma_start3A_77 = arith.constant 0 : i32
        %dma_start3A_78 = tpu.memref_slice %arg2[%dma_start3A_76, %dma_start3A_77] : memref<10240x128xf32, #tpu.memory_space<hbm>> -> memref<10240x128xf32, #tpu.memory_space<hbm>>
        tpu.enqueue_indirect_dma source(%dma_start3A_78 : memref<10240x128xf32, #tpu.memory_space<hbm>>) target(%arg10 : memref<64x128xf32, #tpu.memory_space<vmem>>) offsets(%dma_start3A_75 : memref<64xi32, #tpu.memory_space<vmem>>) semaphore(%arg15 : memref<!tpu.dma_semaphore, #tpu.memory_space<semaphore_mem>>)
        %gt3A = arith.constant 0 : i32
        %gt3A_79 = arith.cmpi sgt, %add3A_59, %gt3A : i32
        %convert_element_type3A = arith.extui %gt3A_79 : i1 to i32
        %cond3A = arith.constant 0 : i32
        %cond3A_80 = arith.cmpi ne, %convert_element_type3A, %cond3A : i32
        scf.if %cond3A_80 {
          %sub3A = arith.constant 2 : i32
          %sub3A_183 = arith.subi %mul3A_63, %sub3A : i32
          %add3A_184 = arith.constant 0 : i32
          %add3A_185 = arith.addi %sub3A_183, %add3A_184 : i32
          %dma_wait3A_186 = arith.constant 0 : i32
          %dma_wait3A_187 = tpu.memref_slice %arg8[%add3A_185, %dma_wait3A_186] : memref<40x64xi32, #tpu.memory_space<vmem>> -> memref<1x64xi32, #tpu.memory_space<vmem>>
          %dma_wait3A_188 = tpu.memref_squeeze %dma_wait3A_187 : memref<1x64xi32, #tpu.memory_space<vmem>> -> memref<64xi32, #tpu.memory_space<vmem>>
          %dma_wait3A_189 = arith.constant 0 : i32
          %dma_wait3A_190 = arith.constant 0 : i32
          %dma_wait3A_191 = tpu.memref_slice %arg13[%dma_wait3A_189, %dma_wait3A_190] : memref<10240x128xf32, #tpu.memory_space<vmem_shared>> -> memref<10240x128xf32, #tpu.memory_space<vmem_shared>>
          tpu.wait_indirect_dma semaphore(%arg20 : memref<!tpu.dma_semaphore, #tpu.memory_space<semaphore_mem>>) src(%arg11 : memref<64x128xf32, #tpu.memory_space<vmem>>) dst(%dma_wait3A_191 : memref<10240x128xf32, #tpu.memory_space<vmem_shared>>)
          %add3A_192 = arith.constant 1 : i32
          %add3A_193 = arith.addi %sub3A_183, %add3A_192 : i32
          %dma_wait3A_194 = arith.constant 0 : i32
          %dma_wait3A_195 = tpu.memref_slice %arg8[%add3A_193, %dma_wait3A_194] : memref<40x64xi32, #tpu.memory_space<vmem>> -> memref<1x64xi32, #tpu.memory_space<vmem>>
          %dma_wait3A_196 = tpu.memref_squeeze %dma_wait3A_195 : memref<1x64xi32, #tpu.memory_space<vmem>> -> memref<64xi32, #tpu.memory_space<vmem>>
          %dma_wait3A_197 = arith.constant 0 : i32
          %dma_wait3A_198 = arith.constant 0 : i32
          %dma_wait3A_199 = tpu.memref_slice %arg13[%dma_wait3A_197, %dma_wait3A_198] : memref<10240x128xf32, #tpu.memory_space<vmem_shared>> -> memref<10240x128xf32, #tpu.memory_space<vmem_shared>>
          tpu.wait_indirect_dma semaphore(%arg21 : memref<!tpu.dma_semaphore, #tpu.memory_space<semaphore_mem>>) src(%arg12 : memref<64x128xf32, #tpu.memory_space<vmem>>) dst(%dma_wait3A_199 : memref<10240x128xf32, #tpu.memory_space<vmem_shared>>)
        } else {
        }
        %add3A_81 = arith.constant 0 : i32
        %add3A_82 = arith.addi %mul3A_63, %add3A_81 : i32
        %dma_wait3A_83 = arith.constant 0 : i32
        %dma_wait3A_84 = tpu.memref_slice %arg7[%add3A_82, %dma_wait3A_83] : memref<40x64xi32, #tpu.memory_space<vmem>> -> memref<1x64xi32, #tpu.memory_space<vmem>>
        %dma_wait3A_85 = tpu.memref_squeeze %dma_wait3A_84 : memref<1x64xi32, #tpu.memory_space<vmem>> -> memref<64xi32, #tpu.memory_space<vmem>>
        %dma_wait3A_86 = arith.constant 0 : i32
        %dma_wait3A_87 = arith.constant 0 : i32
        %dma_wait3A_88 = tpu.memref_slice %arg2[%dma_wait3A_86, %dma_wait3A_87] : memref<10240x128xf32, #tpu.memory_space<hbm>> -> memref<10240x128xf32, #tpu.memory_space<hbm>>
        tpu.wait_indirect_dma semaphore(%arg14 : memref<!tpu.dma_semaphore, #tpu.memory_space<semaphore_mem>>) src(%dma_wait3A_88 : memref<10240x128xf32, #tpu.memory_space<hbm>>) dst(%arg9 : memref<64x128xf32, #tpu.memory_space<vmem>>)
        %add3A_89 = arith.constant 1 : i32
        %add3A_90 = arith.addi %mul3A_63, %add3A_89 : i32
        %dma_wait3A_91 = arith.constant 0 : i32
        %dma_wait3A_92 = tpu.memref_slice %arg7[%add3A_90, %dma_wait3A_91] : memref<40x64xi32, #tpu.memory_space<vmem>> -> memref<1x64xi32, #tpu.memory_space<vmem>>
        %dma_wait3A_93 = tpu.memref_squeeze %dma_wait3A_92 : memref<1x64xi32, #tpu.memory_space<vmem>> -> memref<64xi32, #tpu.memory_space<vmem>>
        %dma_wait3A_94 = arith.constant 0 : i32
        %dma_wait3A_95 = arith.constant 0 : i32
        %dma_wait3A_96 = tpu.memref_slice %arg2[%dma_wait3A_94, %dma_wait3A_95] : memref<10240x128xf32, #tpu.memory_space<hbm>> -> memref<10240x128xf32, #tpu.memory_space<hbm>>
        tpu.wait_indirect_dma semaphore(%arg15 : memref<!tpu.dma_semaphore, #tpu.memory_space<semaphore_mem>>) src(%dma_wait3A_96 : memref<10240x128xf32, #tpu.memory_space<hbm>>) dst(%arg10 : memref<64x128xf32, #tpu.memory_space<vmem>>)
        %add3A_97 = arith.constant 0 : i32
        %add3A_98 = arith.addi %mul3A_63, %add3A_97 : i32
        %dma_start3A_99 = arith.constant 0 : i32
        %dma_start3A_100 = tpu.memref_slice %arg8[%add3A_98, %dma_start3A_99] : memref<40x64xi32, #tpu.memory_space<vmem>> -> memref<1x64xi32, #tpu.memory_space<vmem>>
        %dma_start3A_101 = tpu.memref_squeeze %dma_start3A_100 : memref<1x64xi32, #tpu.memory_space<vmem>> -> memref<64xi32, #tpu.memory_space<vmem>>
        %dma_start3A_102 = arith.constant 0 : i32
        %dma_start3A_103 = arith.constant 0 : i32
        %dma_start3A_104 = tpu.memref_slice %arg13[%dma_start3A_102, %dma_start3A_103] : memref<10240x128xf32, #tpu.memory_space<vmem_shared>> -> memref<10240x128xf32, #tpu.memory_space<vmem_shared>>
        tpu.enqueue_indirect_dma source(%arg9 : memref<64x128xf32, #tpu.memory_space<vmem>>) target(%dma_start3A_104 : memref<10240x128xf32, #tpu.memory_space<vmem_shared>>) offsets(%dma_start3A_101 : memref<64xi32, #tpu.memory_space<vmem>>) semaphore(%arg18 : memref<!tpu.dma_semaphore, #tpu.memory_space<semaphore_mem>>) {add = true}
        %add3A_105 = arith.constant 1 : i32
        %add3A_106 = arith.addi %mul3A_63, %add3A_105 : i32
        %dma_start3A_107 = arith.constant 0 : i32
        %dma_start3A_108 = tpu.memref_slice %arg8[%add3A_106, %dma_start3A_107] : memref<40x64xi32, #tpu.memory_space<vmem>> -> memref<1x64xi32, #tpu.memory_space<vmem>>
        %dma_start3A_109 = tpu.memref_squeeze %dma_start3A_108 : memref<1x64xi32, #tpu.memory_space<vmem>> -> memref<64xi32, #tpu.memory_space<vmem>>
        %dma_start3A_110 = arith.constant 0 : i32
        %dma_start3A_111 = arith.constant 0 : i32
        %dma_start3A_112 = tpu.memref_slice %arg13[%dma_start3A_110, %dma_start3A_111] : memref<10240x128xf32, #tpu.memory_space<vmem_shared>> -> memref<10240x128xf32, #tpu.memory_space<vmem_shared>>
        tpu.enqueue_indirect_dma source(%arg10 : memref<64x128xf32, #tpu.memory_space<vmem>>) target(%dma_start3A_112 : memref<10240x128xf32, #tpu.memory_space<vmem_shared>>) offsets(%dma_start3A_109 : memref<64xi32, #tpu.memory_space<vmem>>) semaphore(%arg19 : memref<!tpu.dma_semaphore, #tpu.memory_space<semaphore_mem>>) {add = true}
        %add3A_113 = arith.constant 2 : i32
        %add3A_114 = arith.addi %mul3A_63, %add3A_113 : i32
        %add3A_115 = arith.constant 0 : i32
        %add3A_116 = arith.addi %add3A_114, %add3A_115 : i32
        %dma_start3A_117 = arith.constant 0 : i32
        %dma_start3A_118 = tpu.memref_slice %arg7[%add3A_116, %dma_start3A_117] : memref<40x64xi32, #tpu.memory_space<vmem>> -> memref<1x64xi32, #tpu.memory_space<vmem>>
        %dma_start3A_119 = tpu.memref_squeeze %dma_start3A_118 : memref<1x64xi32, #tpu.memory_space<vmem>> -> memref<64xi32, #tpu.memory_space<vmem>>
        %dma_start3A_120 = arith.constant 0 : i32
        %dma_start3A_121 = arith.constant 0 : i32
        %dma_start3A_122 = tpu.memref_slice %arg2[%dma_start3A_120, %dma_start3A_121] : memref<10240x128xf32, #tpu.memory_space<hbm>> -> memref<10240x128xf32, #tpu.memory_space<hbm>>
        tpu.enqueue_indirect_dma source(%dma_start3A_122 : memref<10240x128xf32, #tpu.memory_space<hbm>>) target(%arg11 : memref<64x128xf32, #tpu.memory_space<vmem>>) offsets(%dma_start3A_119 : memref<64xi32, #tpu.memory_space<vmem>>) semaphore(%arg16 : memref<!tpu.dma_semaphore, #tpu.memory_space<semaphore_mem>>)
        %add3A_123 = arith.constant 1 : i32
        %add3A_124 = arith.addi %add3A_114, %add3A_123 : i32
        %dma_start3A_125 = arith.constant 0 : i32
        %dma_start3A_126 = tpu.memref_slice %arg7[%add3A_124, %dma_start3A_125] : memref<40x64xi32, #tpu.memory_space<vmem>> -> memref<1x64xi32, #tpu.memory_space<vmem>>
        %dma_start3A_127 = tpu.memref_squeeze %dma_start3A_126 : memref<1x64xi32, #tpu.memory_space<vmem>> -> memref<64xi32, #tpu.memory_space<vmem>>
        %dma_start3A_128 = arith.constant 0 : i32
        %dma_start3A_129 = arith.constant 0 : i32
        %dma_start3A_130 = tpu.memref_slice %arg2[%dma_start3A_128, %dma_start3A_129] : memref<10240x128xf32, #tpu.memory_space<hbm>> -> memref<10240x128xf32, #tpu.memory_space<hbm>>
        tpu.enqueue_indirect_dma source(%dma_start3A_130 : memref<10240x128xf32, #tpu.memory_space<hbm>>) target(%arg12 : memref<64x128xf32, #tpu.memory_space<vmem>>) offsets(%dma_start3A_127 : memref<64xi32, #tpu.memory_space<vmem>>) semaphore(%arg17 : memref<!tpu.dma_semaphore, #tpu.memory_space<semaphore_mem>>)
        %add3A_131 = arith.constant 0 : i32
        %add3A_132 = arith.addi %mul3A_63, %add3A_131 : i32
        %dma_wait3A_133 = arith.constant 0 : i32
        %dma_wait3A_134 = tpu.memref_slice %arg8[%add3A_132, %dma_wait3A_133] : memref<40x64xi32, #tpu.memory_space<vmem>> -> memref<1x64xi32, #tpu.memory_space<vmem>>
        %dma_wait3A_135 = tpu.memref_squeeze %dma_wait3A_134 : memref<1x64xi32, #tpu.memory_space<vmem>> -> memref<64xi32, #tpu.memory_space<vmem>>
        %dma_wait3A_136 = arith.constant 0 : i32
        %dma_wait3A_137 = arith.constant 0 : i32
        %dma_wait3A_138 = tpu.memref_slice %arg13[%dma_wait3A_136, %dma_wait3A_137] : memref<10240x128xf32, #tpu.memory_space<vmem_shared>> -> memref<10240x128xf32, #tpu.memory_space<vmem_shared>>
        tpu.wait_indirect_dma semaphore(%arg18 : memref<!tpu.dma_semaphore, #tpu.memory_space<semaphore_mem>>) src(%arg9 : memref<64x128xf32, #tpu.memory_space<vmem>>) dst(%dma_wait3A_138 : memref<10240x128xf32, #tpu.memory_space<vmem_shared>>)
        %add3A_139 = arith.constant 1 : i32
        %add3A_140 = arith.addi %mul3A_63, %add3A_139 : i32
        %dma_wait3A_141 = arith.constant 0 : i32
        %dma_wait3A_142 = tpu.memref_slice %arg8[%add3A_140, %dma_wait3A_141] : memref<40x64xi32, #tpu.memory_space<vmem>> -> memref<1x64xi32, #tpu.memory_space<vmem>>
        %dma_wait3A_143 = tpu.memref_squeeze %dma_wait3A_142 : memref<1x64xi32, #tpu.memory_space<vmem>> -> memref<64xi32, #tpu.memory_space<vmem>>
        %dma_wait3A_144 = arith.constant 0 : i32
        %dma_wait3A_145 = arith.constant 0 : i32
        %dma_wait3A_146 = tpu.memref_slice %arg13[%dma_wait3A_144, %dma_wait3A_145] : memref<10240x128xf32, #tpu.memory_space<vmem_shared>> -> memref<10240x128xf32, #tpu.memory_space<vmem_shared>>
        tpu.wait_indirect_dma semaphore(%arg19 : memref<!tpu.dma_semaphore, #tpu.memory_space<semaphore_mem>>) src(%arg10 : memref<64x128xf32, #tpu.memory_space<vmem>>) dst(%dma_wait3A_146 : memref<10240x128xf32, #tpu.memory_space<vmem_shared>>)
        %add3A_147 = arith.constant 2 : i32
        %add3A_148 = arith.addi %mul3A_63, %add3A_147 : i32
        %add3A_149 = arith.constant 0 : i32
        %add3A_150 = arith.addi %add3A_148, %add3A_149 : i32
        %dma_wait3A_151 = arith.constant 0 : i32
        %dma_wait3A_152 = tpu.memref_slice %arg7[%add3A_150, %dma_wait3A_151] : memref<40x64xi32, #tpu.memory_space<vmem>> -> memref<1x64xi32, #tpu.memory_space<vmem>>
        %dma_wait3A_153 = tpu.memref_squeeze %dma_wait3A_152 : memref<1x64xi32, #tpu.memory_space<vmem>> -> memref<64xi32, #tpu.memory_space<vmem>>
        %dma_wait3A_154 = arith.constant 0 : i32
        %dma_wait3A_155 = arith.constant 0 : i32
        %dma_wait3A_156 = tpu.memref_slice %arg2[%dma_wait3A_154, %dma_wait3A_155] : memref<10240x128xf32, #tpu.memory_space<hbm>> -> memref<10240x128xf32, #tpu.memory_space<hbm>>
        tpu.wait_indirect_dma semaphore(%arg16 : memref<!tpu.dma_semaphore, #tpu.memory_space<semaphore_mem>>) src(%dma_wait3A_156 : memref<10240x128xf32, #tpu.memory_space<hbm>>) dst(%arg11 : memref<64x128xf32, #tpu.memory_space<vmem>>)
        %add3A_157 = arith.constant 1 : i32
        %add3A_158 = arith.addi %add3A_148, %add3A_157 : i32
        %dma_wait3A_159 = arith.constant 0 : i32
        %dma_wait3A_160 = tpu.memref_slice %arg7[%add3A_158, %dma_wait3A_159] : memref<40x64xi32, #tpu.memory_space<vmem>> -> memref<1x64xi32, #tpu.memory_space<vmem>>
        %dma_wait3A_161 = tpu.memref_squeeze %dma_wait3A_160 : memref<1x64xi32, #tpu.memory_space<vmem>> -> memref<64xi32, #tpu.memory_space<vmem>>
        %dma_wait3A_162 = arith.constant 0 : i32
        %dma_wait3A_163 = arith.constant 0 : i32
        %dma_wait3A_164 = tpu.memref_slice %arg2[%dma_wait3A_162, %dma_wait3A_163] : memref<10240x128xf32, #tpu.memory_space<hbm>> -> memref<10240x128xf32, #tpu.memory_space<hbm>>
        tpu.wait_indirect_dma semaphore(%arg17 : memref<!tpu.dma_semaphore, #tpu.memory_space<semaphore_mem>>) src(%dma_wait3A_164 : memref<10240x128xf32, #tpu.memory_space<hbm>>) dst(%arg12 : memref<64x128xf32, #tpu.memory_space<vmem>>)
        %add3A_165 = arith.constant 2 : i32
        %add3A_166 = arith.addi %mul3A_63, %add3A_165 : i32
        %add3A_167 = arith.constant 0 : i32
        %add3A_168 = arith.addi %add3A_166, %add3A_167 : i32
        %dma_start3A_169 = arith.constant 0 : i32
        %dma_start3A_170 = tpu.memref_slice %arg8[%add3A_168, %dma_start3A_169] : memref<40x64xi32, #tpu.memory_space<vmem>> -> memref<1x64xi32, #tpu.memory_space<vmem>>
        %dma_start3A_171 = tpu.memref_squeeze %dma_start3A_170 : memref<1x64xi32, #tpu.memory_space<vmem>> -> memref<64xi32, #tpu.memory_space<vmem>>
        %dma_start3A_172 = arith.constant 0 : i32
        %dma_start3A_173 = arith.constant 0 : i32
        %dma_start3A_174 = tpu.memref_slice %arg13[%dma_start3A_172, %dma_start3A_173] : memref<10240x128xf32, #tpu.memory_space<vmem_shared>> -> memref<10240x128xf32, #tpu.memory_space<vmem_shared>>
        tpu.enqueue_indirect_dma source(%arg11 : memref<64x128xf32, #tpu.memory_space<vmem>>) target(%dma_start3A_174 : memref<10240x128xf32, #tpu.memory_space<vmem_shared>>) offsets(%dma_start3A_171 : memref<64xi32, #tpu.memory_space<vmem>>) semaphore(%arg20 : memref<!tpu.dma_semaphore, #tpu.memory_space<semaphore_mem>>) {add = true}
        %add3A_175 = arith.constant 1 : i32
        %add3A_176 = arith.addi %add3A_166, %add3A_175 : i32
        %dma_start3A_177 = arith.constant 0 : i32
        %dma_start3A_178 = tpu.memref_slice %arg8[%add3A_176, %dma_start3A_177] : memref<40x64xi32, #tpu.memory_space<vmem>> -> memref<1x64xi32, #tpu.memory_space<vmem>>
        %dma_start3A_179 = tpu.memref_squeeze %dma_start3A_178 : memref<1x64xi32, #tpu.memory_space<vmem>> -> memref<64xi32, #tpu.memory_space<vmem>>
        %dma_start3A_180 = arith.constant 0 : i32
        %dma_start3A_181 = arith.constant 0 : i32
        %dma_start3A_182 = tpu.memref_slice %arg13[%dma_start3A_180, %dma_start3A_181] : memref<10240x128xf32, #tpu.memory_space<vmem_shared>> -> memref<10240x128xf32, #tpu.memory_space<vmem_shared>>
        tpu.enqueue_indirect_dma source(%arg12 : memref<64x128xf32, #tpu.memory_space<vmem>>) target(%dma_start3A_182 : memref<10240x128xf32, #tpu.memory_space<vmem_shared>>) offsets(%dma_start3A_179 : memref<64xi32, #tpu.memory_space<vmem>>) semaphore(%arg21 : memref<!tpu.dma_semaphore, #tpu.memory_space<semaphore_mem>>) {add = true}
      }
      %scan3A_41 = arith.constant 10 : i32
      %dma_wait3A = arith.constant 38 : i32
      %dma_wait3A_42 = arith.constant 0 : i32
      %dma_wait3A_43 = tpu.memref_slice %arg8[%dma_wait3A, %dma_wait3A_42] : memref<40x64xi32, #tpu.memory_space<vmem>> -> memref<1x64xi32, #tpu.memory_space<vmem>>
      %dma_wait3A_44 = tpu.memref_squeeze %dma_wait3A_43 : memref<1x64xi32, #tpu.memory_space<vmem>> -> memref<64xi32, #tpu.memory_space<vmem>>
      %dma_wait3A_45 = arith.constant 0 : i32
      %dma_wait3A_46 = arith.constant 0 : i32
      %dma_wait3A_47 = tpu.memref_slice %arg13[%dma_wait3A_45, %dma_wait3A_46] : memref<10240x128xf32, #tpu.memory_space<vmem_shared>> -> memref<10240x128xf32, #tpu.memory_space<vmem_shared>>
      tpu.wait_indirect_dma semaphore(%arg20 : memref<!tpu.dma_semaphore, #tpu.memory_space<semaphore_mem>>) src(%arg11 : memref<64x128xf32, #tpu.memory_space<vmem>>) dst(%dma_wait3A_47 : memref<10240x128xf32, #tpu.memory_space<vmem_shared>>)
      %dma_wait3A_48 = arith.constant 39 : i32
      %dma_wait3A_49 = arith.constant 0 : i32
      %dma_wait3A_50 = tpu.memref_slice %arg8[%dma_wait3A_48, %dma_wait3A_49] : memref<40x64xi32, #tpu.memory_space<vmem>> -> memref<1x64xi32, #tpu.memory_space<vmem>>
      %dma_wait3A_51 = tpu.memref_squeeze %dma_wait3A_50 : memref<1x64xi32, #tpu.memory_space<vmem>> -> memref<64xi32, #tpu.memory_space<vmem>>
      %dma_wait3A_52 = arith.constant 0 : i32
      %dma_wait3A_53 = arith.constant 0 : i32
      %dma_wait3A_54 = tpu.memref_slice %arg13[%dma_wait3A_52, %dma_wait3A_53] : memref<10240x128xf32, #tpu.memory_space<vmem_shared>> -> memref<10240x128xf32, #tpu.memory_space<vmem_shared>>
      tpu.wait_indirect_dma semaphore(%arg21 : memref<!tpu.dma_semaphore, #tpu.memory_space<semaphore_mem>>) src(%arg12 : memref<64x128xf32, #tpu.memory_space<vmem>>) dst(%dma_wait3A_54 : memref<10240x128xf32, #tpu.memory_space<vmem_shared>>)
    }
    %scan3A_26 = arith.constant 4 : i32
    %barrier3A_27 = arith.constant 0 : index
    tpu.barrier barrier_id(%barrier3A_27)
    "tpu.region"() ({
      %run_scoped3A = tpu.sem_alloc : memref<!tpu.dma_semaphore, #tpu.memory_space<semaphore_mem>>
      %dma_start3A = arith.constant 0 : i32
      %dma_start3A_28 = tpu.memref_slice %arg6[%arg0, %mul3A_2, %dma_start3A] : memref<2x10240x128xf32, #tpu.memory_space<hbm>> -> memref<1x640x128xf32, #tpu.memory_space<hbm>>
      %dma_start3A_29 = tpu.memref_squeeze %dma_start3A_28 : memref<1x640x128xf32, #tpu.memory_space<hbm>> -> memref<640x128xf32, #tpu.memory_space<hbm>>
      %dma_start3A_30 = arith.constant 0 : i32
      %dma_start3A_31 = tpu.memref_slice %arg13[%mul3A_2, %dma_start3A_30] : memref<10240x128xf32, #tpu.memory_space<vmem_shared>> -> memref<640x128xf32, #tpu.memory_space<vmem_shared>>
      tpu.enqueue_dma source(%dma_start3A_31 : memref<640x128xf32, #tpu.memory_space<vmem_shared>>) target(%dma_start3A_29 : memref<640x128xf32, #tpu.memory_space<hbm>>) target_semaphore(%run_scoped3A : memref<!tpu.dma_semaphore, #tpu.memory_space<semaphore_mem>>)
      %dma_wait3A = arith.constant 0 : i32
      %dma_wait3A_32 = tpu.memref_slice %arg6[%arg0, %mul3A_2, %dma_wait3A] : memref<2x10240x128xf32, #tpu.memory_space<hbm>> -> memref<1x640x128xf32, #tpu.memory_space<hbm>>
      %dma_wait3A_33 = tpu.memref_squeeze %dma_wait3A_32 : memref<1x640x128xf32, #tpu.memory_space<hbm>> -> memref<640x128xf32, #tpu.memory_space<hbm>>
      %dma_wait3A_34 = arith.constant 0 : i32
      %dma_wait3A_35 = tpu.memref_slice %arg13[%mul3A_2, %dma_wait3A_34] : memref<10240x128xf32, #tpu.memory_space<vmem_shared>> -> memref<640x128xf32, #tpu.memory_space<vmem_shared>>
      tpu.wait_dma2 semaphore(%run_scoped3A : memref<!tpu.dma_semaphore, #tpu.memory_space<semaphore_mem>>) src(%dma_wait3A_35 : memref<640x128xf32, #tpu.memory_space<vmem_shared>>) dst(%dma_wait3A_33 : memref<640x128xf32, #tpu.memory_space<hbm>>)
      tpu.yield
    }) : () -> ()
    return
  }
}

module attributes {stable_mosaic.version = 14 : i64} {
  func.func @body(%arg0: i32, %arg1: memref<1024x128xf32, #tpu.memory_space<vmem>>, %arg2: memref<2x1024x128xf32, #tpu.memory_space<vmem>>, %arg3: memref<2x1024x128xf32, #tpu.memory_space<vmem>>, %arg4: memref<128x128xf32, #tpu.memory_space<vmem>>, %arg5: memref<128x128xf32, #tpu.memory_space<vmem>>, %arg6: memref<1x128xf32, #tpu.memory_space<vmem>>, %arg7: memref<1024x128xf32, #tpu.memory_space<vmem>>) attributes {dimension_semantics = [#tpu.dimension_semantics<arbitrary>], iteration_bounds = array<i64: 10>, scalar_prefetch = 0 : i64, scratch_operands = 0 : i64, tpu.core_type = #tpu.core_type<tc>, window_params = [{transform_indices = @transform_0, window_bounds = array<i64: 1024, 128>}, {transform_indices = @transform_1, window_bounds = array<i64: 2, 1024, 128>}, {transform_indices = @transform_2, window_bounds = array<i64: 2, 1024, 128>}, {pipeline_mode = #tpu.pipeline_mode<synchronous>, transform_indices = @transform_3, window_bounds = array<i64: 128, 128>}, {pipeline_mode = #tpu.pipeline_mode<synchronous>, transform_indices = @transform_4, window_bounds = array<i64: 128, 128>}, {pipeline_mode = #tpu.pipeline_mode<synchronous>, transform_indices = @transform_5, window_bounds = array<i64: 1, 128>}, {transform_indices = @transform_6, window_bounds = array<i64: 1024, 128>}]} {
    %get3A = arith.constant 0 : index
    %get3A_0 = arith.constant 0 : index
    %get3A_1 = arith.constant 0 : index
    %get3A_2 = vector.load %arg3[%get3A, %get3A_0, %get3A_1] : memref<2x1024x128xf32, #tpu.memory_space<vmem>>, vector<1x1024x1xf32>
    %get3A_3 = vector.shape_cast %get3A_2 : vector<1x1024x1xf32> to vector<1024x1xf32>
    %get3A_4 = arith.constant 1 : index
    %get3A_5 = arith.constant 0 : index
    %get3A_6 = arith.constant 0 : index
    %get3A_7 = vector.load %arg3[%get3A_4, %get3A_5, %get3A_6] : memref<2x1024x128xf32, #tpu.memory_space<vmem>>, vector<1x1024x1xf32>
    %get3A_8 = vector.shape_cast %get3A_7 : vector<1x1024x1xf32> to vector<1024x1xf32>
    %add3A = arith.addf %get3A_3, %get3A_8 : vector<1024x1xf32>
    %max3A = arith.constant 1.000000e+00 : f32
    %max3A_9 = vector.broadcast %max3A : f32 to vector<1024x1xf32>
    %max3A_10 = arith.maximumf %add3A, %max3A_9 : vector<1024x1xf32>
    %div3A = arith.constant 1.000000e+00 : f32
    %div3A_11 = vector.broadcast %div3A : f32 to vector<1024x1xf32>
    %div3A_12 = arith.divf %div3A_11, %max3A_10 : vector<1024x1xf32>
    %get3A_13 = arith.constant 0 : index
    %get3A_14 = arith.constant 0 : index
    %get3A_15 = arith.constant 0 : index
    %get3A_16 = vector.load %arg2[%get3A_13, %get3A_14, %get3A_15] : memref<2x1024x128xf32, #tpu.memory_space<vmem>>, vector<1x1024x128xf32>
    %get3A_17 = vector.shape_cast %get3A_16 : vector<1x1024x128xf32> to vector<1024x128xf32>
    %get3A_18 = arith.constant 1 : index
    %get3A_19 = arith.constant 0 : index
    %get3A_20 = arith.constant 0 : index
    %get3A_21 = vector.load %arg2[%get3A_18, %get3A_19, %get3A_20] : memref<2x1024x128xf32, #tpu.memory_space<vmem>>, vector<1x1024x128xf32>
    %get3A_22 = vector.shape_cast %get3A_21 : vector<1x1024x128xf32> to vector<1024x128xf32>
    %add3A_23 = arith.addf %get3A_17, %get3A_22 : vector<1024x128xf32>
    %mul3A = vector.broadcast %div3A_12 : vector<1024x1xf32> to vector<1024x128xf32>
    %mul3A_24 = arith.mulf %add3A_23, %mul3A : vector<1024x128xf32>
    %get3A_25 = arith.constant 0 : index
    %get3A_26 = arith.constant 0 : index
    %get3A_27 = vector.load %arg1[%get3A_25, %get3A_26] : memref<1024x128xf32, #tpu.memory_space<vmem>>, vector<1024x128xf32>
    %get3A_28 = arith.constant 0 : index
    %get3A_29 = arith.constant 0 : index
    %get3A_30 = vector.load %arg4[%get3A_28, %get3A_29] : memref<128x128xf32, #tpu.memory_space<vmem>>, vector<128x128xf32>
    %dot_general3A = arith.constant dense<0.000000e+00> : vector<1024x128xf32>
    %dot_general3A_31 = tpu.matmul %get3A_27, %get3A_30, %dot_general3A {dimension_numbers = #tpu.dot_dimension_numbers<[1], [0], [0], [1], [0, 0, 1, 1], [], []>, transpose_lhs_hint = false} : vector<1024x128xf32>, vector<128x128xf32>, vector<1024x128xf32> -> vector<1024x128xf32>
    %get3A_32 = arith.constant 0 : index
    %get3A_33 = arith.constant 0 : index
    %get3A_34 = vector.load %arg5[%get3A_32, %get3A_33] : memref<128x128xf32, #tpu.memory_space<vmem>>, vector<128x128xf32>
    %dot_general3A_35 = arith.constant dense<0.000000e+00> : vector<1024x128xf32>
    %dot_general3A_36 = tpu.matmul %mul3A_24, %get3A_34, %dot_general3A_35 {dimension_numbers = #tpu.dot_dimension_numbers<[1], [0], [0], [1], [0, 0, 1, 1], [], []>, transpose_lhs_hint = false} : vector<1024x128xf32>, vector<128x128xf32>, vector<1024x128xf32> -> vector<1024x128xf32>
    %add3A_37 = arith.addf %dot_general3A_31, %dot_general3A_36 : vector<1024x128xf32>
    %get3A_38 = arith.constant 0 : index
    %get3A_39 = arith.constant 0 : index
    %get3A_40 = vector.load %arg6[%get3A_38, %get3A_39] : memref<1x128xf32, #tpu.memory_space<vmem>>, vector<1x128xf32>
    %add3A_41 = vector.broadcast %get3A_40 : vector<1x128xf32> to vector<1024x128xf32>
    %add3A_42 = arith.addf %add3A_37, %add3A_41 : vector<1024x128xf32>
    %max3A_43 = arith.constant 0.000000e+00 : f32
    %max3A_44 = vector.broadcast %max3A_43 : f32 to vector<1024x128xf32>
    %max3A_45 = arith.maximumf %add3A_42, %max3A_44 : vector<1024x128xf32>
    %swap3A = arith.constant 0 : index
    %swap3A_46 = arith.constant 0 : index
    %swap3A_47 = vector.load %arg7[%swap3A, %swap3A_46] : memref<1024x128xf32, #tpu.memory_space<vmem>>, vector<1024x128xf32>
    tpu.vector_store %arg7[%swap3A, %swap3A_46], %max3A_45 {strides = array<i32>} : memref<1024x128xf32, #tpu.memory_space<vmem>>, vector<1024x128xf32>,
    return
  }
  func.func @transform_0(%arg0: i32) -> (i32, i32) {
    %c0_i32 = arith.constant 0 : i32
    %c0_i32_0 = arith.constant 0 : i32
    return %arg0, %c0_i32 : i32, i32
  }
  func.func @transform_1(%arg0: i32) -> (i32, i32, i32) {
    %c0_i32 = arith.constant 0 : i32
    %c0_i32_0 = arith.constant 0 : i32
    %c0_i32_1 = arith.constant 0 : i32
    return %c0_i32, %arg0, %c0_i32_0 : i32, i32, i32
  }
  func.func @transform_2(%arg0: i32) -> (i32, i32, i32) {
    %c0_i32 = arith.constant 0 : i32
    %c0_i32_0 = arith.constant 0 : i32
    %c0_i32_1 = arith.constant 0 : i32
    return %c0_i32, %arg0, %c0_i32_0 : i32, i32, i32
  }
  func.func @transform_3(%arg0: i32) -> (i32, i32) {
    %c0_i32 = arith.constant 0 : i32
    %c0_i32_0 = arith.constant 0 : i32
    %c0_i32_1 = arith.constant 0 : i32
    return %c0_i32, %c0_i32_0 : i32, i32
  }
  func.func @transform_4(%arg0: i32) -> (i32, i32) {
    %c0_i32 = arith.constant 0 : i32
    %c0_i32_0 = arith.constant 0 : i32
    %c0_i32_1 = arith.constant 0 : i32
    return %c0_i32, %c0_i32_0 : i32, i32
  }
  func.func @transform_5(%arg0: i32) -> (i32, i32) {
    %c0_i32 = arith.constant 0 : i32
    %c0_i32_0 = arith.constant 0 : i32
    %c0_i32_1 = arith.constant 0 : i32
    return %c0_i32, %c0_i32_0 : i32, i32
  }
  func.func @transform_6(%arg0: i32) -> (i32, i32) {
    %c0_i32 = arith.constant 0 : i32
    %c0_i32_0 = arith.constant 0 : i32
    return %arg0, %c0_i32 : i32, i32
  }
}

module attributes {stable_mosaic.version = 14 : i64} {
  func.func @body(%arg0: i32, %arg1: memref<1024x128xf32, #tpu.memory_space<vmem>>, %arg2: memref<2x1024x128xf32, #tpu.memory_space<vmem>>, %arg3: memref<2x1024x128xf32, #tpu.memory_space<vmem>>, %arg4: memref<128x40xf32, #tpu.memory_space<vmem>>, %arg5: memref<128x40xf32, #tpu.memory_space<vmem>>, %arg6: memref<1x40xf32, #tpu.memory_space<vmem>>, %arg7: memref<1024x40xf32, #tpu.memory_space<vmem>>) attributes {dimension_semantics = [#tpu.dimension_semantics<arbitrary>], iteration_bounds = array<i64: 10>, scalar_prefetch = 0 : i64, scratch_operands = 0 : i64, tpu.core_type = #tpu.core_type<tc>, window_params = [{transform_indices = @transform_0, window_bounds = array<i64: 1024, 128>}, {transform_indices = @transform_1, window_bounds = array<i64: 2, 1024, 128>}, {transform_indices = @transform_2, window_bounds = array<i64: 2, 1024, 128>}, {pipeline_mode = #tpu.pipeline_mode<synchronous>, transform_indices = @transform_3, window_bounds = array<i64: 128, 40>}, {pipeline_mode = #tpu.pipeline_mode<synchronous>, transform_indices = @transform_4, window_bounds = array<i64: 128, 40>}, {pipeline_mode = #tpu.pipeline_mode<synchronous>, transform_indices = @transform_5, window_bounds = array<i64: 1, 40>}, {transform_indices = @transform_6, window_bounds = array<i64: 1024, 40>}]} {
    %get3A = arith.constant 0 : index
    %get3A_0 = arith.constant 0 : index
    %get3A_1 = arith.constant 0 : index
    %get3A_2 = vector.load %arg3[%get3A, %get3A_0, %get3A_1] : memref<2x1024x128xf32, #tpu.memory_space<vmem>>, vector<1x1024x1xf32>
    %get3A_3 = vector.shape_cast %get3A_2 : vector<1x1024x1xf32> to vector<1024x1xf32>
    %get3A_4 = arith.constant 1 : index
    %get3A_5 = arith.constant 0 : index
    %get3A_6 = arith.constant 0 : index
    %get3A_7 = vector.load %arg3[%get3A_4, %get3A_5, %get3A_6] : memref<2x1024x128xf32, #tpu.memory_space<vmem>>, vector<1x1024x1xf32>
    %get3A_8 = vector.shape_cast %get3A_7 : vector<1x1024x1xf32> to vector<1024x1xf32>
    %add3A = arith.addf %get3A_3, %get3A_8 : vector<1024x1xf32>
    %max3A = arith.constant 1.000000e+00 : f32
    %max3A_9 = vector.broadcast %max3A : f32 to vector<1024x1xf32>
    %max3A_10 = arith.maximumf %add3A, %max3A_9 : vector<1024x1xf32>
    %div3A = arith.constant 1.000000e+00 : f32
    %div3A_11 = vector.broadcast %div3A : f32 to vector<1024x1xf32>
    %div3A_12 = arith.divf %div3A_11, %max3A_10 : vector<1024x1xf32>
    %get3A_13 = arith.constant 0 : index
    %get3A_14 = arith.constant 0 : index
    %get3A_15 = arith.constant 0 : index
    %get3A_16 = vector.load %arg2[%get3A_13, %get3A_14, %get3A_15] : memref<2x1024x128xf32, #tpu.memory_space<vmem>>, vector<1x1024x128xf32>
    %get3A_17 = vector.shape_cast %get3A_16 : vector<1x1024x128xf32> to vector<1024x128xf32>
    %get3A_18 = arith.constant 1 : index
    %get3A_19 = arith.constant 0 : index
    %get3A_20 = arith.constant 0 : index
    %get3A_21 = vector.load %arg2[%get3A_18, %get3A_19, %get3A_20] : memref<2x1024x128xf32, #tpu.memory_space<vmem>>, vector<1x1024x128xf32>
    %get3A_22 = vector.shape_cast %get3A_21 : vector<1x1024x128xf32> to vector<1024x128xf32>
    %add3A_23 = arith.addf %get3A_17, %get3A_22 : vector<1024x128xf32>
    %mul3A = vector.broadcast %div3A_12 : vector<1024x1xf32> to vector<1024x128xf32>
    %mul3A_24 = arith.mulf %add3A_23, %mul3A : vector<1024x128xf32>
    %get3A_25 = arith.constant 0 : index
    %get3A_26 = arith.constant 0 : index
    %get3A_27 = vector.load %arg1[%get3A_25, %get3A_26] : memref<1024x128xf32, #tpu.memory_space<vmem>>, vector<1024x128xf32>
    %get3A_28 = arith.constant 0 : index
    %get3A_29 = arith.constant 0 : index
    %get3A_30 = vector.load %arg4[%get3A_28, %get3A_29] : memref<128x40xf32, #tpu.memory_space<vmem>>, vector<128x40xf32>
    %dot_general3A = arith.constant dense<0.000000e+00> : vector<1024x40xf32>
    %dot_general3A_31 = tpu.matmul %get3A_27, %get3A_30, %dot_general3A {dimension_numbers = #tpu.dot_dimension_numbers<[1], [0], [0], [1], [0, 0, 1, 1], [], []>, transpose_lhs_hint = false} : vector<1024x128xf32>, vector<128x40xf32>, vector<1024x40xf32> -> vector<1024x40xf32>
    %get3A_32 = arith.constant 0 : index
    %get3A_33 = arith.constant 0 : index
    %get3A_34 = vector.load %arg5[%get3A_32, %get3A_33] : memref<128x40xf32, #tpu.memory_space<vmem>>, vector<128x40xf32>
    %dot_general3A_35 = arith.constant dense<0.000000e+00> : vector<1024x40xf32>
    %dot_general3A_36 = tpu.matmul %mul3A_24, %get3A_34, %dot_general3A_35 {dimension_numbers = #tpu.dot_dimension_numbers<[1], [0], [0], [1], [0, 0, 1, 1], [], []>, transpose_lhs_hint = false} : vector<1024x128xf32>, vector<128x40xf32>, vector<1024x40xf32> -> vector<1024x40xf32>
    %add3A_37 = arith.addf %dot_general3A_31, %dot_general3A_36 : vector<1024x40xf32>
    %get3A_38 = arith.constant 0 : index
    %get3A_39 = arith.constant 0 : index
    %get3A_40 = vector.load %arg6[%get3A_38, %get3A_39] : memref<1x40xf32, #tpu.memory_space<vmem>>, vector<1x40xf32>
    %add3A_41 = vector.broadcast %get3A_40 : vector<1x40xf32> to vector<1024x40xf32>
    %add3A_42 = arith.addf %add3A_37, %add3A_41 : vector<1024x40xf32>
    %swap3A = arith.constant 0 : index
    %swap3A_43 = arith.constant 0 : index
    %swap3A_44 = vector.load %arg7[%swap3A, %swap3A_43] : memref<1024x40xf32, #tpu.memory_space<vmem>>, vector<1024x40xf32>
    tpu.vector_store %arg7[%swap3A, %swap3A_43], %add3A_42 {strides = array<i32>} : memref<1024x40xf32, #tpu.memory_space<vmem>>, vector<1024x40xf32>,
    return
  }
  func.func @transform_0(%arg0: i32) -> (i32, i32) {
    %c0_i32 = arith.constant 0 : i32
    %c0_i32_0 = arith.constant 0 : i32
    return %arg0, %c0_i32 : i32, i32
  }
  func.func @transform_1(%arg0: i32) -> (i32, i32, i32) {
    %c0_i32 = arith.constant 0 : i32
    %c0_i32_0 = arith.constant 0 : i32
    %c0_i32_1 = arith.constant 0 : i32
    return %c0_i32, %arg0, %c0_i32_0 : i32, i32, i32
  }
  func.func @transform_2(%arg0: i32) -> (i32, i32, i32) {
    %c0_i32 = arith.constant 0 : i32
    %c0_i32_0 = arith.constant 0 : i32
    %c0_i32_1 = arith.constant 0 : i32
    return %c0_i32, %arg0, %c0_i32_0 : i32, i32, i32
  }
  func.func @transform_3(%arg0: i32) -> (i32, i32) {
    %c0_i32 = arith.constant 0 : i32
    %c0_i32_0 = arith.constant 0 : i32
    %c0_i32_1 = arith.constant 0 : i32
    return %c0_i32, %c0_i32_0 : i32, i32
  }
  func.func @transform_4(%arg0: i32) -> (i32, i32) {
    %c0_i32 = arith.constant 0 : i32
    %c0_i32_0 = arith.constant 0 : i32
    %c0_i32_1 = arith.constant 0 : i32
    return %c0_i32, %c0_i32_0 : i32, i32
  }
  func.func @transform_5(%arg0: i32) -> (i32, i32) {
    %c0_i32 = arith.constant 0 : i32
    %c0_i32_0 = arith.constant 0 : i32
    %c0_i32_1 = arith.constant 0 : i32
    return %c0_i32, %c0_i32_0 : i32, i32
  }
  func.func @transform_6(%arg0: i32) -> (i32, i32) {
    %c0_i32 = arith.constant 0 : i32
    %c0_i32_0 = arith.constant 0 : i32
    return %arg0, %c0_i32 : i32, i32
  }
}

</mosaic_0001>

<sc_bundles>
// kernel: kernel.12.cloned.1.call-start
scs
__scs_entry_jumppad:
0x0: {  	(pc) =	sbr.rel $0x88, $3  }
0x1: {  	(tag) =	ssettag $0x0;
	lr =	simm.s32 $0x1  }
0x2: {  	[smem:$0x3F96] =	sst lr;
	_ =	strace $0xD0000000  }
0x3: {  	_ = 	snop  }
0x4: {  	_ = 	snop  }
0x5: {  	_ = 	snop  }
0x6: {  	_ = 	snop  }
0x7: {  	_ = 	snop  }
__scs_overlays_trampoline_lowered:
0x8: {  	[smem:$0x3FA5] =	sst s0  }
0x9: {  	[smem:$0x3FA6] =	sst s1  }
0xa: {  	[smem:$0x3FA7] =	sst s2  }
0xb: {  	[smem:$0x3FA8] =	sst s3  }
0xc: {  	[smem:$0x3FA9] =	sst s4  }
0xd: {  	[smem:$0x3FAA] =	sst s5  }
0xe: {  	[smem:$0x3FAB] =	sst s6  }
0xf: {  	[smem:$0x3FAC] =	sst s7  }
0x10: {  	[smem:$0x3FAD] =	sst s8  }
0x11: {  	[smem:$0x3FAE] =	sst s9;
	s0 =	simm.s32 @!p0 $0x0  }
0x12: {  	s1 =	sld [smem:$0x3F94];
	s0 =	simm.s32 @p0 $0x1  }
0x13: {  	[smem:$0x3FAF] =	sst s0;
	s0 =	simm.s32 @!p1 $0x0  }
0x14: {  	s2 =	sld [smem:$0x3F93];
	s0 =	simm.s32 @p1 $0x1  }
0x15: {  	[smem:$0x3FB0] =	sst s0;
	s0 =	simm.s32 @!p2 $0x0  }
0x16: {  	s3 =	sld [smem:$0x3FDB];
	s0 =	simm.s32 @p2 $0x1  }
0x17: {  	s4 =	simm.s32 $0x1BF5;
	[smem:$0x3FB2] =	sst s0  }
0x18: {  	s0 =	sld [smem:$0x3F95];
	_ =	swait.ge [sflag:s4], $0x0  }
0x19: {  	s7 =	sld [smem:$0x3F96]  }
0x1a: {  	s8 =	sadd.s32 $0xFFFFE003, lr  }
0x1b: {  	s9 =	sadd.s32 $0xFFFFFEF7, lr;
	s5 =	simm.s32 $0xFFFFFFFF;
	p2 =	slt.u32 s8, $0xFFFFF086  }
0x1c: {  	p1 =	slt.u32 s9, $0xF7A;
	s5 =	simm.s32 @!p2 $0x0  }
0x1d: {  	s5 =	simm.s32 @p1 $0x1;
	p0 =	seq.s32 s7, s2  }
0x1e: {  	s7 =	smul.u32 @!p0 $0xF7A, s2;
	p2 =	seq.s32 @!p0 s5, $0x0  }
0x1f: {  	s9 =	smul.u32 $0xF7A, s1;
	s8 =	simm.s32 @!p0 $0x1BF5;
	p2 =	por !p2, p0  }
0x20: {  	[sflag:s8] =	ssyncset.s32 @!p0 $0xFFFFF086;
	s6 =	sadd.s32 @!p0 s3, s7;
	s7 =	simm.s32 @!p0 $0x108  }
0x21: {  	s3 =	sadd.s32 s3, s9;
	s6 =	sadd.s32 @!p0 $0x88, s6;
	s7 =	simm.s32 @p2 $0x1082  }
0x22: {  	[simem:s7], [sflag:s8] =	dma.local @!p0 [hbm:s6], $0xF7A  }
0x23: {  	s9 =	sor.u32 $0xD0000000, s2;
	s6 =	simm.s32 $0x108;
	_ =	swait.ge @!p0 [sflag:s8], $0x0  }
0x24: {  	s3 =	sadd.s32 $0x88, s3;
	s6 =	simm.s32 @!p1 $0x1082;
	[sflag:s4] =	ssyncset.s32 $0xFFFFF086  }
0x25: {  	[simem:s6], [sflag:s4] =	dma.local [hbm:s3], $0xF7A  }
0x26: {  	[smem:$0x3F96] =	sst s1;
	(tag) =	ssettag s2;
	_ =	strace s9  }
0x27: {  	s1 =	sld [smem:$0x3FA6]  }
0x28: {  	s2 =	sld [smem:$0x3FA7]  }
0x29: {  	s4 =	sld [smem:$0x3FA9]  }
0x2a: {  	p0 =	seq.s32 s5, $0x0;
	s5 =	sld [smem:$0x3FAA]  }
0x2b: {  	s6 =	sld [smem:$0x3FAB]  }
0x2c: {  	s7 =	sld [smem:$0x3FAC]  }
0x2d: {  	s3 =	simm.s32 $0x108;
	s8 =	sld [smem:$0x3FAD]  }
0x2e: {  	s3 =	simm.s32 @!p0 $0x1082;
	s9 =	sld [smem:$0x3FAE]  }
0x2f: {  	lr =	sadd.s32 s0, s3;
	s0 =	sld [smem:$0x3FA5]  }
0x30: {  	s3 =	sld [smem:$0x3FA8]  }
0x31: {  	[smem:$0x3FB1] =	sst s10  }
0x32: {  	s10 =	sld [smem:$0x3FAF];
	_ =	sdelay $0x3  }
0x33: {  	p0 =	seq.s32 s10, $0x1;
	s10 =	sld [smem:$0x3FB1];
	_ =	sdelay $0x3  }
0x34: {  	[smem:$0x3FB1] =	sst s10  }
0x35: {  	s10 =	sld [smem:$0x3FB0];
	_ =	sdelay $0x3  }
0x36: {  	p1 =	seq.s32 s10, $0x1;
	s10 =	sld [smem:$0x3FB1];
	_ =	sdelay $0x3  }
0x37: {  	[smem:$0x3FB1] =	sst s10  }
0x38: {  	s10 =	sld [smem:$0x3FB2]  }
0x39: {  	_ = 	snop;
	(pc) =	sbr.ind lr, $3  }
0x3a: {  	_ = 	snop  }
0x3b: {  	_ = 	snop  }
0x3c: {  	p2 =	seq.s32 s10, $0x1;
	s10 =	sld [smem:$0x3FB1]  }
0x3d: {  	_ =	shalt  }
0x3e: {  	_ =	shalt  }
0x3f: {  	_ =	shalt  }
0x40: {  	_ =	shalt  }
0x41: {  	_ =	shalt  }
0x42: {  	_ =	shalt  }
0x43: {  	_ =	shalt  }
0x44: {  	_ =	shalt  }
0x45: {  	_ =	shalt  }
0x46: {  	_ =	shalt  }
0x47: {  	_ =	shalt  }
0x48: {  	_ =	shalt  }
0x49: {  	_ =	shalt  }
0x4a: {  	_ =	shalt  }
0x4b: {  	_ =	shalt  }
0x4c: {  	_ =	shalt  }
0x4d: {  	_ =	shalt  }
0x4e: {  	_ =	shalt  }
0x4f: {  	_ =	shalt  }
0x50: {  	_ =	shalt  }
0x51: {  	_ =	shalt  }
0x52: {  	_ =	shalt  }
0x53: {  	_ =	shalt  }
0x54: {  	_ =	shalt  }
0x55: {  	_ =	shalt  }
0x56: {  	_ =	shalt  }
0x57: {  	_ =	shalt  }
0x58: {  	_ =	shalt  }
0x59: {  	_ =	shalt  }
0x5a: {  	_ =	shalt  }
0x5b: {  	_ =	shalt  }
0x5c: {  	_ =	shalt  }
0x5d: {  	_ =	shalt  }
0x5e: {  	_ =	shalt  }
0x5f: {  	_ =	shalt  }
0x60: {  	_ =	shalt  }
0x61: {  	_ =	shalt  }
0x62: {  	_ =	shalt  }
0x63: {  	_ =	shalt  }
0x64: {  	_ =	shalt  }
0x65: {  	_ =	shalt  }
0x66: {  	_ =	shalt  }
0x67: {  	_ =	shalt  }
0x68: {  	_ =	shalt  }
0x69: {  	_ =	shalt  }
0x6a: {  	_ =	shalt  }
0x6b: {  	_ =	shalt  }
0x6c: {  	_ =	shalt  }
0x6d: {  	_ =	shalt  }
0x6e: {  	_ =	shalt  }
0x6f: {  	_ =	shalt  }
0x70: {  	_ =	shalt  }
0x71: {  	_ =	shalt  }
0x72: {  	_ =	shalt  }
0x73: {  	_ =	shalt  }
0x74: {  	_ =	shalt  }
0x75: {  	_ =	shalt  }
0x76: {  	_ =	shalt  }
0x77: {  	_ =	shalt  }
0x78: {  	_ =	shalt  }
0x79: {  	_ =	shalt  }
0x7a: {  	_ =	shalt  }
0x7b: {  	_ =	shalt  }
0x7c: {  	_ =	shalt  }
0x7d: {  	_ =	shalt  }
0x7e: {  	_ =	shalt  }
0x7f: {  	_ =	shalt  }
0x80: {  	_ =	shalt  }
0x81: {  	_ =	shalt  }
0x82: {  	_ =	shalt  }
0x83: {  	_ =	shalt  }
0x84: {  	_ =	shalt  }
0x85: {  	_ =	shalt  }
0x86: {  	_ =	shalt  }
0x87: {  	_ =	shalt  }
.Lfunc_end0:
.L_simem_size_0:
called_computation.1_lowered:
.L_overlay_start_0:
0x88: {  	s2 =	sld [smem:$0x3FD9]  }
0x89: {  	s3 =	sld [smem:$0x3FFE];
	_ =	sdelay $0x1  }
0x8a: {  	s1 =	srdreg.scid  }
0x8b: {  	s0 =	sand.u32 $0x1, s1  }
0x8c: {  	s17 =	sshll.u32 s0, $0xA;
	s2 =	sadd.s32 s3, s2  }
0x8d: {  	s2 =	sadd.s32 s2, s17  }
0x8e: {  	[smem:$0x3FBD] =	sst s2  }
0x8f: {  	_ = 	snop  }
0x90: {  	s2 =	sld [smem:$0x3FD0];
	(tm) =	ssettm $0x1  }
0x91: {  	s18 =	sld [smem:$0x3FFB];
	_ =	sdelay $0x3  }
0x92: {  	_ =	strace s18  }
0x93: {  	s3 =	sld [smem:$0x3FFC];
	_ =	sdelay $0x3  }
0x94: {  	_ =	strace s3  }
0x95: {  	s3 =	sld [smem:$0x3FFD];
	_ =	sdelay $0x3  }
0x96: {  	_ =	strace s3  }
0x97: {  	_ =	strace $0x8FFFFFFF  }
0x98: {  	s19 =	sld [smem:$0x3FDB];
	_ =	sdelay $0x1  }
0x99: {  	s4 =	simm.s32 $_scs_section_size  }
0x9a: {  	s5 =	simm.s32 $_size__tile_overlayer_lowered;
	s6 =	simm.s32 $_tile_overlayer_lowered  }
0x9b: {  	s22 =	simm.s32 $0x1BFF;
	s21 =	sshll.u32 s6, $0x1;
	s3 =	sadd.s32 s4, s19  }
0x9c: {  	s7 =	simm.s32 $0x0;
	s20 =	sshll.u32 s5, $0x1;
	s5 =	sadd.s32 s21, s3  }
0x9d: {  	[timem:s7], [sflag:s22] =	dma.local [hbm:s5], s20  }
0x9e: {  	_ =	swait.ge [sflag:s22], s20  }
0x9f: {  	s4 =	ssub.s32 $0x0, s20;
	[sflag:s22] =	ssyncset.done $0x0  }
0xa0: {  	[sflag:s22] =	ssyncadd.s32 s4;
	_ =	sdelay $0x1  }
0xa1: {  	s23 =	simm.s32 $0x1B8B  }
0xa2: {  	_ =	swait.ge [sflag:s23], $0x1  }
0xa3: {  	[sflag:s23] =	ssyncset.done $0x0  }
0xa4: {  	s25 =	simm.s32 $0x1B8E;
	s24 =	sld [smem:$0x3FFE];
	[sflag:s23] =	ssyncadd.s32 $0xFFFFFFFF  }
0xa5: {  	s26 =	simm.s32 $execute0_lowered;
	[smem:$0x3FD2] =	sst s25  }
0xa6: {  	s5 =	sshll.u32 s26, $0x1;
	_ =	strace $0x80000046;
	[dreg:$0x1] =	wrdreg $0xFFFFFFFF  }
0xa7: {  	s28 =	simm.s32 $_size_execute0_lowered;
	s3 =	sadd.s32 s3, s5;
	[dreg:$0x0] =	wrdreg $0x0  }
0xa8: {  	s5 =	sshll.u32 s28, $0x1;
	[dreg:$0x2] =	wrdreg s3  }
0xa9: {  	[dreg:$0x3] =	wrdreg s5  }
0xaa: {  	[dreg:$0x4] =	wrdreg $0xC0  }
0xab: {  	_ =	task [dreg:s7], $0x5FFFF  }
0xac: {  	[dreg:$0x1] =	wrdreg $0xFFFFFFFF  }
0xad: {  	[dreg:$0x0] =	wrdreg $0x60  }
0xae: {  	[dreg:$0x2] =	wrdreg s24  }
0xaf: {  	[dreg:$0x3] =	wrdreg s2  }
0xb0: {  	[dreg:$0x4] =	wrdreg $0xA8000  }
0xb1: {  	[dreg:$0x5] =	wrdreg $0xA  }
0xb2: {  	_ =	task.clear_ibuf [dreg:s7], $0x6FFFF;
	_ =	strace $0x90000046  }
0xb3: {  	s29 =	simm.s32 $0xA;
	_ =	strace $0x80000048  }
0xb4: {  	_ =	swait.ge [sflag:s29], $0x1  }
0xb5: {  	[sflag:s29] =	ssyncadd.s32 $0xFFFFFFFF  }
0xb6: {  	_ =	strace $0x90000048  }
0xb7: {  	_ =	sfence  }
0xb8: {  	s30 =	sld [smem:$0x0];
	_ =	sdelay $0x2  }
0xb9: {  	s31 =	sshll.u32 s1, $0xD;
	s1 =	sshrl.u32 s1, $0x2  }
0xba: {  	s3 =	sand.u32 $0x4000, s31;
	s1 =	sadd.s32 s1, s30  }
0xbb: {  	s0 =	sor.u32 s3, s0;
	s1 =	sshll.u32 s1, $0x11  }
0xbc: {  	s0 =	sor.u32 s1, s0  }
0xbd: {  	s0 =	sadd.s32 $0x8F2B, s0  }
0xbe: {  	[sflag:s0] =	ssyncadd.remote.s32 $0x1  }
0xbf: {  	_ =	sfence.sel $0xFFFF  }
0xc0: {  	[dreg:$0x0] =	wrdreg $0xFFFFFFFF;
	(pc) =	sbr.abs _section_cstart, $3  }
0xc1: {  	[dreg:$0x1] =	wrdreg $0xFFFFFFFF  }
0xc2: {  	_ =	task.clear_ibuf [dreg:s7], $0x2FFFF;
	_ =	strace $0x9FFFFFFF  }
0xc3: {  	(tm) =	ssettm $0x7FFFFFFF  }
tec
execute0_lowered:
.L_overlay_start_1:
0x0: {  	(tag) =	ssettag $0x1  }
0x1: {  	s0 =	rddreg [dreg:$0x0]  }
0x2: {  	s2 =	rddreg [dreg:$0x2];
	s1 =	srdreg.scid  }
0x3: {  	s22 =	simm.s32 $0x0;
	s10 =	stileid.u32;
	s13 =	simm.s32 $0x9  }
0x4: {  	s28 =	simm.s32 $0x4800;
	s29 =	simm.s32 $0x1;
	s30 =	simm.s32 $0x2  }
0x5: {  	s31 =	simm.s32 $0x1480;
	s1 =	sand.u32 $0x1, s1;
	[smem:$0x7FF] =	sst s22  }
0x6: {  	s4 =	smul.u32 $0x14000, s10;
	s5 =	sadd.s32 $0x2B800, s0;
	s6 =	sadd.s32 $0x17800, s0  }
0x7: {  	s8 =	smul.u32 $0x50000, s10;
	s7 =	sadd.s32 $0x3800, s0;
	s23 =	sshll.u32 s10, $0x6  }
0x8: {  	s3 =	smul.u32 $0x140000, s1;
	_ =	strace $0x80000047;
	s18 =	ssub.s32 $0x2, s1  }
0x9: {  	s26 =	sor.u32 $0x1C09, s23;
	s9 =	sshrl.u32 s18, $0x1;
	s20 =	sshrl.u32 s8, $0x2  }
0xa: {  	[dreg:$0x5] =	wrdreg s26;
	s3 =	sadd.s32 s4, s3;
	s4 =	sadd.s32 s20, s2  }
0xb: {  	s19 =	ssub.s32 s18, s9;
	s3 =	sshrl.u32 s3, $0x3;
	s24 =	sadd.s32 $0x2000, s4  }
0xc: {  	s25 =	sadd.s32 $0x4000, s4;
	s11 =	sadd.s32 $0x6000, s4;
	s12 =	sadd.s32 $0x8000, s4  }
0xd: {  	s14 =	sadd.s32 $0xA000, s4;
	s15 =	sadd.s32 $0xC000, s4;
	s16 =	sadd.s32 $0xE000, s4  }
0xe: {  	s17 =	sadd.s32 $0x10000, s4;
	s18 =	sadd.s32 $0x12000, s4;
	s4 =	sshrl.u32 s4, $0x3  }
0xf: {  	s0 =	sadd.s32 s3, s0;
	s3 =	smax.u32 s19, $0x1;
	[dreg:$0x8] =	wrdreg s4  }
0x10: {  	s21 =	sshll.u32 s10, $0x1;
	s8 =	sshrl.u32 s24, $0x3;
	[dreg:$0x7] =	wrdreg s3  }
0x11: {  	s1 =	sor.u32 s1, s21;
	s10 =	sshrl.u32 s25, $0x3;
	[dreg:$0x9] =	wrdreg s8  }
0x12: {  	s9 =	smul.u32 $0x5000, s1;
	s11 =	sshrl.u32 s11, $0x3;
	[dreg:$0xa] =	wrdreg s10  }
0x13: {  	s19 =	sshrl.u32 s12, $0x3;
	s20 =	sshrl.u32 s14, $0x3;
	[dreg:$0xb] =	wrdreg s11  }
0x14: {  	s21 =	sshrl.u32 s15, $0x3;
	s23 =	sshrl.u32 s16, $0x3;
	[dreg:$0xc] =	wrdreg s19  }
0x15: {  	s24 =	sshrl.u32 s17, $0x3;
	s25 =	sshrl.u32 s18, $0x3;
	[dreg:$0xd] =	wrdreg s20  }
0x16: {  	s14 =	simm.s32 $0x5;
	s15 =	simm.s32 $0x6;
	[dreg:$0xe] =	wrdreg s21  }
0x17: {  	s16 =	simm.s32 $0x3;
	s17 =	simm.s32 $0x4;
	[dreg:$0xf] =	wrdreg s23  }
0x18: {  	s18 =	simm.s32 $0x1500;
	s0 =	sadd.s32 $0x53800, s0;
	[dreg:$0x10] =	wrdreg s24  }
0x19: {  	[dreg:$0x11] =	wrdreg s25;
	s23 =	simm.s32 $0x1400;
	s24 =	simm.s32 $0x40  }
0x1a: {  	s25 =	simm.s32 $0x2800;
	s3 =	simm.s32 $0x6800;
	s10 =	simm.s32 $0x180  }
0x1b: {  	s11 =	simm.s32 $0x8800;
	s19 =	simm.s32 $0x1580;
	s20 =	simm.s32 $0x7  }
0x1c: {  	s21 =	simm.s32 $0x8;
	[dreg:$0x6] =	wrdreg s0;
	s0 =	simm.s32 $0x100  }
.LBB2_1:
0x1d: {  	[dreg:$0x4] =	wrdreg s22  }
0x1e: {  	s1 =	rddreg [dreg:$0x1]  }
0x1f: {  	[spmem:s4], [sflag:s26] =	dma.local [hbm:s1], $0x400  }
0x20: {  	_ =	swait.ge [sflag:s13], $0x400  }
0x21: {  	[sflag:s13] =	ssyncset.done $0x0  }
0x22: {  	s8 =	rddreg [dreg:$0x9];
	[sflag:s13] =	ssyncadd.s32 $0xFFFFFC00  }
0x23: {  	[spmem:s8], [sflag:s26] =	dma.local [hbm:s1], $0x400  }
0x24: {  	_ =	swait.ge [sflag:s13], $0x400  }
0x25: {  	[sflag:s13] =	ssyncset.done $0x0  }
0x26: {  	s12 =	rddreg [dreg:$0xa];
	[sflag:s13] =	ssyncadd.s32 $0xFFFFFC00  }
0x27: {  	[spmem:s12], [sflag:s26] =	dma.local [hbm:s1], $0x400  }
0x28: {  	_ =	swait.ge [sflag:s13], $0x400  }
0x29: {  	[sflag:s13] =	ssyncset.done $0x0  }
0x2a: {  	s22 =	rddreg [dreg:$0xb];
	[sflag:s13] =	ssyncadd.s32 $0xFFFFFC00  }
0x2b: {  	[spmem:s22], [sflag:s26] =	dma.local [hbm:s1], $0x400  }
0x2c: {  	_ =	swait.ge [sflag:s13], $0x400  }
0x2d: {  	[sflag:s13] =	ssyncset.done $0x0  }
0x2e: {  	s8 =	rddreg [dreg:$0xc];
	[sflag:s13] =	ssyncadd.s32 $0xFFFFFC00  }
0x2f: {  	[spmem:s8], [sflag:s26] =	dma.local [hbm:s1], $0x400  }
0x30: {  	_ =	swait.ge [sflag:s13], $0x400  }
0x31: {  	[sflag:s13] =	ssyncset.done $0x0  }
0x32: {  	s12 =	rddreg [dreg:$0xd];
	[sflag:s13] =	ssyncadd.s32 $0xFFFFFC00  }
0x33: {  	[spmem:s12], [sflag:s26] =	dma.local [hbm:s1], $0x400  }
0x34: {  	_ =	swait.ge [sflag:s13], $0x400  }
0x35: {  	[sflag:s13] =	ssyncset.done $0x0  }
0x36: {  	s22 =	rddreg [dreg:$0xe];
	[sflag:s13] =	ssyncadd.s32 $0xFFFFFC00  }
0x37: {  	[spmem:s22], [sflag:s26] =	dma.local [hbm:s1], $0x400  }
0x38: {  	_ =	swait.ge [sflag:s13], $0x400  }
0x39: {  	[sflag:s13] =	ssyncset.done $0x0  }
0x3a: {  	s8 =	rddreg [dreg:$0xf];
	[sflag:s13] =	ssyncadd.s32 $0xFFFFFC00  }
0x3b: {  	[spmem:s8], [sflag:s26] =	dma.local [hbm:s1], $0x400  }
0x3c: {  	_ =	swait.ge [sflag:s13], $0x400  }
0x3d: {  	[sflag:s13] =	ssyncset.done $0x0  }
0x3e: {  	s12 =	rddreg [dreg:$0x10];
	[sflag:s13] =	ssyncadd.s32 $0xFFFFFC00  }
0x3f: {  	[spmem:s12], [sflag:s26] =	dma.local [hbm:s1], $0x400  }
0x40: {  	_ =	swait.ge [sflag:s13], $0x400  }
0x41: {  	[sflag:s13] =	ssyncset.done $0x0  }
0x42: {  	s22 =	rddreg [dreg:$0x11];
	[sflag:s13] =	ssyncadd.s32 $0xFFFFFC00  }
0x43: {  	[spmem:s22], [sflag:s26] =	dma.local [hbm:s1], $0x400  }
0x44: {  	_ =	swait.ge [sflag:s13], $0x400  }
0x45: {  	[sflag:s13] =	ssyncset.done $0x0  }
0x46: {  	[sflag:s13] =	ssyncadd.s32 $0xFFFFFC00  }
0x47: {  	s22 =	simm.s32 $0x0;
	[bflag:$0x0] =	sbarrier.arrive $0xFFFF  }
.LBB2_2:
0x48: {  	s1 =	smul.u32 $0x1400, s22;
	_ =	sdelay $0x1  }
0x49: {  	s1 =	sadd.s32 s9, s1  }
0x4a: {  	s1 =	sshrl.u32 s1, $0x3  }
0x4b: {  	s8 =	simm.s32 $0x0;
	s4 =	sadd.s32 s6, s1  }
0x4c: {  	[tilespmem:s8], [sflag:$0x9] =	stream.linear.gather [hbm4b:s4+s8], $0x1400, $0x38;
	[tilespmem:$0x1E800] =	vst v63  }
0x4d: {  	_ =	swait.ge [sflag:s13], $0x1400  }
0x4e: {  	[sflag:s13] =	ssyncset.done $0x0  }
0x4f: {  	s1 =	sadd.s32 s7, s1;
	[sflag:s13] =	ssyncadd.s32 $0xFFFFEC00  }
0x50: {  	[tilespmem:s23], [sflag:$0x9] =	stream.linear.gather [hbm4b:s1+s8], $0x1400, $0x38;
	[tilespmem:$0x1E800] =	vst v63  }
0x51: {  	_ =	swait.ge [sflag:s13], $0x1400  }
0x52: {  	[sflag:s13] =	ssyncset.done $0x0  }
0x53: {  	[sflag:s13] =	ssyncadd.s32 $0xFFFFEC00  }
0x54: {  	[tilespmem:s25], [sflag:$0x1] =	stream.indirect.gather [hbm4b:s5+s24], $0x80, s8, s24, $0xb8;
	[tilespmem:$0x1E800] =	vst v63  }
0x55: {  	s4 =	simm.s32 $0x80  }
0x56: {  	[tilespmem:s28], [sflag:$0x2] =	stream.indirect.gather [hbm4b:s5+s24], $0x80, s4, s24, $0xb8;
	[tilespmem:$0x1E800] =	vst v63  }
0x57: {  	_ =	swait.ge [sflag:s29], $0x2000  }
0x58: {  	[sflag:s29] =	ssyncset.done $0x0  }
0x59: {  	[sflag:s29] =	ssyncadd.s32 $0xFFFFE000  }
0x5a: {  	_ =	swait.ge [sflag:s30], $0x2000  }
0x5b: {  	[sflag:s30] =	ssyncset.done $0x0  }
0x5c: {  	[sflag:s30] =	ssyncadd.s32 $0xFFFFE000  }
0x5d: {  	[spmem:s2] =	stream.indirect.scatter.add.f32 [tilespmem:s25], [sflag:$0x5], $0x80, s23, s24, $0xb8;
	[tilespmem:$0x1E800] =	vst v63  }
0x5e: {  	_ = 	snop  }
0x5f: {  	[spmem:s2] =	stream.indirect.scatter.add.f32 [tilespmem:s28], [sflag:$0x6], $0x80, s31, s24, $0xb8;
	[tilespmem:$0x1E800] =	vst v63  }
0x60: {  	_ = 	snop  }
0x61: {  	[tilespmem:s3], [sflag:$0x3] =	stream.indirect.gather [hbm4b:s5+s24], $0x80, s0, s24, $0xb8;
	[tilespmem:$0x1E800] =	vst v63  }
0x62: {  	_ = 	snop  }
0x63: {  	[tilespmem:s11], [sflag:$0x4] =	stream.indirect.gather [hbm4b:s5+s24], $0x80, s10, s24, $0xb8;
	[tilespmem:$0x1E800] =	vst v63  }
0x64: {  	_ =	swait.ge [sflag:s14], $0x2000  }
0x65: {  	[sflag:s14] =	ssyncset.done $0x0  }
0x66: {  	[sflag:s14] =	ssyncadd.s32 $0xFFFFE000  }
0x67: {  	_ =	swait.ge [sflag:s15], $0x2000  }
0x68: {  	[sflag:s15] =	ssyncset.done $0x0  }
0x69: {  	[sflag:s15] =	ssyncadd.s32 $0xFFFFE000  }
0x6a: {  	_ =	swait.ge [sflag:s16], $0x2000  }
0x6b: {  	[sflag:s16] =	ssyncset.done $0x0  }
0x6c: {  	[sflag:s16] =	ssyncadd.s32 $0xFFFFE000  }
0x6d: {  	_ =	swait.ge [sflag:s17], $0x2000  }
0x6e: {  	[sflag:s17] =	ssyncset.done $0x0  }
0x6f: {  	[sflag:s17] =	ssyncadd.s32 $0xFFFFE000  }
0x70: {  	[spmem:s2] =	stream.indirect.scatter.add.f32 [tilespmem:s3], [sflag:$0x7], $0x80, s18, s24, $0xb8;
	[tilespmem:$0x1E800] =	vst v63  }
0x71: {  	_ = 	snop  }
0x72: {  	[spmem:s2] =	stream.indirect.scatter.add.f32 [tilespmem:s11], [sflag:$0x8], $0x80, s19, s24, $0xb8;
	[tilespmem:$0x1E800] =	vst v63  }
0x73: {  	s8 =	simm.s32 $0x200  }
0x74: {  	[tilespmem:s25], [sflag:$0x1] =	stream.indirect.gather [hbm4b:s5+s24], $0x80, s8, s24, $0xb8;
	[tilespmem:$0x1E800] =	vst v63  }
0x75: {  	s12 =	simm.s32 $0x280  }
0x76: {  	[tilespmem:s28], [sflag:$0x2] =	stream.indirect.gather [hbm4b:s5+s24], $0x80, s12, s24, $0xb8;
	[tilespmem:$0x1E800] =	vst v63  }
0x77: {  	_ =	swait.ge [sflag:s20], $0x2000  }
0x78: {  	[sflag:s20] =	ssyncset.done $0x0  }
0x79: {  	[sflag:s20] =	ssyncadd.s32 $0xFFFFE000  }
0x7a: {  	_ =	swait.ge [sflag:s21], $0x2000  }
0x7b: {  	[sflag:s21] =	ssyncset.done $0x0  }
0x7c: {  	[sflag:s21] =	ssyncadd.s32 $0xFFFFE000  }
0x7d: {  	_ =	swait.ge [sflag:s29], $0x2000  }
0x7e: {  	[sflag:s29] =	ssyncset.done $0x0  }
0x7f: {  	[sflag:s29] =	ssyncadd.s32 $0xFFFFE000  }
0x80: {  	_ =	swait.ge [sflag:s30], $0x2000  }
0x81: {  	[sflag:s30] =	ssyncset.done $0x0  }
0x82: {  	s26 =	simm.s32 $0x1600;
	[sflag:s30] =	ssyncadd.s32 $0xFFFFE000  }
0x83: {  	[spmem:s2] =	stream.indirect.scatter.add.f32 [tilespmem:s25], [sflag:$0x5], $0x80, s26, s24, $0xb8;
	[tilespmem:$0x1E800] =	vst v63  }
0x84: {  	s4 =	simm.s32 $0x1680  }
0x85: {  	[spmem:s2] =	stream.indirect.scatter.add.f32 [tilespmem:s28], [sflag:$0x6], $0x80, s4, s24, $0xb8;
	[tilespmem:$0x1E800] =	vst v63  }
0x86: {  	s8 =	simm.s32 $0x300  }
0x87: {  	[tilespmem:s3], [sflag:$0x3] =	stream.indirect.gather [hbm4b:s5+s24], $0x80, s8, s24, $0xb8;
	[tilespmem:$0x1E800] =	vst v63  }
0x88: {  	s12 =	simm.s32 $0x380  }
0x89: {  	[tilespmem:s11], [sflag:$0x4] =	stream.indirect.gather [hbm4b:s5+s24], $0x80, s12, s24, $0xb8;
	[tilespmem:$0x1E800] =	vst v63  }
0x8a: {  	_ =	swait.ge [sflag:s14], $0x2000  }
0x8b: {  	[sflag:s14] =	ssyncset.done $0x0  }
0x8c: {  	[sflag:s14] =	ssyncadd.s32 $0xFFFFE000  }
0x8d: {  	_ =	swait.ge [sflag:s15], $0x2000  }
0x8e: {  	[sflag:s15] =	ssyncset.done $0x0  }
0x8f: {  	[sflag:s15] =	ssyncadd.s32 $0xFFFFE000  }
0x90: {  	_ =	swait.ge [sflag:s16], $0x2000  }
0x91: {  	[sflag:s16] =	ssyncset.done $0x0  }
0x92: {  	[sflag:s16] =	ssyncadd.s32 $0xFFFFE000  }
0x93: {  	_ =	swait.ge [sflag:s17], $0x2000  }
0x94: {  	[sflag:s17] =	ssyncset.done $0x0  }
0x95: {  	s26 =	simm.s32 $0x1700;
	[sflag:s17] =	ssyncadd.s32 $0xFFFFE000  }
0x96: {  	[spmem:s2] =	stream.indirect.scatter.add.f32 [tilespmem:s3], [sflag:$0x7], $0x80, s26, s24, $0xb8;
	[tilespmem:$0x1E800] =	vst v63  }
0x97: {  	s1 =	simm.s32 $0x1000;
	s12 =	simm.s32 $0x200;
	s26 =	simm.s32 $0x1780  }
.LBB2_3:
0x98: {  	[spmem:s2] =	stream.indirect.scatter.add.f32 [tilespmem:s11], [sflag:$0x8], $0x80, s26, s24, $0xb8;
	[tilespmem:$0x1E800] =	vst v63  }
0x99: {  	s4 =	smov.u32 s1  }
0x9a: {  	s8 =	sadd.s32 $0x800, s1;
	s26 =	sadd.s32 $0x200, s12;
	s4 =	sshra.s32 s4, $0x2  }
0x9b: {  	[tilespmem:s25], [sflag:$0x1] =	stream.indirect.gather [hbm4b:s5+s24], $0x80, s26, s24, $0xb8;
	[tilespmem:$0x1E800] =	vst v63  }
0x9c: {  	p0 =	sne.s32 s1, $0x4000;
	s1 =	sadd.s32 $0x280, s12  }
0x9d: {  	[tilespmem:s28], [sflag:$0x2] =	stream.indirect.gather [hbm4b:s5+s24], $0x80, s1, s24, $0xb8;
	[tilespmem:$0x1E800] =	vst v63  }
0x9e: {  	_ =	swait.ge [sflag:s20], $0x2000  }
0x9f: {  	[sflag:s20] =	ssyncset.done $0x0  }
0xa0: {  	[sflag:s20] =	ssyncadd.s32 $0xFFFFE000  }
0xa1: {  	_ =	swait.ge [sflag:s21], $0x2000  }
0xa2: {  	[sflag:s21] =	ssyncset.done $0x0  }
0xa3: {  	[sflag:s21] =	ssyncadd.s32 $0xFFFFE000  }
0xa4: {  	_ =	swait.ge [sflag:s29], $0x2000  }
0xa5: {  	[sflag:s29] =	ssyncset.done $0x0  }
0xa6: {  	[sflag:s29] =	ssyncadd.s32 $0xFFFFE000  }
0xa7: {  	_ =	swait.ge [sflag:s30], $0x2000  }
0xa8: {  	[sflag:s30] =	ssyncset.done $0x0  }
0xa9: {  	s1 =	sadd.s32 $0x1600, s12;
	[sflag:s30] =	ssyncadd.s32 $0xFFFFE000  }
0xaa: {  	[spmem:s2] =	stream.indirect.scatter.add.f32 [tilespmem:s25], [sflag:$0x5], $0x80, s1, s24, $0xb8;
	[tilespmem:$0x1E800] =	vst v63  }
0xab: {  	s1 =	sadd.s32 $0x1680, s12  }
0xac: {  	[spmem:s2] =	stream.indirect.scatter.add.f32 [tilespmem:s28], [sflag:$0x6], $0x80, s1, s24, $0xb8;
	[tilespmem:$0x1E800] =	vst v63  }
0xad: {  	s1 =	sadd.s32 $0x300, s12  }
0xae: {  	[tilespmem:s3], [sflag:$0x3] =	stream.indirect.gather [hbm4b:s5+s24], $0x80, s1, s24, $0xb8;
	[tilespmem:$0x1E800] =	vst v63  }
0xaf: {  	s1 =	sadd.s32 $0x380, s12  }
0xb0: {  	[tilespmem:s11], [sflag:$0x4] =	stream.indirect.gather [hbm4b:s5+s24], $0x80, s1, s24, $0xb8;
	[tilespmem:$0x1E800] =	vst v63  }
0xb1: {  	_ =	swait.ge [sflag:s14], $0x2000  }
0xb2: {  	[sflag:s14] =	ssyncset.done $0x0  }
0xb3: {  	[sflag:s14] =	ssyncadd.s32 $0xFFFFE000  }
0xb4: {  	_ =	swait.ge [sflag:s15], $0x2000  }
0xb5: {  	[sflag:s15] =	ssyncset.done $0x0  }
0xb6: {  	[sflag:s15] =	ssyncadd.s32 $0xFFFFE000  }
0xb7: {  	_ =	swait.ge [sflag:s16], $0x2000  }
0xb8: {  	[sflag:s16] =	ssyncset.done $0x0  }
0xb9: {  	[sflag:s16] =	ssyncadd.s32 $0xFFFFE000  }
.Ltmp0:
0xba: {  	_ =	swait.ge [sflag:s17], $0x2000;
	(pc) =	sbr.rel @p0 .LBB2_3-.Ltmp0, $4  }
0xbb: {  	[sflag:s17] =	ssyncset.done $0x0  }
0xbc: {  	s1 =	sadd.s32 $0x1700, s12;
	[sflag:s17] =	ssyncadd.s32 $0xFFFFE000  }
0xbd: {  	[spmem:s2] =	stream.indirect.scatter.add.f32 [tilespmem:s3], [sflag:$0x7], $0x80, s1, s24, $0xb8;
	[tilespmem:$0x1E800] =	vst v63  }
0xbe: {  	s26 =	sadd.s32 $0x1780, s12;
	s12 =	smov.u32 s4;
	s1 =	smov.u32 s8  }
0xbf: {  	[spmem:s2] =	stream.indirect.scatter.add.f32 [tilespmem:s11], [sflag:$0x8], $0x80, s26, s24, $0xb8;
	[tilespmem:$0x1E800] =	vst v63  }
0xc0: {  	s1 =	sadd.s32 $0x200, s12  }
0xc1: {  	[tilespmem:s25], [sflag:$0x1] =	stream.indirect.gather [hbm4b:s5+s24], $0x80, s1, s24, $0xb8;
	[tilespmem:$0x1E800] =	vst v63  }
0xc2: {  	s26 =	sadd.s32 $0x280, s12  }
0xc3: {  	[tilespmem:s28], [sflag:$0x2] =	stream.indirect.gather [hbm4b:s5+s24], $0x80, s26, s24, $0xb8;
	[tilespmem:$0x1E800] =	vst v63  }
0xc4: {  	_ =	swait.ge [sflag:s20], $0x2000  }
0xc5: {  	[sflag:s20] =	ssyncset.done $0x0  }
0xc6: {  	[sflag:s20] =	ssyncadd.s32 $0xFFFFE000  }
0xc7: {  	_ =	swait.ge [sflag:s21], $0x2000  }
0xc8: {  	[sflag:s21] =	ssyncset.done $0x0  }
0xc9: {  	[sflag:s21] =	ssyncadd.s32 $0xFFFFE000  }
0xca: {  	_ =	swait.ge [sflag:s29], $0x2000  }
0xcb: {  	[sflag:s29] =	ssyncset.done $0x0  }
0xcc: {  	[sflag:s29] =	ssyncadd.s32 $0xFFFFE000  }
0xcd: {  	_ =	swait.ge [sflag:s30], $0x2000  }
0xce: {  	[sflag:s30] =	ssyncset.done $0x0  }
0xcf: {  	s4 =	sadd.s32 $0x1600, s12;
	[sflag:s30] =	ssyncadd.s32 $0xFFFFE000  }
0xd0: {  	[spmem:s2] =	stream.indirect.scatter.add.f32 [tilespmem:s25], [sflag:$0x5], $0x80, s4, s24, $0xb8;
	[tilespmem:$0x1E800] =	vst v63  }
0xd1: {  	s8 =	sadd.s32 $0x1680, s12  }
0xd2: {  	[spmem:s2] =	stream.indirect.scatter.add.f32 [tilespmem:s28], [sflag:$0x6], $0x80, s8, s24, $0xb8;
	[tilespmem:$0x1E800] =	vst v63  }
0xd3: {  	s26 =	sadd.s32 $0x300, s12  }
0xd4: {  	[tilespmem:s3], [sflag:$0x3] =	stream.indirect.gather [hbm4b:s5+s24], $0x80, s26, s24, $0xb8;
	[tilespmem:$0x1E800] =	vst v63  }
0xd5: {  	s4 =	sadd.s32 $0x380, s12  }
0xd6: {  	[tilespmem:s11], [sflag:$0x4] =	stream.indirect.gather [hbm4b:s5+s24], $0x80, s4, s24, $0xb8;
	[tilespmem:$0x1E800] =	vst v63  }
0xd7: {  	_ =	swait.ge [sflag:s14], $0x2000  }
0xd8: {  	[sflag:s14] =	ssyncset.done $0x0  }
0xd9: {  	[sflag:s14] =	ssyncadd.s32 $0xFFFFE000  }
0xda: {  	_ =	swait.ge [sflag:s15], $0x2000  }
0xdb: {  	[sflag:s15] =	ssyncset.done $0x0  }
0xdc: {  	[sflag:s15] =	ssyncadd.s32 $0xFFFFE000  }
0xdd: {  	_ =	swait.ge [sflag:s16], $0x2000  }
0xde: {  	[sflag:s16] =	ssyncset.done $0x0  }
0xdf: {  	[sflag:s16] =	ssyncadd.s32 $0xFFFFE000  }
0xe0: {  	_ =	swait.ge [sflag:s17], $0x2000  }
0xe1: {  	[sflag:s17] =	ssyncset.done $0x0  }
0xe2: {  	s8 =	sadd.s32 $0x1700, s12;
	[sflag:s17] =	ssyncadd.s32 $0xFFFFE000  }
0xe3: {  	[spmem:s2] =	stream.indirect.scatter.add.f32 [tilespmem:s3], [sflag:$0x7], $0x80, s8, s24, $0xb8;
	[tilespmem:$0x1E800] =	vst v63  }
0xe4: {  	s22 =	sadd.s32 $0x1, s22;
	s26 =	sadd.s32 $0x1780, s12  }
0xe5: {  	[spmem:s2] =	stream.indirect.scatter.add.f32 [tilespmem:s11], [sflag:$0x8], $0x80, s26, s24, $0xb8;
	[tilespmem:$0x1E800] =	vst v63  }
0xe6: {  	p0 =	sne.s32 s22, $0x4;
	_ =	swait.ge [sflag:s20], $0x2000  }
.Ltmp1:
0xe7: {  	[sflag:s20] =	ssyncset.done $0x0;
	(pc) =	sbr.rel @p0 .LBB2_2-.Ltmp1, $4  }
0xe8: {  	[sflag:s20] =	ssyncadd.s32 $0xFFFFE000  }
0xe9: {  	_ =	swait.ge [sflag:s21], $0x2000  }
0xea: {  	[sflag:s21] =	ssyncset.done $0x0  }
0xeb: {  	[sflag:s21] =	ssyncadd.s32 $0xFFFFE000  }
0xec: {  	[bflag:$0x0] =	sbarrier.arrive $0xFFFF  }
0xed: {  	s26 =	rddreg [dreg:$0x5]  }
0xee: {  	s1 =	rddreg [dreg:$0x6]  }
0xef: {  	s4 =	rddreg [dreg:$0x8]  }
0xf0: {  	[hbm:s1], [sflag:s26] =	dma.local [spmem:s4], $0x2800  }
0xf1: {  	_ =	swait.ge [sflag:s13], $0x2800  }
0xf2: {  	s22 =	rddreg [dreg:$0x4]  }
0xf3: {  	s12 =	rddreg [dreg:$0x7];
	s22 =	sadd.s32 $0x1, s22  }
0xf4: {  	p0 =	sne.s32 s22, s12  }
.Ltmp2:
0xf5: {  	_ = 	snop;
	(pc) =	sbr.rel @p0 .LBB2_1-.Ltmp2, $3  }
0xf6: {  	_ =	sdelay $0x1  }
0xf7: {  	[sflag:s13] =	ssyncset.done $0x0  }
0xf8: {  	[sflag:s13] =	ssyncadd.s32 $0xFFFFD800  }
0xf9: {  	_ =	sfence.sel $0x180000  }
0xfa: {  	[bflag:$0x0] =	sbarrier.arrive $0xFFFF  }
0xfb: {  	_ =	strace $0x90000047  }
0xfc: {  	s0 =	stileid.u32;
	[bflag:$0x2] =	sbarrier.arrive $0xFFFF  }
0xfd: {  	p0 =	sne.s32 s0, $0x0;
	s0 =	rddreg [dreg:$0x3]  }
0xfe: {  	s0 =	sadd.s32 @!p0 $0x100000, s0  }
0xff: {  	[sflag:s0] =	ssyncadd.tile.s32 @!p0 $0x1;
	_ =	shalt  }
.Lfunc_end2:
_tile_overlayer_lowered:
.L_overlay_start_2:
0x100: {  	(tag) =	ssettag $0x2  }
0x101: {  	s0 =	rddreg [dreg:$0x0];
	s2 =	stileid.u32  }
0x102: {  	s1 =	rddreg [dreg:$0x1];
	p0 =	sne.s32 s2, $0x0  }
0x103: {  	s3 =	rddreg [dreg:$0x2];
	[bflag:$0x3] =	sbarrier.arrive $0xFFFF;
	s2 =	simm.s32 @!p0 $0x1C09  }
0x104: {  	[timem:s3], [sflag:s2] =	dma.local @!p0 [hbm:s0], s1  }
0x105: {  	s0 =	simm.s32 @!p0 $0x9  }
0x106: {  	_ =	swait.ge @!p0 [sflag:s0], s1  }
0x107: {  	s1 =	ssub.s32 @!p0 $0x0, s1;
	[sflag:s0] =	ssyncset.done @!p0 $0x0  }
0x108: {  	[sflag:s0] =	ssyncadd.s32 @!p0 s1  }
0x109: {  	[bflag:$0x3] =	sbarrier.arrive $0xFFFF  }
0x10a: {  	_ =	shalt  }

// kernel: kernel.15.cloned.1.call-start
scs
__scs_entry_jumppad:
0x0: {  	(pc) =	sbr.rel $0x88, $3  }
0x1: {  	(tag) =	ssettag $0x0;
	lr =	simm.s32 $0x1  }
0x2: {  	[smem:$0x3F96] =	sst lr;
	_ =	strace $0xD0000000  }
0x3: {  	_ = 	snop  }
0x4: {  	_ = 	snop  }
0x5: {  	_ = 	snop  }
0x6: {  	_ = 	snop  }
0x7: {  	_ = 	snop  }
__scs_overlays_trampoline_lowered:
0x8: {  	[smem:$0x3FA5] =	sst s0  }
0x9: {  	[smem:$0x3FA6] =	sst s1  }
0xa: {  	[smem:$0x3FA7] =	sst s2  }
0xb: {  	[smem:$0x3FA8] =	sst s3  }
0xc: {  	[smem:$0x3FA9] =	sst s4  }
0xd: {  	[smem:$0x3FAA] =	sst s5  }
0xe: {  	[smem:$0x3FAB] =	sst s6  }
0xf: {  	[smem:$0x3FAC] =	sst s7  }
0x10: {  	[smem:$0x3FAD] =	sst s8  }
0x11: {  	[smem:$0x3FAE] =	sst s9;
	s0 =	simm.s32 @!p0 $0x0  }
0x12: {  	s1 =	sld [smem:$0x3F94];
	s0 =	simm.s32 @p0 $0x1  }
0x13: {  	[smem:$0x3FAF] =	sst s0;
	s0 =	simm.s32 @!p1 $0x0  }
0x14: {  	s2 =	sld [smem:$0x3F93];
	s0 =	simm.s32 @p1 $0x1  }
0x15: {  	[smem:$0x3FB0] =	sst s0;
	s0 =	simm.s32 @!p2 $0x0  }
0x16: {  	s3 =	sld [smem:$0x3FDB];
	s0 =	simm.s32 @p2 $0x1  }
0x17: {  	s4 =	simm.s32 $0x1BF5;
	[smem:$0x3FB2] =	sst s0  }
0x18: {  	s0 =	sld [smem:$0x3F95];
	_ =	swait.ge [sflag:s4], $0x0  }
0x19: {  	s7 =	sld [smem:$0x3F96]  }
0x1a: {  	s8 =	sadd.s32 $0xFFFFE003, lr  }
0x1b: {  	s9 =	sadd.s32 $0xFFFFFEF7, lr;
	s5 =	simm.s32 $0xFFFFFFFF;
	p2 =	slt.u32 s8, $0xFFFFF086  }
0x1c: {  	p1 =	slt.u32 s9, $0xF7A;
	s5 =	simm.s32 @!p2 $0x0  }
0x1d: {  	s5 =	simm.s32 @p1 $0x1;
	p0 =	seq.s32 s7, s2  }
0x1e: {  	s7 =	smul.u32 @!p0 $0xF7A, s2;
	p2 =	seq.s32 @!p0 s5, $0x0  }
0x1f: {  	s9 =	smul.u32 $0xF7A, s1;
	s8 =	simm.s32 @!p0 $0x1BF5;
	p2 =	por !p2, p0  }
0x20: {  	[sflag:s8] =	ssyncset.s32 @!p0 $0xFFFFF086;
	s6 =	sadd.s32 @!p0 s3, s7;
	s7 =	simm.s32 @!p0 $0x108  }
0x21: {  	s3 =	sadd.s32 s3, s9;
	s6 =	sadd.s32 @!p0 $0x88, s6;
	s7 =	simm.s32 @p2 $0x1082  }
0x22: {  	[simem:s7], [sflag:s8] =	dma.local @!p0 [hbm:s6], $0xF7A  }
0x23: {  	s9 =	sor.u32 $0xD0000000, s2;
	s6 =	simm.s32 $0x108;
	_ =	swait.ge @!p0 [sflag:s8], $0x0  }
0x24: {  	s3 =	sadd.s32 $0x88, s3;
	s6 =	simm.s32 @!p1 $0x1082;
	[sflag:s4] =	ssyncset.s32 $0xFFFFF086  }
0x25: {  	[simem:s6], [sflag:s4] =	dma.local [hbm:s3], $0xF7A  }
0x26: {  	[smem:$0x3F96] =	sst s1;
	(tag) =	ssettag s2;
	_ =	strace s9  }
0x27: {  	s1 =	sld [smem:$0x3FA6]  }
0x28: {  	s2 =	sld [smem:$0x3FA7]  }
0x29: {  	s4 =	sld [smem:$0x3FA9]  }
0x2a: {  	p0 =	seq.s32 s5, $0x0;
	s5 =	sld [smem:$0x3FAA]  }
0x2b: {  	s6 =	sld [smem:$0x3FAB]  }
0x2c: {  	s7 =	sld [smem:$0x3FAC]  }
0x2d: {  	s3 =	simm.s32 $0x108;
	s8 =	sld [smem:$0x3FAD]  }
0x2e: {  	s3 =	simm.s32 @!p0 $0x1082;
	s9 =	sld [smem:$0x3FAE]  }
0x2f: {  	lr =	sadd.s32 s0, s3;
	s0 =	sld [smem:$0x3FA5]  }
0x30: {  	s3 =	sld [smem:$0x3FA8]  }
0x31: {  	[smem:$0x3FB1] =	sst s10  }
0x32: {  	s10 =	sld [smem:$0x3FAF];
	_ =	sdelay $0x3  }
0x33: {  	p0 =	seq.s32 s10, $0x1;
	s10 =	sld [smem:$0x3FB1];
	_ =	sdelay $0x3  }
0x34: {  	[smem:$0x3FB1] =	sst s10  }
0x35: {  	s10 =	sld [smem:$0x3FB0];
	_ =	sdelay $0x3  }
0x36: {  	p1 =	seq.s32 s10, $0x1;
	s10 =	sld [smem:$0x3FB1];
	_ =	sdelay $0x3  }
0x37: {  	[smem:$0x3FB1] =	sst s10  }
0x38: {  	s10 =	sld [smem:$0x3FB2]  }
0x39: {  	_ = 	snop;
	(pc) =	sbr.ind lr, $3  }
0x3a: {  	_ = 	snop  }
0x3b: {  	_ = 	snop  }
0x3c: {  	p2 =	seq.s32 s10, $0x1;
	s10 =	sld [smem:$0x3FB1]  }
0x3d: {  	_ =	shalt  }
0x3e: {  	_ =	shalt  }
0x3f: {  	_ =	shalt  }
0x40: {  	_ =	shalt  }
0x41: {  	_ =	shalt  }
0x42: {  	_ =	shalt  }
0x43: {  	_ =	shalt  }
0x44: {  	_ =	shalt  }
0x45: {  	_ =	shalt  }
0x46: {  	_ =	shalt  }
0x47: {  	_ =	shalt  }
0x48: {  	_ =	shalt  }
0x49: {  	_ =	shalt  }
0x4a: {  	_ =	shalt  }
0x4b: {  	_ =	shalt  }
0x4c: {  	_ =	shalt  }
0x4d: {  	_ =	shalt  }
0x4e: {  	_ =	shalt  }
0x4f: {  	_ =	shalt  }
0x50: {  	_ =	shalt  }
0x51: {  	_ =	shalt  }
0x52: {  	_ =	shalt  }
0x53: {  	_ =	shalt  }
0x54: {  	_ =	shalt  }
0x55: {  	_ =	shalt  }
0x56: {  	_ =	shalt  }
0x57: {  	_ =	shalt  }
0x58: {  	_ =	shalt  }
0x59: {  	_ =	shalt  }
0x5a: {  	_ =	shalt  }
0x5b: {  	_ =	shalt  }
0x5c: {  	_ =	shalt  }
0x5d: {  	_ =	shalt  }
0x5e: {  	_ =	shalt  }
0x5f: {  	_ =	shalt  }
0x60: {  	_ =	shalt  }
0x61: {  	_ =	shalt  }
0x62: {  	_ =	shalt  }
0x63: {  	_ =	shalt  }
0x64: {  	_ =	shalt  }
0x65: {  	_ =	shalt  }
0x66: {  	_ =	shalt  }
0x67: {  	_ =	shalt  }
0x68: {  	_ =	shalt  }
0x69: {  	_ =	shalt  }
0x6a: {  	_ =	shalt  }
0x6b: {  	_ =	shalt  }
0x6c: {  	_ =	shalt  }
0x6d: {  	_ =	shalt  }
0x6e: {  	_ =	shalt  }
0x6f: {  	_ =	shalt  }
0x70: {  	_ =	shalt  }
0x71: {  	_ =	shalt  }
0x72: {  	_ =	shalt  }
0x73: {  	_ =	shalt  }
0x74: {  	_ =	shalt  }
0x75: {  	_ =	shalt  }
0x76: {  	_ =	shalt  }
0x77: {  	_ =	shalt  }
0x78: {  	_ =	shalt  }
0x79: {  	_ =	shalt  }
0x7a: {  	_ =	shalt  }
0x7b: {  	_ =	shalt  }
0x7c: {  	_ =	shalt  }
0x7d: {  	_ =	shalt  }
0x7e: {  	_ =	shalt  }
0x7f: {  	_ =	shalt  }
0x80: {  	_ =	shalt  }
0x81: {  	_ =	shalt  }
0x82: {  	_ =	shalt  }
0x83: {  	_ =	shalt  }
0x84: {  	_ =	shalt  }
0x85: {  	_ =	shalt  }
0x86: {  	_ =	shalt  }
0x87: {  	_ =	shalt  }
.Lfunc_end0:
.L_simem_size_0:
called_computation.2_lowered:
.L_overlay_start_0:
0x88: {  	s2 =	sld [smem:$0x3FD9]  }
0x89: {  	s3 =	sld [smem:$0x3FFE];
	_ =	sdelay $0x1  }
0x8a: {  	s1 =	srdreg.scid  }
0x8b: {  	s0 =	sand.u32 $0x1, s1  }
0x8c: {  	s17 =	sshll.u32 s0, $0xA;
	s2 =	sadd.s32 s3, s2  }
0x8d: {  	s2 =	sadd.s32 s2, s17  }
0x8e: {  	[smem:$0x3FBD] =	sst s2  }
0x8f: {  	_ = 	snop  }
0x90: {  	s2 =	sld [smem:$0x3FD0];
	(tm) =	ssettm $0x1  }
0x91: {  	s18 =	sld [smem:$0x3FFB];
	_ =	sdelay $0x3  }
0x92: {  	_ =	strace s18  }
0x93: {  	s3 =	sld [smem:$0x3FFC];
	_ =	sdelay $0x3  }
0x94: {  	_ =	strace s3  }
0x95: {  	s3 =	sld [smem:$0x3FFD];
	_ =	sdelay $0x3  }
0x96: {  	_ =	strace s3  }
0x97: {  	_ =	strace $0x8FFFFFFF  }
0x98: {  	s19 =	sld [smem:$0x3FDB];
	_ =	sdelay $0x1  }
0x99: {  	s4 =	simm.s32 $_scs_section_size  }
0x9a: {  	s5 =	simm.s32 $_size__tile_overlayer_lowered;
	s6 =	simm.s32 $_tile_overlayer_lowered  }
0x9b: {  	s22 =	simm.s32 $0x1BFF;
	s21 =	sshll.u32 s6, $0x1;
	s3 =	sadd.s32 s4, s19  }
0x9c: {  	s7 =	simm.s32 $0x0;
	s20 =	sshll.u32 s5, $0x1;
	s5 =	sadd.s32 s21, s3  }
0x9d: {  	[timem:s7], [sflag:s22] =	dma.local [hbm:s5], s20  }
0x9e: {  	_ =	swait.ge [sflag:s22], s20  }
0x9f: {  	s4 =	ssub.s32 $0x0, s20;
	[sflag:s22] =	ssyncset.done $0x0  }
0xa0: {  	[sflag:s22] =	ssyncadd.s32 s4;
	_ =	sdelay $0x1  }
0xa1: {  	s23 =	simm.s32 $0x1B8B  }
0xa2: {  	_ =	swait.ge [sflag:s23], $0x1  }
0xa3: {  	[sflag:s23] =	ssyncset.done $0x0  }
0xa4: {  	s25 =	simm.s32 $0x1B8E;
	s24 =	sld [smem:$0x3FFE];
	[sflag:s23] =	ssyncadd.s32 $0xFFFFFFFF  }
0xa5: {  	s26 =	simm.s32 $execute0_lowered;
	[smem:$0x3FD2] =	sst s25  }
0xa6: {  	s5 =	sshll.u32 s26, $0x1;
	_ =	strace $0x8000004C;
	[dreg:$0x1] =	wrdreg $0xFFFFFFFF  }
0xa7: {  	s28 =	simm.s32 $_size_execute0_lowered;
	s3 =	sadd.s32 s3, s5;
	[dreg:$0x0] =	wrdreg $0x0  }
0xa8: {  	s5 =	sshll.u32 s28, $0x1;
	[dreg:$0x2] =	wrdreg s3  }
0xa9: {  	[dreg:$0x3] =	wrdreg s5  }
0xaa: {  	[dreg:$0x4] =	wrdreg $0xC0  }
0xab: {  	_ =	task [dreg:s7], $0x5FFFF  }
0xac: {  	[dreg:$0x1] =	wrdreg $0xFFFFFFFF  }
0xad: {  	[dreg:$0x0] =	wrdreg $0x60  }
0xae: {  	[dreg:$0x2] =	wrdreg s24  }
0xaf: {  	[dreg:$0x3] =	wrdreg s2  }
0xb0: {  	[dreg:$0x4] =	wrdreg $0xA8000  }
0xb1: {  	[dreg:$0x5] =	wrdreg $0x9  }
0xb2: {  	_ =	task.clear_ibuf [dreg:s7], $0x6FFFF;
	_ =	strace $0x9000004C  }
0xb3: {  	s29 =	simm.s32 $0x9;
	_ =	strace $0x8000004E  }
0xb4: {  	_ =	swait.ge [sflag:s29], $0x1  }
0xb5: {  	[sflag:s29] =	ssyncadd.s32 $0xFFFFFFFF  }
0xb6: {  	_ =	strace $0x9000004E  }
0xb7: {  	_ =	sfence  }
0xb8: {  	s30 =	sld [smem:$0x0];
	_ =	sdelay $0x2  }
0xb9: {  	s31 =	sshll.u32 s1, $0xD;
	s1 =	sshrl.u32 s1, $0x2  }
0xba: {  	s3 =	sand.u32 $0x4000, s31;
	s1 =	sadd.s32 s1, s30  }
0xbb: {  	s0 =	sor.u32 s3, s0;
	s1 =	sshll.u32 s1, $0x11  }
0xbc: {  	s0 =	sor.u32 s1, s0  }
0xbd: {  	s0 =	sadd.s32 $0x8F2B, s0  }
0xbe: {  	[sflag:s0] =	ssyncadd.remote.s32 $0x1  }
0xbf: {  	_ =	sfence.sel $0xFFFF  }
0xc0: {  	[dreg:$0x0] =	wrdreg $0xFFFFFFFF;
	(pc) =	sbr.abs _section_cstart, $3  }
0xc1: {  	[dreg:$0x1] =	wrdreg $0xFFFFFFFF  }
0xc2: {  	_ =	task.clear_ibuf [dreg:s7], $0x2FFFF;
	_ =	strace $0x9FFFFFFF  }
0xc3: {  	(tm) =	ssettm $0x7FFFFFFF  }
tec
execute0_lowered:
.L_overlay_start_1:
0x0: {  	(tag) =	ssettag $0x1  }
0x1: {  	s0 =	rddreg [dreg:$0x0]  }
0x2: {  	s2 =	rddreg [dreg:$0x2];
	s1 =	srdreg.scid  }
0x3: {  	s22 =	simm.s32 $0x0;
	s10 =	stileid.u32;
	s13 =	simm.s32 $0x9  }
0x4: {  	s28 =	simm.s32 $0x4800;
	s29 =	simm.s32 $0x1;
	s30 =	simm.s32 $0x2  }
0x5: {  	s31 =	simm.s32 $0x1480;
	s1 =	sand.u32 $0x1, s1;
	[smem:$0x7FF] =	sst s22  }
0x6: {  	s4 =	smul.u32 $0x14000, s10;
	s5 =	sadd.s32 $0x2B800, s0;
	s6 =	sadd.s32 $0x17800, s0  }
0x7: {  	s8 =	smul.u32 $0x50000, s10;
	s7 =	sadd.s32 $0x3800, s0;
	s23 =	sshll.u32 s10, $0x6  }
0x8: {  	s3 =	smul.u32 $0x140000, s1;
	_ =	strace $0x8000004D;
	s18 =	ssub.s32 $0x2, s1  }
0x9: {  	s26 =	sor.u32 $0x1C09, s23;
	s9 =	sshrl.u32 s18, $0x1;
	s20 =	sshrl.u32 s8, $0x2  }
0xa: {  	[dreg:$0x5] =	wrdreg s26;
	s3 =	sadd.s32 s4, s3;
	s4 =	sadd.s32 s20, s2  }
0xb: {  	s19 =	ssub.s32 s18, s9;
	s3 =	sshrl.u32 s3, $0x3;
	s24 =	sadd.s32 $0x2000, s4  }
0xc: {  	s25 =	sadd.s32 $0x4000, s4;
	s11 =	sadd.s32 $0x6000, s4;
	s12 =	sadd.s32 $0x8000, s4  }
0xd: {  	s14 =	sadd.s32 $0xA000, s4;
	s15 =	sadd.s32 $0xC000, s4;
	s16 =	sadd.s32 $0xE000, s4  }
0xe: {  	s17 =	sadd.s32 $0x10000, s4;
	s18 =	sadd.s32 $0x12000, s4;
	s4 =	sshrl.u32 s4, $0x3  }
0xf: {  	s0 =	sadd.s32 s3, s0;
	s3 =	smax.u32 s19, $0x1;
	[dreg:$0x8] =	wrdreg s4  }
0x10: {  	s21 =	sshll.u32 s10, $0x1;
	s8 =	sshrl.u32 s24, $0x3;
	[dreg:$0x7] =	wrdreg s3  }
0x11: {  	s1 =	sor.u32 s1, s21;
	s10 =	sshrl.u32 s25, $0x3;
	[dreg:$0x9] =	wrdreg s8  }
0x12: {  	s9 =	smul.u32 $0x5000, s1;
	s11 =	sshrl.u32 s11, $0x3;
	[dreg:$0xa] =	wrdreg s10  }
0x13: {  	s19 =	sshrl.u32 s12, $0x3;
	s20 =	sshrl.u32 s14, $0x3;
	[dreg:$0xb] =	wrdreg s11  }
0x14: {  	s21 =	sshrl.u32 s15, $0x3;
	s23 =	sshrl.u32 s16, $0x3;
	[dreg:$0xc] =	wrdreg s19  }
0x15: {  	s24 =	sshrl.u32 s17, $0x3;
	s25 =	sshrl.u32 s18, $0x3;
	[dreg:$0xd] =	wrdreg s20  }
0x16: {  	s14 =	simm.s32 $0x5;
	s15 =	simm.s32 $0x6;
	[dreg:$0xe] =	wrdreg s21  }
0x17: {  	s16 =	simm.s32 $0x3;
	s17 =	simm.s32 $0x4;
	[dreg:$0xf] =	wrdreg s23  }
0x18: {  	s18 =	simm.s32 $0x1500;
	s0 =	sadd.s32 $0x53800, s0;
	[dreg:$0x10] =	wrdreg s24  }
0x19: {  	[dreg:$0x11] =	wrdreg s25;
	s23 =	simm.s32 $0x1400;
	s24 =	simm.s32 $0x40  }
0x1a: {  	s25 =	simm.s32 $0x2800;
	s3 =	simm.s32 $0x6800;
	s10 =	simm.s32 $0x180  }
0x1b: {  	s11 =	simm.s32 $0x8800;
	s19 =	simm.s32 $0x1580;
	s20 =	simm.s32 $0x7  }
0x1c: {  	s21 =	simm.s32 $0x8;
	[dreg:$0x6] =	wrdreg s0;
	s0 =	simm.s32 $0x100  }
.LBB2_1:
0x1d: {  	[dreg:$0x4] =	wrdreg s22  }
0x1e: {  	s1 =	rddreg [dreg:$0x1]  }
0x1f: {  	[spmem:s4], [sflag:s26] =	dma.local [hbm:s1], $0x400  }
0x20: {  	_ =	swait.ge [sflag:s13], $0x400  }
0x21: {  	[sflag:s13] =	ssyncset.done $0x0  }
0x22: {  	s8 =	rddreg [dreg:$0x9];
	[sflag:s13] =	ssyncadd.s32 $0xFFFFFC00  }
0x23: {  	[spmem:s8], [sflag:s26] =	dma.local [hbm:s1], $0x400  }
0x24: {  	_ =	swait.ge [sflag:s13], $0x400  }
0x25: {  	[sflag:s13] =	ssyncset.done $0x0  }
0x26: {  	s12 =	rddreg [dreg:$0xa];
	[sflag:s13] =	ssyncadd.s32 $0xFFFFFC00  }
0x27: {  	[spmem:s12], [sflag:s26] =	dma.local [hbm:s1], $0x400  }
0x28: {  	_ =	swait.ge [sflag:s13], $0x400  }
0x29: {  	[sflag:s13] =	ssyncset.done $0x0  }
0x2a: {  	s22 =	rddreg [dreg:$0xb];
	[sflag:s13] =	ssyncadd.s32 $0xFFFFFC00  }
0x2b: {  	[spmem:s22], [sflag:s26] =	dma.local [hbm:s1], $0x400  }
0x2c: {  	_ =	swait.ge [sflag:s13], $0x400  }
0x2d: {  	[sflag:s13] =	ssyncset.done $0x0  }
0x2e: {  	s8 =	rddreg [dreg:$0xc];
	[sflag:s13] =	ssyncadd.s32 $0xFFFFFC00  }
0x2f: {  	[spmem:s8], [sflag:s26] =	dma.local [hbm:s1], $0x400  }
0x30: {  	_ =	swait.ge [sflag:s13], $0x400  }
0x31: {  	[sflag:s13] =	ssyncset.done $0x0  }
0x32: {  	s12 =	rddreg [dreg:$0xd];
	[sflag:s13] =	ssyncadd.s32 $0xFFFFFC00  }
0x33: {  	[spmem:s12], [sflag:s26] =	dma.local [hbm:s1], $0x400  }
0x34: {  	_ =	swait.ge [sflag:s13], $0x400  }
0x35: {  	[sflag:s13] =	ssyncset.done $0x0  }
0x36: {  	s22 =	rddreg [dreg:$0xe];
	[sflag:s13] =	ssyncadd.s32 $0xFFFFFC00  }
0x37: {  	[spmem:s22], [sflag:s26] =	dma.local [hbm:s1], $0x400  }
0x38: {  	_ =	swait.ge [sflag:s13], $0x400  }
0x39: {  	[sflag:s13] =	ssyncset.done $0x0  }
0x3a: {  	s8 =	rddreg [dreg:$0xf];
	[sflag:s13] =	ssyncadd.s32 $0xFFFFFC00  }
0x3b: {  	[spmem:s8], [sflag:s26] =	dma.local [hbm:s1], $0x400  }
0x3c: {  	_ =	swait.ge [sflag:s13], $0x400  }
0x3d: {  	[sflag:s13] =	ssyncset.done $0x0  }
0x3e: {  	s12 =	rddreg [dreg:$0x10];
	[sflag:s13] =	ssyncadd.s32 $0xFFFFFC00  }
0x3f: {  	[spmem:s12], [sflag:s26] =	dma.local [hbm:s1], $0x400  }
0x40: {  	_ =	swait.ge [sflag:s13], $0x400  }
0x41: {  	[sflag:s13] =	ssyncset.done $0x0  }
0x42: {  	s22 =	rddreg [dreg:$0x11];
	[sflag:s13] =	ssyncadd.s32 $0xFFFFFC00  }
0x43: {  	[spmem:s22], [sflag:s26] =	dma.local [hbm:s1], $0x400  }
0x44: {  	_ =	swait.ge [sflag:s13], $0x400  }
0x45: {  	[sflag:s13] =	ssyncset.done $0x0  }
0x46: {  	[sflag:s13] =	ssyncadd.s32 $0xFFFFFC00  }
0x47: {  	s22 =	simm.s32 $0x0;
	[bflag:$0x0] =	sbarrier.arrive $0xFFFF  }
.LBB2_2:
0x48: {  	s1 =	smul.u32 $0x1400, s22;
	_ =	sdelay $0x1  }
0x49: {  	s1 =	sadd.s32 s9, s1  }
0x4a: {  	s1 =	sshrl.u32 s1, $0x3  }
0x4b: {  	s8 =	simm.s32 $0x0;
	s4 =	sadd.s32 s6, s1  }
0x4c: {  	[tilespmem:s8], [sflag:$0x9] =	stream.linear.gather [hbm4b:s4+s8], $0x1400, $0x38;
	[tilespmem:$0x1E800] =	vst v63  }
0x4d: {  	_ =	swait.ge [sflag:s13], $0x1400  }
0x4e: {  	[sflag:s13] =	ssyncset.done $0x0  }
0x4f: {  	s1 =	sadd.s32 s7, s1;
	[sflag:s13] =	ssyncadd.s32 $0xFFFFEC00  }
0x50: {  	[tilespmem:s23], [sflag:$0x9] =	stream.linear.gather [hbm4b:s1+s8], $0x1400, $0x38;
	[tilespmem:$0x1E800] =	vst v63  }
0x51: {  	_ =	swait.ge [sflag:s13], $0x1400  }
0x52: {  	[sflag:s13] =	ssyncset.done $0x0  }
0x53: {  	[sflag:s13] =	ssyncadd.s32 $0xFFFFEC00  }
0x54: {  	[tilespmem:s25], [sflag:$0x1] =	stream.indirect.gather [hbm4b:s5+s24], $0x80, s8, s24, $0xb8;
	[tilespmem:$0x1E800] =	vst v63  }
0x55: {  	s4 =	simm.s32 $0x80  }
0x56: {  	[tilespmem:s28], [sflag:$0x2] =	stream.indirect.gather [hbm4b:s5+s24], $0x80, s4, s24, $0xb8;
	[tilespmem:$0x1E800] =	vst v63  }
0x57: {  	_ =	swait.ge [sflag:s29], $0x2000  }
0x58: {  	[sflag:s29] =	ssyncset.done $0x0  }
0x59: {  	[sflag:s29] =	ssyncadd.s32 $0xFFFFE000  }
0x5a: {  	_ =	swait.ge [sflag:s30], $0x2000  }
0x5b: {  	[sflag:s30] =	ssyncset.done $0x0  }
0x5c: {  	[sflag:s30] =	ssyncadd.s32 $0xFFFFE000  }
0x5d: {  	[spmem:s2] =	stream.indirect.scatter.add.f32 [tilespmem:s25], [sflag:$0x5], $0x80, s23, s24, $0xb8;
	[tilespmem:$0x1E800] =	vst v63  }
0x5e: {  	_ = 	snop  }
0x5f: {  	[spmem:s2] =	stream.indirect.scatter.add.f32 [tilespmem:s28], [sflag:$0x6], $0x80, s31, s24, $0xb8;
	[tilespmem:$0x1E800] =	vst v63  }
0x60: {  	_ = 	snop  }
0x61: {  	[tilespmem:s3], [sflag:$0x3] =	stream.indirect.gather [hbm4b:s5+s24], $0x80, s0, s24, $0xb8;
	[tilespmem:$0x1E800] =	vst v63  }
0x62: {  	_ = 	snop  }
0x63: {  	[tilespmem:s11], [sflag:$0x4] =	stream.indirect.gather [hbm4b:s5+s24], $0x80, s10, s24, $0xb8;
	[tilespmem:$0x1E800] =	vst v63  }
0x64: {  	_ =	swait.ge [sflag:s14], $0x2000  }
0x65: {  	[sflag:s14] =	ssyncset.done $0x0  }
0x66: {  	[sflag:s14] =	ssyncadd.s32 $0xFFFFE000  }
0x67: {  	_ =	swait.ge [sflag:s15], $0x2000  }
0x68: {  	[sflag:s15] =	ssyncset.done $0x0  }
0x69: {  	[sflag:s15] =	ssyncadd.s32 $0xFFFFE000  }
0x6a: {  	_ =	swait.ge [sflag:s16], $0x2000  }
0x6b: {  	[sflag:s16] =	ssyncset.done $0x0  }
0x6c: {  	[sflag:s16] =	ssyncadd.s32 $0xFFFFE000  }
0x6d: {  	_ =	swait.ge [sflag:s17], $0x2000  }
0x6e: {  	[sflag:s17] =	ssyncset.done $0x0  }
0x6f: {  	[sflag:s17] =	ssyncadd.s32 $0xFFFFE000  }
0x70: {  	[spmem:s2] =	stream.indirect.scatter.add.f32 [tilespmem:s3], [sflag:$0x7], $0x80, s18, s24, $0xb8;
	[tilespmem:$0x1E800] =	vst v63  }
0x71: {  	_ = 	snop  }
0x72: {  	[spmem:s2] =	stream.indirect.scatter.add.f32 [tilespmem:s11], [sflag:$0x8], $0x80, s19, s24, $0xb8;
	[tilespmem:$0x1E800] =	vst v63  }
0x73: {  	s8 =	simm.s32 $0x200  }
0x74: {  	[tilespmem:s25], [sflag:$0x1] =	stream.indirect.gather [hbm4b:s5+s24], $0x80, s8, s24, $0xb8;
	[tilespmem:$0x1E800] =	vst v63  }
0x75: {  	s12 =	simm.s32 $0x280  }
0x76: {  	[tilespmem:s28], [sflag:$0x2] =	stream.indirect.gather [hbm4b:s5+s24], $0x80, s12, s24, $0xb8;
	[tilespmem:$0x1E800] =	vst v63  }
0x77: {  	_ =	swait.ge [sflag:s20], $0x2000  }
0x78: {  	[sflag:s20] =	ssyncset.done $0x0  }
0x79: {  	[sflag:s20] =	ssyncadd.s32 $0xFFFFE000  }
0x7a: {  	_ =	swait.ge [sflag:s21], $0x2000  }
0x7b: {  	[sflag:s21] =	ssyncset.done $0x0  }
0x7c: {  	[sflag:s21] =	ssyncadd.s32 $0xFFFFE000  }
0x7d: {  	_ =	swait.ge [sflag:s29], $0x2000  }
0x7e: {  	[sflag:s29] =	ssyncset.done $0x0  }
0x7f: {  	[sflag:s29] =	ssyncadd.s32 $0xFFFFE000  }
0x80: {  	_ =	swait.ge [sflag:s30], $0x2000  }
0x81: {  	[sflag:s30] =	ssyncset.done $0x0  }
0x82: {  	s26 =	simm.s32 $0x1600;
	[sflag:s30] =	ssyncadd.s32 $0xFFFFE000  }
0x83: {  	[spmem:s2] =	stream.indirect.scatter.add.f32 [tilespmem:s25], [sflag:$0x5], $0x80, s26, s24, $0xb8;
	[tilespmem:$0x1E800] =	vst v63  }
0x84: {  	s4 =	simm.s32 $0x1680  }
0x85: {  	[spmem:s2] =	stream.indirect.scatter.add.f32 [tilespmem:s28], [sflag:$0x6], $0x80, s4, s24, $0xb8;
	[tilespmem:$0x1E800] =	vst v63  }
0x86: {  	s8 =	simm.s32 $0x300  }
0x87: {  	[tilespmem:s3], [sflag:$0x3] =	stream.indirect.gather [hbm4b:s5+s24], $0x80, s8, s24, $0xb8;
	[tilespmem:$0x1E800] =	vst v63  }
0x88: {  	s12 =	simm.s32 $0x380  }
0x89: {  	[tilespmem:s11], [sflag:$0x4] =	stream.indirect.gather [hbm4b:s5+s24], $0x80, s12, s24, $0xb8;
	[tilespmem:$0x1E800] =	vst v63  }
0x8a: {  	_ =	swait.ge [sflag:s14], $0x2000  }
0x8b: {  	[sflag:s14] =	ssyncset.done $0x0  }
0x8c: {  	[sflag:s14] =	ssyncadd.s32 $0xFFFFE000  }
0x8d: {  	_ =	swait.ge [sflag:s15], $0x2000  }
0x8e: {  	[sflag:s15] =	ssyncset.done $0x0  }
0x8f: {  	[sflag:s15] =	ssyncadd.s32 $0xFFFFE000  }
0x90: {  	_ =	swait.ge [sflag:s16], $0x2000  }
0x91: {  	[sflag:s16] =	ssyncset.done $0x0  }
0x92: {  	[sflag:s16] =	ssyncadd.s32 $0xFFFFE000  }
0x93: {  	_ =	swait.ge [sflag:s17], $0x2000  }
0x94: {  	[sflag:s17] =	ssyncset.done $0x0  }
0x95: {  	s26 =	simm.s32 $0x1700;
	[sflag:s17] =	ssyncadd.s32 $0xFFFFE000  }
0x96: {  	[spmem:s2] =	stream.indirect.scatter.add.f32 [tilespmem:s3], [sflag:$0x7], $0x80, s26, s24, $0xb8;
	[tilespmem:$0x1E800] =	vst v63  }
0x97: {  	s1 =	simm.s32 $0x1000;
	s12 =	simm.s32 $0x200;
	s26 =	simm.s32 $0x1780  }
.LBB2_3:
0x98: {  	[spmem:s2] =	stream.indirect.scatter.add.f32 [tilespmem:s11], [sflag:$0x8], $0x80, s26, s24, $0xb8;
	[tilespmem:$0x1E800] =	vst v63  }
0x99: {  	s4 =	smov.u32 s1  }
0x9a: {  	s8 =	sadd.s32 $0x800, s1;
	s26 =	sadd.s32 $0x200, s12;
	s4 =	sshra.s32 s4, $0x2  }
0x9b: {  	[tilespmem:s25], [sflag:$0x1] =	stream.indirect.gather [hbm4b:s5+s24], $0x80, s26, s24, $0xb8;
	[tilespmem:$0x1E800] =	vst v63  }
0x9c: {  	p0 =	sne.s32 s1, $0x4000;
	s1 =	sadd.s32 $0x280, s12  }
0x9d: {  	[tilespmem:s28], [sflag:$0x2] =	stream.indirect.gather [hbm4b:s5+s24], $0x80, s1, s24, $0xb8;
	[tilespmem:$0x1E800] =	vst v63  }
0x9e: {  	_ =	swait.ge [sflag:s20], $0x2000  }
0x9f: {  	[sflag:s20] =	ssyncset.done $0x0  }
0xa0: {  	[sflag:s20] =	ssyncadd.s32 $0xFFFFE000  }
0xa1: {  	_ =	swait.ge [sflag:s21], $0x2000  }
0xa2: {  	[sflag:s21] =	ssyncset.done $0x0  }
0xa3: {  	[sflag:s21] =	ssyncadd.s32 $0xFFFFE000  }
0xa4: {  	_ =	swait.ge [sflag:s29], $0x2000  }
0xa5: {  	[sflag:s29] =	ssyncset.done $0x0  }
0xa6: {  	[sflag:s29] =	ssyncadd.s32 $0xFFFFE000  }
0xa7: {  	_ =	swait.ge [sflag:s30], $0x2000  }
0xa8: {  	[sflag:s30] =	ssyncset.done $0x0  }
0xa9: {  	s1 =	sadd.s32 $0x1600, s12;
	[sflag:s30] =	ssyncadd.s32 $0xFFFFE000  }
0xaa: {  	[spmem:s2] =	stream.indirect.scatter.add.f32 [tilespmem:s25], [sflag:$0x5], $0x80, s1, s24, $0xb8;
	[tilespmem:$0x1E800] =	vst v63  }
0xab: {  	s1 =	sadd.s32 $0x1680, s12  }
0xac: {  	[spmem:s2] =	stream.indirect.scatter.add.f32 [tilespmem:s28], [sflag:$0x6], $0x80, s1, s24, $0xb8;
	[tilespmem:$0x1E800] =	vst v63  }
0xad: {  	s1 =	sadd.s32 $0x300, s12  }
0xae: {  	[tilespmem:s3], [sflag:$0x3] =	stream.indirect.gather [hbm4b:s5+s24], $0x80, s1, s24, $0xb8;
	[tilespmem:$0x1E800] =	vst v63  }
0xaf: {  	s1 =	sadd.s32 $0x380, s12  }
0xb0: {  	[tilespmem:s11], [sflag:$0x4] =	stream.indirect.gather [hbm4b:s5+s24], $0x80, s1, s24, $0xb8;
	[tilespmem:$0x1E800] =	vst v63  }
0xb1: {  	_ =	swait.ge [sflag:s14], $0x2000  }
0xb2: {  	[sflag:s14] =	ssyncset.done $0x0  }
0xb3: {  	[sflag:s14] =	ssyncadd.s32 $0xFFFFE000  }
0xb4: {  	_ =	swait.ge [sflag:s15], $0x2000  }
0xb5: {  	[sflag:s15] =	ssyncset.done $0x0  }
0xb6: {  	[sflag:s15] =	ssyncadd.s32 $0xFFFFE000  }
0xb7: {  	_ =	swait.ge [sflag:s16], $0x2000  }
0xb8: {  	[sflag:s16] =	ssyncset.done $0x0  }
0xb9: {  	[sflag:s16] =	ssyncadd.s32 $0xFFFFE000  }
.Ltmp0:
0xba: {  	_ =	swait.ge [sflag:s17], $0x2000;
	(pc) =	sbr.rel @p0 .LBB2_3-.Ltmp0, $4  }
0xbb: {  	[sflag:s17] =	ssyncset.done $0x0  }
0xbc: {  	s1 =	sadd.s32 $0x1700, s12;
	[sflag:s17] =	ssyncadd.s32 $0xFFFFE000  }
0xbd: {  	[spmem:s2] =	stream.indirect.scatter.add.f32 [tilespmem:s3], [sflag:$0x7], $0x80, s1, s24, $0xb8;
	[tilespmem:$0x1E800] =	vst v63  }
0xbe: {  	s26 =	sadd.s32 $0x1780, s12;
	s12 =	smov.u32 s4;
	s1 =	smov.u32 s8  }
0xbf: {  	[spmem:s2] =	stream.indirect.scatter.add.f32 [tilespmem:s11], [sflag:$0x8], $0x80, s26, s24, $0xb8;
	[tilespmem:$0x1E800] =	vst v63  }
0xc0: {  	s1 =	sadd.s32 $0x200, s12  }
0xc1: {  	[tilespmem:s25], [sflag:$0x1] =	stream.indirect.gather [hbm4b:s5+s24], $0x80, s1, s24, $0xb8;
	[tilespmem:$0x1E800] =	vst v63  }
0xc2: {  	s26 =	sadd.s32 $0x280, s12  }
0xc3: {  	[tilespmem:s28], [sflag:$0x2] =	stream.indirect.gather [hbm4b:s5+s24], $0x80, s26, s24, $0xb8;
	[tilespmem:$0x1E800] =	vst v63  }
0xc4: {  	_ =	swait.ge [sflag:s20], $0x2000  }
0xc5: {  	[sflag:s20] =	ssyncset.done $0x0  }
0xc6: {  	[sflag:s20] =	ssyncadd.s32 $0xFFFFE000  }
0xc7: {  	_ =	swait.ge [sflag:s21], $0x2000  }
0xc8: {  	[sflag:s21] =	ssyncset.done $0x0  }
0xc9: {  	[sflag:s21] =	ssyncadd.s32 $0xFFFFE000  }
0xca: {  	_ =	swait.ge [sflag:s29], $0x2000  }
0xcb: {  	[sflag:s29] =	ssyncset.done $0x0  }
0xcc: {  	[sflag:s29] =	ssyncadd.s32 $0xFFFFE000  }
0xcd: {  	_ =	swait.ge [sflag:s30], $0x2000  }
0xce: {  	[sflag:s30] =	ssyncset.done $0x0  }
0xcf: {  	s4 =	sadd.s32 $0x1600, s12;
	[sflag:s30] =	ssyncadd.s32 $0xFFFFE000  }
0xd0: {  	[spmem:s2] =	stream.indirect.scatter.add.f32 [tilespmem:s25], [sflag:$0x5], $0x80, s4, s24, $0xb8;
	[tilespmem:$0x1E800] =	vst v63  }
0xd1: {  	s8 =	sadd.s32 $0x1680, s12  }
0xd2: {  	[spmem:s2] =	stream.indirect.scatter.add.f32 [tilespmem:s28], [sflag:$0x6], $0x80, s8, s24, $0xb8;
	[tilespmem:$0x1E800] =	vst v63  }
0xd3: {  	s26 =	sadd.s32 $0x300, s12  }
0xd4: {  	[tilespmem:s3], [sflag:$0x3] =	stream.indirect.gather [hbm4b:s5+s24], $0x80, s26, s24, $0xb8;
	[tilespmem:$0x1E800] =	vst v63  }
0xd5: {  	s4 =	sadd.s32 $0x380, s12  }
0xd6: {  	[tilespmem:s11], [sflag:$0x4] =	stream.indirect.gather [hbm4b:s5+s24], $0x80, s4, s24, $0xb8;
	[tilespmem:$0x1E800] =	vst v63  }
0xd7: {  	_ =	swait.ge [sflag:s14], $0x2000  }
0xd8: {  	[sflag:s14] =	ssyncset.done $0x0  }
0xd9: {  	[sflag:s14] =	ssyncadd.s32 $0xFFFFE000  }
0xda: {  	_ =	swait.ge [sflag:s15], $0x2000  }
0xdb: {  	[sflag:s15] =	ssyncset.done $0x0  }
0xdc: {  	[sflag:s15] =	ssyncadd.s32 $0xFFFFE000  }
0xdd: {  	_ =	swait.ge [sflag:s16], $0x2000  }
0xde: {  	[sflag:s16] =	ssyncset.done $0x0  }
0xdf: {  	[sflag:s16] =	ssyncadd.s32 $0xFFFFE000  }
0xe0: {  	_ =	swait.ge [sflag:s17], $0x2000  }
0xe1: {  	[sflag:s17] =	ssyncset.done $0x0  }
0xe2: {  	s8 =	sadd.s32 $0x1700, s12;
	[sflag:s17] =	ssyncadd.s32 $0xFFFFE000  }
0xe3: {  	[spmem:s2] =	stream.indirect.scatter.add.f32 [tilespmem:s3], [sflag:$0x7], $0x80, s8, s24, $0xb8;
	[tilespmem:$0x1E800] =	vst v63  }
0xe4: {  	s22 =	sadd.s32 $0x1, s22;
	s26 =	sadd.s32 $0x1780, s12  }
0xe5: {  	[spmem:s2] =	stream.indirect.scatter.add.f32 [tilespmem:s11], [sflag:$0x8], $0x80, s26, s24, $0xb8;
	[tilespmem:$0x1E800] =	vst v63  }
0xe6: {  	p0 =	sne.s32 s22, $0x4;
	_ =	swait.ge [sflag:s20], $0x2000  }
.Ltmp1:
0xe7: {  	[sflag:s20] =	ssyncset.done $0x0;
	(pc) =	sbr.rel @p0 .LBB2_2-.Ltmp1, $4  }
0xe8: {  	[sflag:s20] =	ssyncadd.s32 $0xFFFFE000  }
0xe9: {  	_ =	swait.ge [sflag:s21], $0x2000  }
0xea: {  	[sflag:s21] =	ssyncset.done $0x0  }
0xeb: {  	[sflag:s21] =	ssyncadd.s32 $0xFFFFE000  }
0xec: {  	[bflag:$0x0] =	sbarrier.arrive $0xFFFF  }
0xed: {  	s26 =	rddreg [dreg:$0x5]  }
0xee: {  	s1 =	rddreg [dreg:$0x6]  }
0xef: {  	s4 =	rddreg [dreg:$0x8]  }
0xf0: {  	[hbm:s1], [sflag:s26] =	dma.local [spmem:s4], $0x2800  }
0xf1: {  	_ =	swait.ge [sflag:s13], $0x2800  }
0xf2: {  	s22 =	rddreg [dreg:$0x4]  }
0xf3: {  	s12 =	rddreg [dreg:$0x7];
	s22 =	sadd.s32 $0x1, s22  }
0xf4: {  	p0 =	sne.s32 s22, s12  }
.Ltmp2:
0xf5: {  	_ = 	snop;
	(pc) =	sbr.rel @p0 .LBB2_1-.Ltmp2, $3  }
0xf6: {  	_ =	sdelay $0x1  }
0xf7: {  	[sflag:s13] =	ssyncset.done $0x0  }
0xf8: {  	[sflag:s13] =	ssyncadd.s32 $0xFFFFD800  }
0xf9: {  	_ =	sfence.sel $0x180000  }
0xfa: {  	[bflag:$0x0] =	sbarrier.arrive $0xFFFF  }
0xfb: {  	_ =	strace $0x9000004D  }
0xfc: {  	s0 =	stileid.u32;
	[bflag:$0x2] =	sbarrier.arrive $0xFFFF  }
0xfd: {  	p0 =	sne.s32 s0, $0x0;
	s0 =	rddreg [dreg:$0x3]  }
0xfe: {  	s0 =	sadd.s32 @!p0 $0x100000, s0  }
0xff: {  	[sflag:s0] =	ssyncadd.tile.s32 @!p0 $0x1;
	_ =	shalt  }
.Lfunc_end2:
_tile_overlayer_lowered:
.L_overlay_start_2:
0x100: {  	(tag) =	ssettag $0x2  }
0x101: {  	s0 =	rddreg [dreg:$0x0];
	s2 =	stileid.u32  }
0x102: {  	s1 =	rddreg [dreg:$0x1];
	p0 =	sne.s32 s2, $0x0  }
0x103: {  	s3 =	rddreg [dreg:$0x2];
	[bflag:$0x3] =	sbarrier.arrive $0xFFFF;
	s2 =	simm.s32 @!p0 $0x1C09  }
0x104: {  	[timem:s3], [sflag:s2] =	dma.local @!p0 [hbm:s0], s1  }
0x105: {  	s0 =	simm.s32 @!p0 $0x9  }
0x106: {  	_ =	swait.ge @!p0 [sflag:s0], s1  }
0x107: {  	s1 =	ssub.s32 @!p0 $0x0, s1;
	[sflag:s0] =	ssyncset.done @!p0 $0x0  }
0x108: {  	[sflag:s0] =	ssyncadd.s32 @!p0 s1  }
0x109: {  	[bflag:$0x3] =	sbarrier.arrive $0xFFFF  }
0x10a: {  	_ =	shalt  }

// kernel: kernel.18.cloned.1.call-start
scs
__scs_entry_jumppad:
0x0: {  	(pc) =	sbr.rel $0x88, $3  }
0x1: {  	(tag) =	ssettag $0x0;
	lr =	simm.s32 $0x1  }
0x2: {  	[smem:$0x3F96] =	sst lr;
	_ =	strace $0xD0000000  }
0x3: {  	_ = 	snop  }
0x4: {  	_ = 	snop  }
0x5: {  	_ = 	snop  }
0x6: {  	_ = 	snop  }
0x7: {  	_ = 	snop  }
__scs_overlays_trampoline_lowered:
0x8: {  	[smem:$0x3FA5] =	sst s0  }
0x9: {  	[smem:$0x3FA6] =	sst s1  }
0xa: {  	[smem:$0x3FA7] =	sst s2  }
0xb: {  	[smem:$0x3FA8] =	sst s3  }
0xc: {  	[smem:$0x3FA9] =	sst s4  }
0xd: {  	[smem:$0x3FAA] =	sst s5  }
0xe: {  	[smem:$0x3FAB] =	sst s6  }
0xf: {  	[smem:$0x3FAC] =	sst s7  }
0x10: {  	[smem:$0x3FAD] =	sst s8  }
0x11: {  	[smem:$0x3FAE] =	sst s9;
	s0 =	simm.s32 @!p0 $0x0  }
0x12: {  	s1 =	sld [smem:$0x3F94];
	s0 =	simm.s32 @p0 $0x1  }
0x13: {  	[smem:$0x3FAF] =	sst s0;
	s0 =	simm.s32 @!p1 $0x0  }
0x14: {  	s2 =	sld [smem:$0x3F93];
	s0 =	simm.s32 @p1 $0x1  }
0x15: {  	[smem:$0x3FB0] =	sst s0;
	s0 =	simm.s32 @!p2 $0x0  }
0x16: {  	s3 =	sld [smem:$0x3FDB];
	s0 =	simm.s32 @p2 $0x1  }
0x17: {  	s4 =	simm.s32 $0x1BF5;
	[smem:$0x3FB2] =	sst s0  }
0x18: {  	s0 =	sld [smem:$0x3F95];
	_ =	swait.ge [sflag:s4], $0x0  }
0x19: {  	s7 =	sld [smem:$0x3F96]  }
0x1a: {  	s8 =	sadd.s32 $0xFFFFE003, lr  }
0x1b: {  	s9 =	sadd.s32 $0xFFFFFEF7, lr;
	s5 =	simm.s32 $0xFFFFFFFF;
	p2 =	slt.u32 s8, $0xFFFFF086  }
0x1c: {  	p1 =	slt.u32 s9, $0xF7A;
	s5 =	simm.s32 @!p2 $0x0  }
0x1d: {  	s5 =	simm.s32 @p1 $0x1;
	p0 =	seq.s32 s7, s2  }
0x1e: {  	s7 =	smul.u32 @!p0 $0xF7A, s2;
	p2 =	seq.s32 @!p0 s5, $0x0  }
0x1f: {  	s9 =	smul.u32 $0xF7A, s1;
	s8 =	simm.s32 @!p0 $0x1BF5;
	p2 =	por !p2, p0  }
0x20: {  	[sflag:s8] =	ssyncset.s32 @!p0 $0xFFFFF086;
	s6 =	sadd.s32 @!p0 s3, s7;
	s7 =	simm.s32 @!p0 $0x108  }
0x21: {  	s3 =	sadd.s32 s3, s9;
	s6 =	sadd.s32 @!p0 $0x88, s6;
	s7 =	simm.s32 @p2 $0x1082  }
0x22: {  	[simem:s7], [sflag:s8] =	dma.local @!p0 [hbm:s6], $0xF7A  }
0x23: {  	s9 =	sor.u32 $0xD0000000, s2;
	s6 =	simm.s32 $0x108;
	_ =	swait.ge @!p0 [sflag:s8], $0x0  }
0x24: {  	s3 =	sadd.s32 $0x88, s3;
	s6 =	simm.s32 @!p1 $0x1082;
	[sflag:s4] =	ssyncset.s32 $0xFFFFF086  }
0x25: {  	[simem:s6], [sflag:s4] =	dma.local [hbm:s3], $0xF7A  }
0x26: {  	[smem:$0x3F96] =	sst s1;
	(tag) =	ssettag s2;
	_ =	strace s9  }
0x27: {  	s1 =	sld [smem:$0x3FA6]  }
0x28: {  	s2 =	sld [smem:$0x3FA7]  }
0x29: {  	s4 =	sld [smem:$0x3FA9]  }
0x2a: {  	p0 =	seq.s32 s5, $0x0;
	s5 =	sld [smem:$0x3FAA]  }
0x2b: {  	s6 =	sld [smem:$0x3FAB]  }
0x2c: {  	s7 =	sld [smem:$0x3FAC]  }
0x2d: {  	s3 =	simm.s32 $0x108;
	s8 =	sld [smem:$0x3FAD]  }
0x2e: {  	s3 =	simm.s32 @!p0 $0x1082;
	s9 =	sld [smem:$0x3FAE]  }
0x2f: {  	lr =	sadd.s32 s0, s3;
	s0 =	sld [smem:$0x3FA5]  }
0x30: {  	s3 =	sld [smem:$0x3FA8]  }
0x31: {  	[smem:$0x3FB1] =	sst s10  }
0x32: {  	s10 =	sld [smem:$0x3FAF];
	_ =	sdelay $0x3  }
0x33: {  	p0 =	seq.s32 s10, $0x1;
	s10 =	sld [smem:$0x3FB1];
	_ =	sdelay $0x3  }
0x34: {  	[smem:$0x3FB1] =	sst s10  }
0x35: {  	s10 =	sld [smem:$0x3FB0];
	_ =	sdelay $0x3  }
0x36: {  	p1 =	seq.s32 s10, $0x1;
	s10 =	sld [smem:$0x3FB1];
	_ =	sdelay $0x3  }
0x37: {  	[smem:$0x3FB1] =	sst s10  }
0x38: {  	s10 =	sld [smem:$0x3FB2]  }
0x39: {  	_ = 	snop;
	(pc) =	sbr.ind lr, $3  }
0x3a: {  	_ = 	snop  }
0x3b: {  	_ = 	snop  }
0x3c: {  	p2 =	seq.s32 s10, $0x1;
	s10 =	sld [smem:$0x3FB1]  }
0x3d: {  	_ =	shalt  }
0x3e: {  	_ =	shalt  }
0x3f: {  	_ =	shalt  }
0x40: {  	_ =	shalt  }
0x41: {  	_ =	shalt  }
0x42: {  	_ =	shalt  }
0x43: {  	_ =	shalt  }
0x44: {  	_ =	shalt  }
0x45: {  	_ =	shalt  }
0x46: {  	_ =	shalt  }
0x47: {  	_ =	shalt  }
0x48: {  	_ =	shalt  }
0x49: {  	_ =	shalt  }
0x4a: {  	_ =	shalt  }
0x4b: {  	_ =	shalt  }
0x4c: {  	_ =	shalt  }
0x4d: {  	_ =	shalt  }
0x4e: {  	_ =	shalt  }
0x4f: {  	_ =	shalt  }
0x50: {  	_ =	shalt  }
0x51: {  	_ =	shalt  }
0x52: {  	_ =	shalt  }
0x53: {  	_ =	shalt  }
0x54: {  	_ =	shalt  }
0x55: {  	_ =	shalt  }
0x56: {  	_ =	shalt  }
0x57: {  	_ =	shalt  }
0x58: {  	_ =	shalt  }
0x59: {  	_ =	shalt  }
0x5a: {  	_ =	shalt  }
0x5b: {  	_ =	shalt  }
0x5c: {  	_ =	shalt  }
0x5d: {  	_ =	shalt  }
0x5e: {  	_ =	shalt  }
0x5f: {  	_ =	shalt  }
0x60: {  	_ =	shalt  }
0x61: {  	_ =	shalt  }
0x62: {  	_ =	shalt  }
0x63: {  	_ =	shalt  }
0x64: {  	_ =	shalt  }
0x65: {  	_ =	shalt  }
0x66: {  	_ =	shalt  }
0x67: {  	_ =	shalt  }
0x68: {  	_ =	shalt  }
0x69: {  	_ =	shalt  }
0x6a: {  	_ =	shalt  }
0x6b: {  	_ =	shalt  }
0x6c: {  	_ =	shalt  }
0x6d: {  	_ =	shalt  }
0x6e: {  	_ =	shalt  }
0x6f: {  	_ =	shalt  }
0x70: {  	_ =	shalt  }
0x71: {  	_ =	shalt  }
0x72: {  	_ =	shalt  }
0x73: {  	_ =	shalt  }
0x74: {  	_ =	shalt  }
0x75: {  	_ =	shalt  }
0x76: {  	_ =	shalt  }
0x77: {  	_ =	shalt  }
0x78: {  	_ =	shalt  }
0x79: {  	_ =	shalt  }
0x7a: {  	_ =	shalt  }
0x7b: {  	_ =	shalt  }
0x7c: {  	_ =	shalt  }
0x7d: {  	_ =	shalt  }
0x7e: {  	_ =	shalt  }
0x7f: {  	_ =	shalt  }
0x80: {  	_ =	shalt  }
0x81: {  	_ =	shalt  }
0x82: {  	_ =	shalt  }
0x83: {  	_ =	shalt  }
0x84: {  	_ =	shalt  }
0x85: {  	_ =	shalt  }
0x86: {  	_ =	shalt  }
0x87: {  	_ =	shalt  }
.Lfunc_end0:
.L_simem_size_0:
called_computation.3_lowered:
.L_overlay_start_0:
0x88: {  	s2 =	sld [smem:$0x3FD9]  }
0x89: {  	s3 =	sld [smem:$0x3FFE];
	_ =	sdelay $0x1  }
0x8a: {  	s1 =	srdreg.scid  }
0x8b: {  	s0 =	sand.u32 $0x1, s1  }
0x8c: {  	s17 =	sshll.u32 s0, $0xA;
	s2 =	sadd.s32 s3, s2  }
0x8d: {  	s2 =	sadd.s32 s2, s17  }
0x8e: {  	[smem:$0x3FBD] =	sst s2  }
0x8f: {  	_ = 	snop  }
0x90: {  	s2 =	sld [smem:$0x3FD0];
	(tm) =	ssettm $0x1  }
0x91: {  	s18 =	sld [smem:$0x3FFB];
	_ =	sdelay $0x3  }
0x92: {  	_ =	strace s18  }
0x93: {  	s3 =	sld [smem:$0x3FFC];
	_ =	sdelay $0x3  }
0x94: {  	_ =	strace s3  }
0x95: {  	s3 =	sld [smem:$0x3FFD];
	_ =	sdelay $0x3  }
0x96: {  	_ =	strace s3  }
0x97: {  	_ =	strace $0x8FFFFFFF  }
0x98: {  	s19 =	sld [smem:$0x3FDB];
	_ =	sdelay $0x1  }
0x99: {  	s4 =	simm.s32 $_scs_section_size  }
0x9a: {  	s5 =	simm.s32 $_size__tile_overlayer_lowered;
	s6 =	simm.s32 $_tile_overlayer_lowered  }
0x9b: {  	s22 =	simm.s32 $0x1BFF;
	s21 =	sshll.u32 s6, $0x1;
	s3 =	sadd.s32 s4, s19  }
0x9c: {  	s7 =	simm.s32 $0x0;
	s20 =	sshll.u32 s5, $0x1;
	s5 =	sadd.s32 s21, s3  }
0x9d: {  	[timem:s7], [sflag:s22] =	dma.local [hbm:s5], s20  }
0x9e: {  	_ =	swait.ge [sflag:s22], s20  }
0x9f: {  	s4 =	ssub.s32 $0x0, s20;
	[sflag:s22] =	ssyncset.done $0x0  }
0xa0: {  	[sflag:s22] =	ssyncadd.s32 s4;
	_ =	sdelay $0x1  }
0xa1: {  	s23 =	simm.s32 $0x1B8B  }
0xa2: {  	_ =	swait.ge [sflag:s23], $0x1  }
0xa3: {  	[sflag:s23] =	ssyncset.done $0x0  }
0xa4: {  	s25 =	simm.s32 $0x1B8E;
	s24 =	sld [smem:$0x3FFE];
	[sflag:s23] =	ssyncadd.s32 $0xFFFFFFFF  }
0xa5: {  	s26 =	simm.s32 $execute0_lowered;
	[smem:$0x3FD2] =	sst s25  }
0xa6: {  	s5 =	sshll.u32 s26, $0x1;
	_ =	strace $0x8000004F;
	[dreg:$0x1] =	wrdreg $0xFFFFFFFF  }
0xa7: {  	s28 =	simm.s32 $_size_execute0_lowered;
	s3 =	sadd.s32 s3, s5;
	[dreg:$0x0] =	wrdreg $0x0  }
0xa8: {  	s5 =	sshll.u32 s28, $0x1;
	[dreg:$0x2] =	wrdreg s3  }
0xa9: {  	[dreg:$0x3] =	wrdreg s5  }
0xaa: {  	[dreg:$0x4] =	wrdreg $0xC0  }
0xab: {  	_ =	task [dreg:s7], $0x5FFFF  }
0xac: {  	[dreg:$0x1] =	wrdreg $0xFFFFFFFF  }
0xad: {  	[dreg:$0x0] =	wrdreg $0x60  }
0xae: {  	[dreg:$0x2] =	wrdreg s24  }
0xaf: {  	[dreg:$0x3] =	wrdreg s2  }
0xb0: {  	[dreg:$0x4] =	wrdreg $0xA8000  }
0xb1: {  	[dreg:$0x5] =	wrdreg $0x9  }
0xb2: {  	_ =	task.clear_ibuf [dreg:s7], $0x6FFFF;
	_ =	strace $0x9000004F  }
0xb3: {  	s29 =	simm.s32 $0x9;
	_ =	strace $0x80000051  }
0xb4: {  	_ =	swait.ge [sflag:s29], $0x1  }
0xb5: {  	[sflag:s29] =	ssyncadd.s32 $0xFFFFFFFF  }
0xb6: {  	_ =	strace $0x90000051  }
0xb7: {  	_ =	sfence  }
0xb8: {  	s30 =	sld [smem:$0x0];
	_ =	sdelay $0x2  }
0xb9: {  	s31 =	sshll.u32 s1, $0xD;
	s1 =	sshrl.u32 s1, $0x2  }
0xba: {  	s3 =	sand.u32 $0x4000, s31;
	s1 =	sadd.s32 s1, s30  }
0xbb: {  	s0 =	sor.u32 s3, s0;
	s1 =	sshll.u32 s1, $0x11  }
0xbc: {  	s0 =	sor.u32 s1, s0  }
0xbd: {  	s0 =	sadd.s32 $0x8F2B, s0  }
0xbe: {  	[sflag:s0] =	ssyncadd.remote.s32 $0x1  }
0xbf: {  	_ =	sfence.sel $0xFFFF  }
0xc0: {  	[dreg:$0x0] =	wrdreg $0xFFFFFFFF;
	(pc) =	sbr.abs _section_cstart, $3  }
0xc1: {  	[dreg:$0x1] =	wrdreg $0xFFFFFFFF  }
0xc2: {  	_ =	task.clear_ibuf [dreg:s7], $0x2FFFF;
	_ =	strace $0x9FFFFFFF  }
0xc3: {  	(tm) =	ssettm $0x7FFFFFFF  }
tec
execute0_lowered:
.L_overlay_start_1:
0x0: {  	(tag) =	ssettag $0x1  }
0x1: {  	s0 =	rddreg [dreg:$0x0]  }
0x2: {  	s2 =	rddreg [dreg:$0x2];
	s1 =	srdreg.scid  }
0x3: {  	s22 =	simm.s32 $0x0;
	s10 =	stileid.u32;
	s13 =	simm.s32 $0x9  }
0x4: {  	s28 =	simm.s32 $0x4800;
	s29 =	simm.s32 $0x1;
	s30 =	simm.s32 $0x2  }
0x5: {  	s31 =	simm.s32 $0x1480;
	s1 =	sand.u32 $0x1, s1;
	[smem:$0x7FF] =	sst s22  }
0x6: {  	s4 =	smul.u32 $0x14000, s10;
	s5 =	sadd.s32 $0x2B800, s0;
	s6 =	sadd.s32 $0x17800, s0  }
0x7: {  	s8 =	smul.u32 $0x50000, s10;
	s7 =	sadd.s32 $0x3800, s0;
	s23 =	sshll.u32 s10, $0x6  }
0x8: {  	s3 =	smul.u32 $0x140000, s1;
	_ =	strace $0x80000050;
	s18 =	ssub.s32 $0x2, s1  }
0x9: {  	s26 =	sor.u32 $0x1C09, s23;
	s9 =	sshrl.u32 s18, $0x1;
	s20 =	sshrl.u32 s8, $0x2  }
0xa: {  	[dreg:$0x5] =	wrdreg s26;
	s3 =	sadd.s32 s4, s3;
	s4 =	sadd.s32 s20, s2  }
0xb: {  	s19 =	ssub.s32 s18, s9;
	s3 =	sshrl.u32 s3, $0x3;
	s24 =	sadd.s32 $0x2000, s4  }
0xc: {  	s25 =	sadd.s32 $0x4000, s4;
	s11 =	sadd.s32 $0x6000, s4;
	s12 =	sadd.s32 $0x8000, s4  }
0xd: {  	s14 =	sadd.s32 $0xA000, s4;
	s15 =	sadd.s32 $0xC000, s4;
	s16 =	sadd.s32 $0xE000, s4  }
0xe: {  	s17 =	sadd.s32 $0x10000, s4;
	s18 =	sadd.s32 $0x12000, s4;
	s4 =	sshrl.u32 s4, $0x3  }
0xf: {  	s0 =	sadd.s32 s3, s0;
	s3 =	smax.u32 s19, $0x1;
	[dreg:$0x8] =	wrdreg s4  }
0x10: {  	s21 =	sshll.u32 s10, $0x1;
	s8 =	sshrl.u32 s24, $0x3;
	[dreg:$0x7] =	wrdreg s3  }
0x11: {  	s1 =	sor.u32 s1, s21;
	s10 =	sshrl.u32 s25, $0x3;
	[dreg:$0x9] =	wrdreg s8  }
0x12: {  	s9 =	smul.u32 $0x5000, s1;
	s11 =	sshrl.u32 s11, $0x3;
	[dreg:$0xa] =	wrdreg s10  }
0x13: {  	s19 =	sshrl.u32 s12, $0x3;
	s20 =	sshrl.u32 s14, $0x3;
	[dreg:$0xb] =	wrdreg s11  }
0x14: {  	s21 =	sshrl.u32 s15, $0x3;
	s23 =	sshrl.u32 s16, $0x3;
	[dreg:$0xc] =	wrdreg s19  }
0x15: {  	s24 =	sshrl.u32 s17, $0x3;
	s25 =	sshrl.u32 s18, $0x3;
	[dreg:$0xd] =	wrdreg s20  }
0x16: {  	s14 =	simm.s32 $0x5;
	s15 =	simm.s32 $0x6;
	[dreg:$0xe] =	wrdreg s21  }
0x17: {  	s16 =	simm.s32 $0x3;
	s17 =	simm.s32 $0x4;
	[dreg:$0xf] =	wrdreg s23  }
0x18: {  	s18 =	simm.s32 $0x1500;
	s0 =	sadd.s32 $0x53800, s0;
	[dreg:$0x10] =	wrdreg s24  }
0x19: {  	[dreg:$0x11] =	wrdreg s25;
	s23 =	simm.s32 $0x1400;
	s24 =	simm.s32 $0x40  }
0x1a: {  	s25 =	simm.s32 $0x2800;
	s3 =	simm.s32 $0x6800;
	s10 =	simm.s32 $0x180  }
0x1b: {  	s11 =	simm.s32 $0x8800;
	s19 =	simm.s32 $0x1580;
	s20 =	simm.s32 $0x7  }
0x1c: {  	s21 =	simm.s32 $0x8;
	[dreg:$0x6] =	wrdreg s0;
	s0 =	simm.s32 $0x100  }
.LBB2_1:
0x1d: {  	[dreg:$0x4] =	wrdreg s22  }
0x1e: {  	s1 =	rddreg [dreg:$0x1]  }
0x1f: {  	[spmem:s4], [sflag:s26] =	dma.local [hbm:s1], $0x400  }
0x20: {  	_ =	swait.ge [sflag:s13], $0x400  }
0x21: {  	[sflag:s13] =	ssyncset.done $0x0  }
0x22: {  	s8 =	rddreg [dreg:$0x9];
	[sflag:s13] =	ssyncadd.s32 $0xFFFFFC00  }
0x23: {  	[spmem:s8], [sflag:s26] =	dma.local [hbm:s1], $0x400  }
0x24: {  	_ =	swait.ge [sflag:s13], $0x400  }
0x25: {  	[sflag:s13] =	ssyncset.done $0x0  }
0x26: {  	s12 =	rddreg [dreg:$0xa];
	[sflag:s13] =	ssyncadd.s32 $0xFFFFFC00  }
0x27: {  	[spmem:s12], [sflag:s26] =	dma.local [hbm:s1], $0x400  }
0x28: {  	_ =	swait.ge [sflag:s13], $0x400  }
0x29: {  	[sflag:s13] =	ssyncset.done $0x0  }
0x2a: {  	s22 =	rddreg [dreg:$0xb];
	[sflag:s13] =	ssyncadd.s32 $0xFFFFFC00  }
0x2b: {  	[spmem:s22], [sflag:s26] =	dma.local [hbm:s1], $0x400  }
0x2c: {  	_ =	swait.ge [sflag:s13], $0x400  }
0x2d: {  	[sflag:s13] =	ssyncset.done $0x0  }
0x2e: {  	s8 =	rddreg [dreg:$0xc];
	[sflag:s13] =	ssyncadd.s32 $0xFFFFFC00  }
0x2f: {  	[spmem:s8], [sflag:s26] =	dma.local [hbm:s1], $0x400  }
0x30: {  	_ =	swait.ge [sflag:s13], $0x400  }
0x31: {  	[sflag:s13] =	ssyncset.done $0x0  }
0x32: {  	s12 =	rddreg [dreg:$0xd];
	[sflag:s13] =	ssyncadd.s32 $0xFFFFFC00  }
0x33: {  	[spmem:s12], [sflag:s26] =	dma.local [hbm:s1], $0x400  }
0x34: {  	_ =	swait.ge [sflag:s13], $0x400  }
0x35: {  	[sflag:s13] =	ssyncset.done $0x0  }
0x36: {  	s22 =	rddreg [dreg:$0xe];
	[sflag:s13] =	ssyncadd.s32 $0xFFFFFC00  }
0x37: {  	[spmem:s22], [sflag:s26] =	dma.local [hbm:s1], $0x400  }
0x38: {  	_ =	swait.ge [sflag:s13], $0x400  }
0x39: {  	[sflag:s13] =	ssyncset.done $0x0  }
0x3a: {  	s8 =	rddreg [dreg:$0xf];
	[sflag:s13] =	ssyncadd.s32 $0xFFFFFC00  }
0x3b: {  	[spmem:s8], [sflag:s26] =	dma.local [hbm:s1], $0x400  }
0x3c: {  	_ =	swait.ge [sflag:s13], $0x400  }
0x3d: {  	[sflag:s13] =	ssyncset.done $0x0  }
0x3e: {  	s12 =	rddreg [dreg:$0x10];
	[sflag:s13] =	ssyncadd.s32 $0xFFFFFC00  }
0x3f: {  	[spmem:s12], [sflag:s26] =	dma.local [hbm:s1], $0x400  }
0x40: {  	_ =	swait.ge [sflag:s13], $0x400  }
0x41: {  	[sflag:s13] =	ssyncset.done $0x0  }
0x42: {  	s22 =	rddreg [dreg:$0x11];
	[sflag:s13] =	ssyncadd.s32 $0xFFFFFC00  }
0x43: {  	[spmem:s22], [sflag:s26] =	dma.local [hbm:s1], $0x400  }
0x44: {  	_ =	swait.ge [sflag:s13], $0x400  }
0x45: {  	[sflag:s13] =	ssyncset.done $0x0  }
0x46: {  	[sflag:s13] =	ssyncadd.s32 $0xFFFFFC00  }
0x47: {  	s22 =	simm.s32 $0x0;
	[bflag:$0x0] =	sbarrier.arrive $0xFFFF  }
.LBB2_2:
0x48: {  	s1 =	smul.u32 $0x1400, s22;
	_ =	sdelay $0x1  }
0x49: {  	s1 =	sadd.s32 s9, s1  }
0x4a: {  	s1 =	sshrl.u32 s1, $0x3  }
0x4b: {  	s8 =	simm.s32 $0x0;
	s4 =	sadd.s32 s6, s1  }
0x4c: {  	[tilespmem:s8], [sflag:$0x9] =	stream.linear.gather [hbm4b:s4+s8], $0x1400, $0x38;
	[tilespmem:$0x1E800] =	vst v63  }
0x4d: {  	_ =	swait.ge [sflag:s13], $0x1400  }
0x4e: {  	[sflag:s13] =	ssyncset.done $0x0  }
0x4f: {  	s1 =	sadd.s32 s7, s1;
	[sflag:s13] =	ssyncadd.s32 $0xFFFFEC00  }
0x50: {  	[tilespmem:s23], [sflag:$0x9] =	stream.linear.gather [hbm4b:s1+s8], $0x1400, $0x38;
	[tilespmem:$0x1E800] =	vst v63  }
0x51: {  	_ =	swait.ge [sflag:s13], $0x1400  }
0x52: {  	[sflag:s13] =	ssyncset.done $0x0  }
0x53: {  	[sflag:s13] =	ssyncadd.s32 $0xFFFFEC00  }
0x54: {  	[tilespmem:s25], [sflag:$0x1] =	stream.indirect.gather [hbm4b:s5+s24], $0x80, s8, s24, $0xb8;
	[tilespmem:$0x1E800] =	vst v63  }
0x55: {  	s4 =	simm.s32 $0x80  }
0x56: {  	[tilespmem:s28], [sflag:$0x2] =	stream.indirect.gather [hbm4b:s5+s24], $0x80, s4, s24, $0xb8;
	[tilespmem:$0x1E800] =	vst v63  }
0x57: {  	_ =	swait.ge [sflag:s29], $0x2000  }
0x58: {  	[sflag:s29] =	ssyncset.done $0x0  }
0x59: {  	[sflag:s29] =	ssyncadd.s32 $0xFFFFE000  }
0x5a: {  	_ =	swait.ge [sflag:s30], $0x2000  }
0x5b: {  	[sflag:s30] =	ssyncset.done $0x0  }
0x5c: {  	[sflag:s30] =	ssyncadd.s32 $0xFFFFE000  }
0x5d: {  	[spmem:s2] =	stream.indirect.scatter.add.f32 [tilespmem:s25], [sflag:$0x5], $0x80, s23, s24, $0xb8;
	[tilespmem:$0x1E800] =	vst v63  }
0x5e: {  	_ = 	snop  }
0x5f: {  	[spmem:s2] =	stream.indirect.scatter.add.f32 [tilespmem:s28], [sflag:$0x6], $0x80, s31, s24, $0xb8;
	[tilespmem:$0x1E800] =	vst v63  }
0x60: {  	_ = 	snop  }
0x61: {  	[tilespmem:s3], [sflag:$0x3] =	stream.indirect.gather [hbm4b:s5+s24], $0x80, s0, s24, $0xb8;
	[tilespmem:$0x1E800] =	vst v63  }
0x62: {  	_ = 	snop  }
0x63: {  	[tilespmem:s11], [sflag:$0x4] =	stream.indirect.gather [hbm4b:s5+s24], $0x80, s10, s24, $0xb8;
	[tilespmem:$0x1E800] =	vst v63  }
0x64: {  	_ =	swait.ge [sflag:s14], $0x2000  }
0x65: {  	[sflag:s14] =	ssyncset.done $0x0  }
0x66: {  	[sflag:s14] =	ssyncadd.s32 $0xFFFFE000  }
0x67: {  	_ =	swait.ge [sflag:s15], $0x2000  }
0x68: {  	[sflag:s15] =	ssyncset.done $0x0  }
0x69: {  	[sflag:s15] =	ssyncadd.s32 $0xFFFFE000  }
0x6a: {  	_ =	swait.ge [sflag:s16], $0x2000  }
0x6b: {  	[sflag:s16] =	ssyncset.done $0x0  }
0x6c: {  	[sflag:s16] =	ssyncadd.s32 $0xFFFFE000  }
0x6d: {  	_ =	swait.ge [sflag:s17], $0x2000  }
0x6e: {  	[sflag:s17] =	ssyncset.done $0x0  }
0x6f: {  	[sflag:s17] =	ssyncadd.s32 $0xFFFFE000  }
0x70: {  	[spmem:s2] =	stream.indirect.scatter.add.f32 [tilespmem:s3], [sflag:$0x7], $0x80, s18, s24, $0xb8;
	[tilespmem:$0x1E800] =	vst v63  }
0x71: {  	_ = 	snop  }
0x72: {  	[spmem:s2] =	stream.indirect.scatter.add.f32 [tilespmem:s11], [sflag:$0x8], $0x80, s19, s24, $0xb8;
	[tilespmem:$0x1E800] =	vst v63  }
0x73: {  	s8 =	simm.s32 $0x200  }
0x74: {  	[tilespmem:s25], [sflag:$0x1] =	stream.indirect.gather [hbm4b:s5+s24], $0x80, s8, s24, $0xb8;
	[tilespmem:$0x1E800] =	vst v63  }
0x75: {  	s12 =	simm.s32 $0x280  }
0x76: {  	[tilespmem:s28], [sflag:$0x2] =	stream.indirect.gather [hbm4b:s5+s24], $0x80, s12, s24, $0xb8;
	[tilespmem:$0x1E800] =	vst v63  }
0x77: {  	_ =	swait.ge [sflag:s20], $0x2000  }
0x78: {  	[sflag:s20] =	ssyncset.done $0x0  }
0x79: {  	[sflag:s20] =	ssyncadd.s32 $0xFFFFE000  }
0x7a: {  	_ =	swait.ge [sflag:s21], $0x2000  }
0x7b: {  	[sflag:s21] =	ssyncset.done $0x0  }
0x7c: {  	[sflag:s21] =	ssyncadd.s32 $0xFFFFE000  }
0x7d: {  	_ =	swait.ge [sflag:s29], $0x2000  }
0x7e: {  	[sflag:s29] =	ssyncset.done $0x0  }
0x7f: {  	[sflag:s29] =	ssyncadd.s32 $0xFFFFE000  }
0x80: {  	_ =	swait.ge [sflag:s30], $0x2000  }
0x81: {  	[sflag:s30] =	ssyncset.done $0x0  }
0x82: {  	s26 =	simm.s32 $0x1600;
	[sflag:s30] =	ssyncadd.s32 $0xFFFFE000  }
0x83: {  	[spmem:s2] =	stream.indirect.scatter.add.f32 [tilespmem:s25], [sflag:$0x5], $0x80, s26, s24, $0xb8;
	[tilespmem:$0x1E800] =	vst v63  }
0x84: {  	s4 =	simm.s32 $0x1680  }
0x85: {  	[spmem:s2] =	stream.indirect.scatter.add.f32 [tilespmem:s28], [sflag:$0x6], $0x80, s4, s24, $0xb8;
	[tilespmem:$0x1E800] =	vst v63  }
0x86: {  	s8 =	simm.s32 $0x300  }
0x87: {  	[tilespmem:s3], [sflag:$0x3] =	stream.indirect.gather [hbm4b:s5+s24], $0x80, s8, s24, $0xb8;
	[tilespmem:$0x1E800] =	vst v63  }
0x88: {  	s12 =	simm.s32 $0x380  }
0x89: {  	[tilespmem:s11], [sflag:$0x4] =	stream.indirect.gather [hbm4b:s5+s24], $0x80, s12, s24, $0xb8;
	[tilespmem:$0x1E800] =	vst v63  }
0x8a: {  	_ =	swait.ge [sflag:s14], $0x2000  }
0x8b: {  	[sflag:s14] =	ssyncset.done $0x0  }
0x8c: {  	[sflag:s14] =	ssyncadd.s32 $0xFFFFE000  }
0x8d: {  	_ =	swait.ge [sflag:s15], $0x2000  }
0x8e: {  	[sflag:s15] =	ssyncset.done $0x0  }
0x8f: {  	[sflag:s15] =	ssyncadd.s32 $0xFFFFE000  }
0x90: {  	_ =	swait.ge [sflag:s16], $0x2000  }
0x91: {  	[sflag:s16] =	ssyncset.done $0x0  }
0x92: {  	[sflag:s16] =	ssyncadd.s32 $0xFFFFE000  }
0x93: {  	_ =	swait.ge [sflag:s17], $0x2000  }
0x94: {  	[sflag:s17] =	ssyncset.done $0x0  }
0x95: {  	s26 =	simm.s32 $0x1700;
	[sflag:s17] =	ssyncadd.s32 $0xFFFFE000  }
0x96: {  	[spmem:s2] =	stream.indirect.scatter.add.f32 [tilespmem:s3], [sflag:$0x7], $0x80, s26, s24, $0xb8;
	[tilespmem:$0x1E800] =	vst v63  }
0x97: {  	s1 =	simm.s32 $0x1000;
	s12 =	simm.s32 $0x200;
	s26 =	simm.s32 $0x1780  }
.LBB2_3:
0x98: {  	[spmem:s2] =	stream.indirect.scatter.add.f32 [tilespmem:s11], [sflag:$0x8], $0x80, s26, s24, $0xb8;
	[tilespmem:$0x1E800] =	vst v63  }
0x99: {  	s4 =	smov.u32 s1  }
0x9a: {  	s8 =	sadd.s32 $0x800, s1;
	s26 =	sadd.s32 $0x200, s12;
	s4 =	sshra.s32 s4, $0x2  }
0x9b: {  	[tilespmem:s25], [sflag:$0x1] =	stream.indirect.gather [hbm4b:s5+s24], $0x80, s26, s24, $0xb8;
	[tilespmem:$0x1E800] =	vst v63  }
0x9c: {  	p0 =	sne.s32 s1, $0x4000;
	s1 =	sadd.s32 $0x280, s12  }
0x9d: {  	[tilespmem:s28], [sflag:$0x2] =	stream.indirect.gather [hbm4b:s5+s24], $0x80, s1, s24, $0xb8;
	[tilespmem:$0x1E800] =	vst v63  }
0x9e: {  	_ =	swait.ge [sflag:s20], $0x2000  }
0x9f: {  	[sflag:s20] =	ssyncset.done $0x0  }
0xa0: {  	[sflag:s20] =	ssyncadd.s32 $0xFFFFE000  }
0xa1: {  	_ =	swait.ge [sflag:s21], $0x2000  }
0xa2: {  	[sflag:s21] =	ssyncset.done $0x0  }
0xa3: {  	[sflag:s21] =	ssyncadd.s32 $0xFFFFE000  }
0xa4: {  	_ =	swait.ge [sflag:s29], $0x2000  }
0xa5: {  	[sflag:s29] =	ssyncset.done $0x0  }
0xa6: {  	[sflag:s29] =	ssyncadd.s32 $0xFFFFE000  }
0xa7: {  	_ =	swait.ge [sflag:s30], $0x2000  }
0xa8: {  	[sflag:s30] =	ssyncset.done $0x0  }
0xa9: {  	s1 =	sadd.s32 $0x1600, s12;
	[sflag:s30] =	ssyncadd.s32 $0xFFFFE000  }
0xaa: {  	[spmem:s2] =	stream.indirect.scatter.add.f32 [tilespmem:s25], [sflag:$0x5], $0x80, s1, s24, $0xb8;
	[tilespmem:$0x1E800] =	vst v63  }
0xab: {  	s1 =	sadd.s32 $0x1680, s12  }
0xac: {  	[spmem:s2] =	stream.indirect.scatter.add.f32 [tilespmem:s28], [sflag:$0x6], $0x80, s1, s24, $0xb8;
	[tilespmem:$0x1E800] =	vst v63  }
0xad: {  	s1 =	sadd.s32 $0x300, s12  }
0xae: {  	[tilespmem:s3], [sflag:$0x3] =	stream.indirect.gather [hbm4b:s5+s24], $0x80, s1, s24, $0xb8;
	[tilespmem:$0x1E800] =	vst v63  }
0xaf: {  	s1 =	sadd.s32 $0x380, s12  }
0xb0: {  	[tilespmem:s11], [sflag:$0x4] =	stream.indirect.gather [hbm4b:s5+s24], $0x80, s1, s24, $0xb8;
	[tilespmem:$0x1E800] =	vst v63  }
0xb1: {  	_ =	swait.ge [sflag:s14], $0x2000  }
0xb2: {  	[sflag:s14] =	ssyncset.done $0x0  }
0xb3: {  	[sflag:s14] =	ssyncadd.s32 $0xFFFFE000  }
0xb4: {  	_ =	swait.ge [sflag:s15], $0x2000  }
0xb5: {  	[sflag:s15] =	ssyncset.done $0x0  }
0xb6: {  	[sflag:s15] =	ssyncadd.s32 $0xFFFFE000  }
0xb7: {  	_ =	swait.ge [sflag:s16], $0x2000  }
0xb8: {  	[sflag:s16] =	ssyncset.done $0x0  }
0xb9: {  	[sflag:s16] =	ssyncadd.s32 $0xFFFFE000  }
.Ltmp0:
0xba: {  	_ =	swait.ge [sflag:s17], $0x2000;
	(pc) =	sbr.rel @p0 .LBB2_3-.Ltmp0, $4  }
0xbb: {  	[sflag:s17] =	ssyncset.done $0x0  }
0xbc: {  	s1 =	sadd.s32 $0x1700, s12;
	[sflag:s17] =	ssyncadd.s32 $0xFFFFE000  }
0xbd: {  	[spmem:s2] =	stream.indirect.scatter.add.f32 [tilespmem:s3], [sflag:$0x7], $0x80, s1, s24, $0xb8;
	[tilespmem:$0x1E800] =	vst v63  }
0xbe: {  	s26 =	sadd.s32 $0x1780, s12;
	s12 =	smov.u32 s4;
	s1 =	smov.u32 s8  }
0xbf: {  	[spmem:s2] =	stream.indirect.scatter.add.f32 [tilespmem:s11], [sflag:$0x8], $0x80, s26, s24, $0xb8;
	[tilespmem:$0x1E800] =	vst v63  }
0xc0: {  	s1 =	sadd.s32 $0x200, s12  }
0xc1: {  	[tilespmem:s25], [sflag:$0x1] =	stream.indirect.gather [hbm4b:s5+s24], $0x80, s1, s24, $0xb8;
	[tilespmem:$0x1E800] =	vst v63  }
0xc2: {  	s26 =	sadd.s32 $0x280, s12  }
0xc3: {  	[tilespmem:s28], [sflag:$0x2] =	stream.indirect.gather [hbm4b:s5+s24], $0x80, s26, s24, $0xb8;
	[tilespmem:$0x1E800] =	vst v63  }
0xc4: {  	_ =	swait.ge [sflag:s20], $0x2000  }
0xc5: {  	[sflag:s20] =	ssyncset.done $0x0  }
0xc6: {  	[sflag:s20] =	ssyncadd.s32 $0xFFFFE000  }
0xc7: {  	_ =	swait.ge [sflag:s21], $0x2000  }
0xc8: {  	[sflag:s21] =	ssyncset.done $0x0  }
0xc9: {  	[sflag:s21] =	ssyncadd.s32 $0xFFFFE000  }
0xca: {  	_ =	swait.ge [sflag:s29], $0x2000  }
0xcb: {  	[sflag:s29] =	ssyncset.done $0x0  }
0xcc: {  	[sflag:s29] =	ssyncadd.s32 $0xFFFFE000  }
0xcd: {  	_ =	swait.ge [sflag:s30], $0x2000  }
0xce: {  	[sflag:s30] =	ssyncset.done $0x0  }
0xcf: {  	s4 =	sadd.s32 $0x1600, s12;
	[sflag:s30] =	ssyncadd.s32 $0xFFFFE000  }
0xd0: {  	[spmem:s2] =	stream.indirect.scatter.add.f32 [tilespmem:s25], [sflag:$0x5], $0x80, s4, s24, $0xb8;
	[tilespmem:$0x1E800] =	vst v63  }
0xd1: {  	s8 =	sadd.s32 $0x1680, s12  }
0xd2: {  	[spmem:s2] =	stream.indirect.scatter.add.f32 [tilespmem:s28], [sflag:$0x6], $0x80, s8, s24, $0xb8;
	[tilespmem:$0x1E800] =	vst v63  }
0xd3: {  	s26 =	sadd.s32 $0x300, s12  }
0xd4: {  	[tilespmem:s3], [sflag:$0x3] =	stream.indirect.gather [hbm4b:s5+s24], $0x80, s26, s24, $0xb8;
	[tilespmem:$0x1E800] =	vst v63  }
0xd5: {  	s4 =	sadd.s32 $0x380, s12  }
0xd6: {  	[tilespmem:s11], [sflag:$0x4] =	stream.indirect.gather [hbm4b:s5+s24], $0x80, s4, s24, $0xb8;
	[tilespmem:$0x1E800] =	vst v63  }
0xd7: {  	_ =	swait.ge [sflag:s14], $0x2000  }
0xd8: {  	[sflag:s14] =	ssyncset.done $0x0  }
0xd9: {  	[sflag:s14] =	ssyncadd.s32 $0xFFFFE000  }
0xda: {  	_ =	swait.ge [sflag:s15], $0x2000  }
0xdb: {  	[sflag:s15] =	ssyncset.done $0x0  }
0xdc: {  	[sflag:s15] =	ssyncadd.s32 $0xFFFFE000  }
0xdd: {  	_ =	swait.ge [sflag:s16], $0x2000  }
0xde: {  	[sflag:s16] =	ssyncset.done $0x0  }
0xdf: {  	[sflag:s16] =	ssyncadd.s32 $0xFFFFE000  }
0xe0: {  	_ =	swait.ge [sflag:s17], $0x2000  }
0xe1: {  	[sflag:s17] =	ssyncset.done $0x0  }
0xe2: {  	s8 =	sadd.s32 $0x1700, s12;
	[sflag:s17] =	ssyncadd.s32 $0xFFFFE000  }
0xe3: {  	[spmem:s2] =	stream.indirect.scatter.add.f32 [tilespmem:s3], [sflag:$0x7], $0x80, s8, s24, $0xb8;
	[tilespmem:$0x1E800] =	vst v63  }
0xe4: {  	s22 =	sadd.s32 $0x1, s22;
	s26 =	sadd.s32 $0x1780, s12  }
0xe5: {  	[spmem:s2] =	stream.indirect.scatter.add.f32 [tilespmem:s11], [sflag:$0x8], $0x80, s26, s24, $0xb8;
	[tilespmem:$0x1E800] =	vst v63  }
0xe6: {  	p0 =	sne.s32 s22, $0x4;
	_ =	swait.ge [sflag:s20], $0x2000  }
.Ltmp1:
0xe7: {  	[sflag:s20] =	ssyncset.done $0x0;
	(pc) =	sbr.rel @p0 .LBB2_2-.Ltmp1, $4  }
0xe8: {  	[sflag:s20] =	ssyncadd.s32 $0xFFFFE000  }
0xe9: {  	_ =	swait.ge [sflag:s21], $0x2000  }
0xea: {  	[sflag:s21] =	ssyncset.done $0x0  }
0xeb: {  	[sflag:s21] =	ssyncadd.s32 $0xFFFFE000  }
0xec: {  	[bflag:$0x0] =	sbarrier.arrive $0xFFFF  }
0xed: {  	s26 =	rddreg [dreg:$0x5]  }
0xee: {  	s1 =	rddreg [dreg:$0x6]  }
0xef: {  	s4 =	rddreg [dreg:$0x8]  }
0xf0: {  	[hbm:s1], [sflag:s26] =	dma.local [spmem:s4], $0x2800  }
0xf1: {  	_ =	swait.ge [sflag:s13], $0x2800  }
0xf2: {  	s22 =	rddreg [dreg:$0x4]  }
0xf3: {  	s12 =	rddreg [dreg:$0x7];
	s22 =	sadd.s32 $0x1, s22  }
0xf4: {  	p0 =	sne.s32 s22, s12  }
.Ltmp2:
0xf5: {  	_ = 	snop;
	(pc) =	sbr.rel @p0 .LBB2_1-.Ltmp2, $3  }
0xf6: {  	_ =	sdelay $0x1  }
0xf7: {  	[sflag:s13] =	ssyncset.done $0x0  }
0xf8: {  	[sflag:s13] =	ssyncadd.s32 $0xFFFFD800  }
0xf9: {  	_ =	sfence.sel $0x180000  }
0xfa: {  	[bflag:$0x0] =	sbarrier.arrive $0xFFFF  }
0xfb: {  	_ =	strace $0x90000050  }
0xfc: {  	s0 =	stileid.u32;
	[bflag:$0x2] =	sbarrier.arrive $0xFFFF  }
0xfd: {  	p0 =	sne.s32 s0, $0x0;
	s0 =	rddreg [dreg:$0x3]  }
0xfe: {  	s0 =	sadd.s32 @!p0 $0x100000, s0  }
0xff: {  	[sflag:s0] =	ssyncadd.tile.s32 @!p0 $0x1;
	_ =	shalt  }
.Lfunc_end2:
_tile_overlayer_lowered:
.L_overlay_start_2:
0x100: {  	(tag) =	ssettag $0x2  }
0x101: {  	s0 =	rddreg [dreg:$0x0];
	s2 =	stileid.u32  }
0x102: {  	s1 =	rddreg [dreg:$0x1];
	p0 =	sne.s32 s2, $0x0  }
0x103: {  	s3 =	rddreg [dreg:$0x2];
	[bflag:$0x3] =	sbarrier.arrive $0xFFFF;
	s2 =	simm.s32 @!p0 $0x1C09  }
0x104: {  	[timem:s3], [sflag:s2] =	dma.local @!p0 [hbm:s0], s1  }
0x105: {  	s0 =	simm.s32 @!p0 $0x9  }
0x106: {  	_ =	swait.ge @!p0 [sflag:s0], s1  }
0x107: {  	s1 =	ssub.s32 @!p0 $0x0, s1;
	[sflag:s0] =	ssyncset.done @!p0 $0x0  }
0x108: {  	[sflag:s0] =	ssyncadd.s32 @!p0 s1  }
0x109: {  	[bflag:$0x3] =	sbarrier.arrive $0xFFFF  }
0x10a: {  	_ =	shalt  }

// kernel: kernel.9.cloned.1.call-start
scs
__scs_entry_jumppad:
0x0: {  	(pc) =	sbr.rel $0x88, $3  }
0x1: {  	(tag) =	ssettag $0x0;
	lr =	simm.s32 $0x1  }
0x2: {  	[smem:$0x3F96] =	sst lr;
	_ =	strace $0xD0000000  }
0x3: {  	_ = 	snop  }
0x4: {  	_ = 	snop  }
0x5: {  	_ = 	snop  }
0x6: {  	_ = 	snop  }
0x7: {  	_ = 	snop  }
__scs_overlays_trampoline_lowered:
0x8: {  	[smem:$0x3FA5] =	sst s0  }
0x9: {  	[smem:$0x3FA6] =	sst s1  }
0xa: {  	[smem:$0x3FA7] =	sst s2  }
0xb: {  	[smem:$0x3FA8] =	sst s3  }
0xc: {  	[smem:$0x3FA9] =	sst s4  }
0xd: {  	[smem:$0x3FAA] =	sst s5  }
0xe: {  	[smem:$0x3FAB] =	sst s6  }
0xf: {  	[smem:$0x3FAC] =	sst s7  }
0x10: {  	[smem:$0x3FAD] =	sst s8  }
0x11: {  	[smem:$0x3FAE] =	sst s9;
	s0 =	simm.s32 @!p0 $0x0  }
0x12: {  	s1 =	sld [smem:$0x3F94];
	s0 =	simm.s32 @p0 $0x1  }
0x13: {  	[smem:$0x3FAF] =	sst s0;
	s0 =	simm.s32 @!p1 $0x0  }
0x14: {  	s2 =	sld [smem:$0x3F93];
	s0 =	simm.s32 @p1 $0x1  }
0x15: {  	[smem:$0x3FB0] =	sst s0;
	s0 =	simm.s32 @!p2 $0x0  }
0x16: {  	s3 =	sld [smem:$0x3FDB];
	s0 =	simm.s32 @p2 $0x1  }
0x17: {  	s4 =	simm.s32 $0x1BF5;
	[smem:$0x3FB2] =	sst s0  }
0x18: {  	s0 =	sld [smem:$0x3F95];
	_ =	swait.ge [sflag:s4], $0x0  }
0x19: {  	s7 =	sld [smem:$0x3F96]  }
0x1a: {  	s8 =	sadd.s32 $0xFFFFE003, lr  }
0x1b: {  	s9 =	sadd.s32 $0xFFFFFEF7, lr;
	s5 =	simm.s32 $0xFFFFFFFF;
	p2 =	slt.u32 s8, $0xFFFFF086  }
0x1c: {  	p1 =	slt.u32 s9, $0xF7A;
	s5 =	simm.s32 @!p2 $0x0  }
0x1d: {  	s5 =	simm.s32 @p1 $0x1;
	p0 =	seq.s32 s7, s2  }
0x1e: {  	s7 =	smul.u32 @!p0 $0xF7A, s2;
	p2 =	seq.s32 @!p0 s5, $0x0  }
0x1f: {  	s9 =	smul.u32 $0xF7A, s1;
	s8 =	simm.s32 @!p0 $0x1BF5;
	p2 =	por !p2, p0  }
0x20: {  	[sflag:s8] =	ssyncset.s32 @!p0 $0xFFFFF086;
	s6 =	sadd.s32 @!p0 s3, s7;
	s7 =	simm.s32 @!p0 $0x108  }
0x21: {  	s3 =	sadd.s32 s3, s9;
	s6 =	sadd.s32 @!p0 $0x88, s6;
	s7 =	simm.s32 @p2 $0x1082  }
0x22: {  	[simem:s7], [sflag:s8] =	dma.local @!p0 [hbm:s6], $0xF7A  }
0x23: {  	s9 =	sor.u32 $0xD0000000, s2;
	s6 =	simm.s32 $0x108;
	_ =	swait.ge @!p0 [sflag:s8], $0x0  }
0x24: {  	s3 =	sadd.s32 $0x88, s3;
	s6 =	simm.s32 @!p1 $0x1082;
	[sflag:s4] =	ssyncset.s32 $0xFFFFF086  }
0x25: {  	[simem:s6], [sflag:s4] =	dma.local [hbm:s3], $0xF7A  }
0x26: {  	[smem:$0x3F96] =	sst s1;
	(tag) =	ssettag s2;
	_ =	strace s9  }
0x27: {  	s1 =	sld [smem:$0x3FA6]  }
0x28: {  	s2 =	sld [smem:$0x3FA7]  }
0x29: {  	s4 =	sld [smem:$0x3FA9]  }
0x2a: {  	p0 =	seq.s32 s5, $0x0;
	s5 =	sld [smem:$0x3FAA]  }
0x2b: {  	s6 =	sld [smem:$0x3FAB]  }
0x2c: {  	s7 =	sld [smem:$0x3FAC]  }
0x2d: {  	s3 =	simm.s32 $0x108;
	s8 =	sld [smem:$0x3FAD]  }
0x2e: {  	s3 =	simm.s32 @!p0 $0x1082;
	s9 =	sld [smem:$0x3FAE]  }
0x2f: {  	lr =	sadd.s32 s0, s3;
	s0 =	sld [smem:$0x3FA5]  }
0x30: {  	s3 =	sld [smem:$0x3FA8]  }
0x31: {  	[smem:$0x3FB1] =	sst s10  }
0x32: {  	s10 =	sld [smem:$0x3FAF];
	_ =	sdelay $0x3  }
0x33: {  	p0 =	seq.s32 s10, $0x1;
	s10 =	sld [smem:$0x3FB1];
	_ =	sdelay $0x3  }
0x34: {  	[smem:$0x3FB1] =	sst s10  }
0x35: {  	s10 =	sld [smem:$0x3FB0];
	_ =	sdelay $0x3  }
0x36: {  	p1 =	seq.s32 s10, $0x1;
	s10 =	sld [smem:$0x3FB1];
	_ =	sdelay $0x3  }
0x37: {  	[smem:$0x3FB1] =	sst s10  }
0x38: {  	s10 =	sld [smem:$0x3FB2]  }
0x39: {  	_ = 	snop;
	(pc) =	sbr.ind lr, $3  }
0x3a: {  	_ = 	snop  }
0x3b: {  	_ = 	snop  }
0x3c: {  	p2 =	seq.s32 s10, $0x1;
	s10 =	sld [smem:$0x3FB1]  }
0x3d: {  	_ =	shalt  }
0x3e: {  	_ =	shalt  }
0x3f: {  	_ =	shalt  }
0x40: {  	_ =	shalt  }
0x41: {  	_ =	shalt  }
0x42: {  	_ =	shalt  }
0x43: {  	_ =	shalt  }
0x44: {  	_ =	shalt  }
0x45: {  	_ =	shalt  }
0x46: {  	_ =	shalt  }
0x47: {  	_ =	shalt  }
0x48: {  	_ =	shalt  }
0x49: {  	_ =	shalt  }
0x4a: {  	_ =	shalt  }
0x4b: {  	_ =	shalt  }
0x4c: {  	_ =	shalt  }
0x4d: {  	_ =	shalt  }
0x4e: {  	_ =	shalt  }
0x4f: {  	_ =	shalt  }
0x50: {  	_ =	shalt  }
0x51: {  	_ =	shalt  }
0x52: {  	_ =	shalt  }
0x53: {  	_ =	shalt  }
0x54: {  	_ =	shalt  }
0x55: {  	_ =	shalt  }
0x56: {  	_ =	shalt  }
0x57: {  	_ =	shalt  }
0x58: {  	_ =	shalt  }
0x59: {  	_ =	shalt  }
0x5a: {  	_ =	shalt  }
0x5b: {  	_ =	shalt  }
0x5c: {  	_ =	shalt  }
0x5d: {  	_ =	shalt  }
0x5e: {  	_ =	shalt  }
0x5f: {  	_ =	shalt  }
0x60: {  	_ =	shalt  }
0x61: {  	_ =	shalt  }
0x62: {  	_ =	shalt  }
0x63: {  	_ =	shalt  }
0x64: {  	_ =	shalt  }
0x65: {  	_ =	shalt  }
0x66: {  	_ =	shalt  }
0x67: {  	_ =	shalt  }
0x68: {  	_ =	shalt  }
0x69: {  	_ =	shalt  }
0x6a: {  	_ =	shalt  }
0x6b: {  	_ =	shalt  }
0x6c: {  	_ =	shalt  }
0x6d: {  	_ =	shalt  }
0x6e: {  	_ =	shalt  }
0x6f: {  	_ =	shalt  }
0x70: {  	_ =	shalt  }
0x71: {  	_ =	shalt  }
0x72: {  	_ =	shalt  }
0x73: {  	_ =	shalt  }
0x74: {  	_ =	shalt  }
0x75: {  	_ =	shalt  }
0x76: {  	_ =	shalt  }
0x77: {  	_ =	shalt  }
0x78: {  	_ =	shalt  }
0x79: {  	_ =	shalt  }
0x7a: {  	_ =	shalt  }
0x7b: {  	_ =	shalt  }
0x7c: {  	_ =	shalt  }
0x7d: {  	_ =	shalt  }
0x7e: {  	_ =	shalt  }
0x7f: {  	_ =	shalt  }
0x80: {  	_ =	shalt  }
0x81: {  	_ =	shalt  }
0x82: {  	_ =	shalt  }
0x83: {  	_ =	shalt  }
0x84: {  	_ =	shalt  }
0x85: {  	_ =	shalt  }
0x86: {  	_ =	shalt  }
0x87: {  	_ =	shalt  }
.Lfunc_end0:
.L_simem_size_0:
called_computation_lowered:
.L_overlay_start_0:
0x88: {  	s2 =	sld [smem:$0x3FD9]  }
0x89: {  	s3 =	sld [smem:$0x3FFE];
	_ =	sdelay $0x1  }
0x8a: {  	s1 =	srdreg.scid  }
0x8b: {  	s0 =	sand.u32 $0x1, s1  }
0x8c: {  	s17 =	sshll.u32 s0, $0xA;
	s2 =	sadd.s32 s3, s2  }
0x8d: {  	s2 =	sadd.s32 s2, s17  }
0x8e: {  	[smem:$0x3FBD] =	sst s2  }
0x8f: {  	_ = 	snop  }
0x90: {  	s18 =	sld [smem:$0x3FD0];
	(tm) =	ssettm $0x1  }
0x91: {  	s19 =	sld [smem:$0x3FFB];
	_ =	sdelay $0x3  }
0x92: {  	_ =	strace s19  }
0x93: {  	s2 =	sld [smem:$0x3FFC];
	_ =	sdelay $0x3  }
0x94: {  	_ =	strace s2  }
0x95: {  	s2 =	sld [smem:$0x3FFD];
	_ =	sdelay $0x3  }
0x96: {  	_ =	strace s2  }
0x97: {  	_ =	strace $0x8FFFFFFF  }
0x98: {  	s20 =	sld [smem:$0x3FDB];
	_ =	sdelay $0x1  }
0x99: {  	s4 =	simm.s32 $_scs_section_size  }
0x9a: {  	s5 =	simm.s32 $_size__tile_overlayer_lowered;
	s6 =	simm.s32 $_tile_overlayer_lowered  }
0x9b: {  	s7 =	simm.s32 $0x1BFF;
	s21 =	sshll.u32 s6, $0x1;
	s4 =	sadd.s32 s4, s20  }
0x9c: {  	s22 =	simm.s32 $0x0;
	s5 =	sshll.u32 s5, $0x1;
	s6 =	sadd.s32 s21, s4  }
0x9d: {  	[timem:s22], [sflag:s7] =	dma.local [hbm:s6], s5  }
0x9e: {  	_ =	swait.ge [sflag:s7], s5  }
0x9f: {  	s5 =	ssub.s32 $0x0, s5;
	[sflag:s7] =	ssyncset.done $0x0  }
0xa0: {  	[sflag:s7] =	ssyncadd.s32 s5;
	_ =	sdelay $0x1  }
0xa1: {  	s23 =	simm.s32 $0x1B8B  }
0xa2: {  	_ =	swait.ge [sflag:s23], $0x1  }
0xa3: {  	[sflag:s23] =	ssyncset.done $0x0  }
0xa4: {  	[sflag:s23] =	ssyncadd.s32 $0xFFFFFFFF  }
0xa5: {  	s5 =	sld [smem:$0x0]  }
0xa6: {  	s6 =	sand.u32 $0xFFFFFFFE, s1  }
0xa7: {  	p0 =	sne.s32 s1, s6  }
0xa8: {  	s6 =	sshll.u32 @p0 s6, $0xE  }
0xa9: {  	s6 =	sadd.s32 @p0 $0x11B8D, s6;
	s7 =	sshll.u32 @p0 s5, $0x11  }
0xaa: {  	s6 =	sor.u32 @p0 s7, s6  }
0xab: {  	[sflag:s6] =	ssyncadd.remote.s32 @p0 $0x1;
	_ =	sdelay $0x1  }
0xac: {  	s6 =	simm.s32 @p0 $0x1B8D  }
0xad: {  	_ =	swait.eq @p0 [sflag:s6], $0x1  }
0xae: {  	[sflag:s6] =	ssyncadd.s32 @p0 $0xFFFFFFFF  }
0xaf: {  	s7 =	sshll.u32 @!p0 s1, $0xE  }
0xb0: {  	s7 =	sor.u32 @!p0 $0x4000, s7;
	s6 =	simm.s32 @!p0 $0x1B8D  }
0xb1: {  	s5 =	sshll.u32 @!p0 s5, $0x11;
	s7 =	sadd.s32 @!p0 $0x11B8D, s7;
	_ =	swait.eq @!p0 [sflag:s6], $0x1  }
0xb2: {  	s5 =	sor.u32 @!p0 s5, s7;
	[sflag:s6] =	ssyncadd.s32 @!p0 $0xFFFFFFFF  }
0xb3: {  	s25 =	simm.s32 $0x1B8E;
	s24 =	sld [smem:$0x3FFE];
	[sflag:s5] =	ssyncadd.remote.s32 @!p0 $0x1  }
0xb4: {  	s26 =	simm.s32 $execute0_lowered;
	[smem:$0x3FD2] =	sst s25  }
0xb5: {  	s6 =	sshll.u32 s26, $0x1;
	_ =	strace $0x80000049;
	[dreg:$0x1] =	wrdreg $0xFFFFFFFF  }
0xb6: {  	s28 =	simm.s32 $_size_execute0_lowered;
	s4 =	sadd.s32 s4, s6;
	[dreg:$0x0] =	wrdreg $0x0  }
0xb7: {  	s6 =	sshll.u32 s28, $0x1;
	[dreg:$0x2] =	wrdreg s4  }
0xb8: {  	[dreg:$0x3] =	wrdreg s6  }
0xb9: {  	[dreg:$0x4] =	wrdreg $0xC0  }
0xba: {  	_ =	task [dreg:s22], $0x5FFFF  }
0xbb: {  	[dreg:$0x1] =	wrdreg $0xFFFFFFFF  }
0xbc: {  	[dreg:$0x0] =	wrdreg $0x60  }
0xbd: {  	[dreg:$0x2] =	wrdreg s24  }
0xbe: {  	[dreg:$0x3] =	wrdreg s18  }
0xbf: {  	[dreg:$0x4] =	wrdreg $0x34000  }
0xc0: {  	[dreg:$0x5] =	wrdreg $0x9  }
0xc1: {  	_ =	task.clear_ibuf [dreg:s22], $0x6FFFF;
	_ =	strace $0x90000049  }
0xc2: {  	s29 =	simm.s32 $0x9;
	_ =	strace $0x8000004B  }
0xc3: {  	_ =	swait.ge [sflag:s29], $0x1  }
0xc4: {  	[sflag:s29] =	ssyncadd.s32 $0xFFFFFFFF  }
0xc5: {  	_ =	strace $0x9000004B  }
0xc6: {  	_ =	sfence  }
0xc7: {  	s30 =	sld [smem:$0x0];
	_ =	sdelay $0x2  }
0xc8: {  	s31 =	sshll.u32 s1, $0xD;
	s1 =	sshrl.u32 s1, $0x2  }
0xc9: {  	s4 =	sand.u32 $0x4000, s31;
	s1 =	sadd.s32 s1, s30  }
0xca: {  	s0 =	sor.u32 s4, s0;
	s1 =	sshll.u32 s1, $0x11  }
0xcb: {  	s0 =	sor.u32 s1, s0  }
0xcc: {  	s0 =	sadd.s32 $0x8F2B, s0  }
0xcd: {  	[sflag:s0] =	ssyncadd.remote.s32 $0x1  }
0xce: {  	_ =	sfence.sel $0xFFFF  }
0xcf: {  	[dreg:$0x0] =	wrdreg $0xFFFFFFFF;
	(pc) =	sbr.abs _section_cstart, $3  }
0xd0: {  	[dreg:$0x1] =	wrdreg $0xFFFFFFFF  }
0xd1: {  	_ =	task.clear_ibuf [dreg:s22], $0x2FFFF;
	_ =	strace $0x9FFFFFFF  }
0xd2: {  	(tm) =	ssettm $0x7FFFFFFF  }
0xd3: {  	_ =	shalt  }
tec
execute0_lowered:
.L_overlay_start_1:
0x0: {  	(tag) =	ssettag $0x1  }
0x1: {  	s6 =	rddreg [dreg:$0x0]  }
0x2: {  	s1 =	srdreg.scid;
	s2 =	rddreg [dreg:$0x1]  }
0x3: {  	s0 =	stileid.u32;
	s3 =	rddreg [dreg:$0x2]  }
0x4: {  	s4 =	simm.s32 $0x0;
	s14 =	simm.s32 $0x3;
	s28 =	simm.s32 $0x2  }
0x5: {  	s29 =	simm.s32 $0x0;
	s7 =	sand.u32 $0x1, s1;
	s9 =	smul.u32 $0x14000, s0  }
0x6: {  	s23 =	sshll.u32 s0, $0x1;
	[smem:$0x7FF] =	sst s4;
	s24 =	smul.u32 $0x50000, s0  }
0x7: {  	s31 =	sshll.u32 s0, $0x6;
	s1 =	sor.u32 s7, s23;
	s8 =	smul.u32 $0x140000, s7  }
0x8: {  	_ =	strace $0x8000004A;
	s25 =	ssub.s32 $0x2, s7;
	s5 =	smul.u32 $0x5000, s1  }
0x9: {  	s26 =	sshrl.u32 s24, $0x2;
	s30 =	sshrl.u32 s25, $0x1;
	s24 =	simm.s32 $0x1400  }
0xa: {  	s8 =	sadd.s32 s9, s8;
	s13 =	sadd.s32 s26, s3;
	s9 =	ssub.s32 s25, s30  }
0xb: {  	s25 =	simm.s32 $0x40;
	s26 =	simm.s32 $0x1;
	s5 =	sshrl.u32 s5, $0x3  }
0xc: {  	s8 =	sshrl.u32 s8, $0x3;
	s15 =	sadd.s32 $0x2000, s13;
	s16 =	sadd.s32 $0x4000, s13  }
0xd: {  	s17 =	sadd.s32 $0x6000, s13;
	s18 =	sadd.s32 $0x8000, s13;
	s19 =	sadd.s32 $0xA000, s13  }
0xe: {  	s20 =	sadd.s32 $0xC000, s13;
	s21 =	sadd.s32 $0xE000, s13;
	s22 =	sadd.s32 $0x10000, s13  }
0xf: {  	s23 =	sadd.s32 $0x12000, s13;
	s13 =	sshrl.u32 s13, $0x3;
	s12 =	sadd.s32 s5, s6  }
0x10: {  	s5 =	sadd.s32 $0xA3800, s6;
	s8 =	sadd.s32 s8, s6;
	s6 =	sor.u32 $0x1C03, s31  }
0x11: {  	s15 =	sshrl.u32 s15, $0x3;
	s16 =	sshrl.u32 s16, $0x3;
	s17 =	sshrl.u32 s17, $0x3  }
0x12: {  	s18 =	sshrl.u32 s18, $0x3;
	s19 =	sshrl.u32 s19, $0x3;
	s20 =	sshrl.u32 s20, $0x3  }
0x13: {  	s21 =	sshrl.u32 s21, $0x3;
	s22 =	sshrl.u32 s22, $0x3;
	s23 =	sshrl.u32 s23, $0x3  }
0x14: {  	s7 =	sadd.s32 $0xA3C00, s8;
	s8 =	smax.u32 s9, $0x1;
	s9 =	sadd.s32 $0x3800, s12  }
0x15: {  	s10 =	sadd.s32 $0x3A80, s12;
	s11 =	sadd.s32 $0x3D00, s12;
	s12 =	sadd.s32 $0x3F80, s12  }
.LBB2_1:
0x16: {  	[spmem:s13], [sflag:s6] =	dma.local [hbm:s2], $0x400  }
0x17: {  	_ =	swait.ge [sflag:s14], $0x400  }
0x18: {  	[sflag:s14] =	ssyncset.done $0x0  }
0x19: {  	[sflag:s14] =	ssyncadd.s32 $0xFFFFFC00  }
0x1a: {  	[spmem:s15], [sflag:s6] =	dma.local [hbm:s2], $0x400  }
0x1b: {  	_ =	swait.ge [sflag:s14], $0x400  }
0x1c: {  	[sflag:s14] =	ssyncset.done $0x0  }
0x1d: {  	[sflag:s14] =	ssyncadd.s32 $0xFFFFFC00  }
0x1e: {  	[spmem:s16], [sflag:s6] =	dma.local [hbm:s2], $0x400  }
0x1f: {  	_ =	swait.ge [sflag:s14], $0x400  }
0x20: {  	[sflag:s14] =	ssyncset.done $0x0  }
0x21: {  	[sflag:s14] =	ssyncadd.s32 $0xFFFFFC00  }
0x22: {  	[spmem:s17], [sflag:s6] =	dma.local [hbm:s2], $0x400  }
0x23: {  	_ =	swait.ge [sflag:s14], $0x400  }
0x24: {  	[sflag:s14] =	ssyncset.done $0x0  }
0x25: {  	[sflag:s14] =	ssyncadd.s32 $0xFFFFFC00  }
0x26: {  	[spmem:s18], [sflag:s6] =	dma.local [hbm:s2], $0x400  }
0x27: {  	_ =	swait.ge [sflag:s14], $0x400  }
0x28: {  	[sflag:s14] =	ssyncset.done $0x0  }
0x29: {  	[sflag:s14] =	ssyncadd.s32 $0xFFFFFC00  }
0x2a: {  	[spmem:s19], [sflag:s6] =	dma.local [hbm:s2], $0x400  }
0x2b: {  	_ =	swait.ge [sflag:s14], $0x400  }
0x2c: {  	[sflag:s14] =	ssyncset.done $0x0  }
0x2d: {  	[sflag:s14] =	ssyncadd.s32 $0xFFFFFC00  }
0x2e: {  	[spmem:s20], [sflag:s6] =	dma.local [hbm:s2], $0x400  }
0x2f: {  	_ =	swait.ge [sflag:s14], $0x400  }
0x30: {  	[sflag:s14] =	ssyncset.done $0x0  }
0x31: {  	[sflag:s14] =	ssyncadd.s32 $0xFFFFFC00  }
0x32: {  	[spmem:s21], [sflag:s6] =	dma.local [hbm:s2], $0x400  }
0x33: {  	_ =	swait.ge [sflag:s14], $0x400  }
0x34: {  	[sflag:s14] =	ssyncset.done $0x0  }
0x35: {  	[sflag:s14] =	ssyncadd.s32 $0xFFFFFC00  }
0x36: {  	[spmem:s22], [sflag:s6] =	dma.local [hbm:s2], $0x400  }
0x37: {  	_ =	swait.ge [sflag:s14], $0x400  }
0x38: {  	[sflag:s14] =	ssyncset.done $0x0  }
0x39: {  	[sflag:s14] =	ssyncadd.s32 $0xFFFFFC00  }
0x3a: {  	[spmem:s23], [sflag:s6] =	dma.local [hbm:s2], $0x400  }
0x3b: {  	_ =	swait.ge [sflag:s14], $0x400  }
0x3c: {  	[sflag:s14] =	ssyncset.done $0x0  }
0x3d: {  	[sflag:s14] =	ssyncadd.s32 $0xFFFFFC00  }
0x3e: {  	[tilespmem:s24], [sflag:$0x3] =	stream.linear.gather [hbm4b:s5+s4], $0x2000, $0x38;
	[tilespmem:$0x17400] =	vst v63  }
0x3f: {  	_ =	swait.ge [sflag:s14], $0x2000  }
0x40: {  	[sflag:s14] =	ssyncset.done $0x0  }
0x41: {  	[sflag:s14] =	ssyncadd.s32 $0xFFFFE000  }
0x42: {  	[bflag:$0x0] =	sbarrier.arrive $0xFFFF  }
0x43: {  	[tilespmem:s4], [sflag:$0x3] =	stream.linear.gather [hbm4b:s9+s4], $0x1400, $0x38;
	[tilespmem:$0x17400] =	vst v63  }
0x44: {  	_ =	swait.ge [sflag:s14], $0x1400  }
0x45: {  	[sflag:s14] =	ssyncset.done $0x0  }
0x46: {  	s30 =	simm.s32 $0x0;
	[sflag:s14] =	ssyncadd.s32 $0xFFFFEC00  }
0x47: {  	[spmem:s3] =	stream.indirect.scatter.add.f32 [tilespmem:s24], [sflag:$0x1], $0x80, s30, s25, $0xb8;
	[tilespmem:$0x17400] =	vst v63  }
0x48: {  	s30 =	simm.s32 $0x80  }
0x49: {  	[spmem:s3] =	stream.indirect.scatter.add.f32 [tilespmem:s24], [sflag:$0x2], $0x80, s30, s25, $0xb8;
	[tilespmem:$0x17400] =	vst v63  }
0x4a: {  	_ =	swait.ge [sflag:s26], $0x2000  }
0x4b: {  	[sflag:s26] =	ssyncset.done $0x0  }
0x4c: {  	[sflag:s26] =	ssyncadd.s32 $0xFFFFE000  }
0x4d: {  	_ =	swait.ge [sflag:s28], $0x2000  }
0x4e: {  	s31 =	simm.s32 $0x800;
	s30 =	simm.s32 $0x400;
	[sflag:s28] =	ssyncset.done $0x0  }
.LBB2_2:
0x4f: {  	s1 =	sshra.s32 s30, $0x2  }
0x50: {  	[sflag:s28] =	ssyncadd.s32 $0xFFFFE000;
	s30 =	smov.u32 s31;
	s0 =	sadd.s32 $0x400, s31  }
0x51: {  	[spmem:s3] =	stream.indirect.scatter.add.f32 [tilespmem:s24], [sflag:$0x1], $0x80, s1, s25, $0xb8;
	[tilespmem:$0x17400] =	vst v63  }
0x52: {  	p0 =	sne.s32 s31, $0x4C00;
	s1 =	sadd.s32 $0x80, s1  }
0x53: {  	[spmem:s3] =	stream.indirect.scatter.add.f32 [tilespmem:s24], [sflag:$0x2], $0x80, s1, s25, $0xb8;
	[tilespmem:$0x17400] =	vst v63  }
.Ltmp0:
0x54: {  	_ =	swait.ge [sflag:s26], $0x2000;
	(pc) =	sbr.rel @p0 .LBB2_2-.Ltmp0, $4  }
0x55: {  	[sflag:s26] =	ssyncset.done $0x0  }
0x56: {  	[sflag:s26] =	ssyncadd.s32 $0xFFFFE000  }
0x57: {  	_ =	swait.ge [sflag:s28], $0x2000  }
0x58: {  	s31 =	smov.u32 s0;
	[sflag:s28] =	ssyncset.done $0x0  }
0x59: {  	s0 =	sshra.s32 s30, $0x2;
	[sflag:s28] =	ssyncadd.s32 $0xFFFFE000  }
0x5a: {  	[spmem:s3] =	stream.indirect.scatter.add.f32 [tilespmem:s24], [sflag:$0x1], $0x80, s0, s25, $0xb8;
	[tilespmem:$0x17400] =	vst v63  }
0x5b: {  	s0 =	sadd.s32 $0x80, s0  }
0x5c: {  	[spmem:s3] =	stream.indirect.scatter.add.f32 [tilespmem:s24], [sflag:$0x2], $0x80, s0, s25, $0xb8;
	[tilespmem:$0x17400] =	vst v63  }
0x5d: {  	_ =	swait.ge [sflag:s26], $0x2000  }
0x5e: {  	[sflag:s26] =	ssyncset.done $0x0  }
0x5f: {  	[sflag:s26] =	ssyncadd.s32 $0xFFFFE000  }
0x60: {  	_ =	swait.ge [sflag:s28], $0x2000  }
0x61: {  	[sflag:s28] =	ssyncset.done $0x0  }
0x62: {  	s1 =	simm.s32 $0x0;
	[sflag:s28] =	ssyncadd.s32 $0xFFFFE000  }
0x63: {  	[tilespmem:s1], [sflag:$0x3] =	stream.linear.gather [hbm4b:s10+s1], $0x1400, $0x38;
	[tilespmem:$0x17400] =	vst v63  }
0x64: {  	_ =	swait.ge [sflag:s14], $0x1400  }
0x65: {  	[sflag:s14] =	ssyncset.done $0x0  }
0x66: {  	s1 =	simm.s32 $0x0;
	[sflag:s14] =	ssyncadd.s32 $0xFFFFEC00  }
0x67: {  	[spmem:s3] =	stream.indirect.scatter.add.f32 [tilespmem:s24], [sflag:$0x1], $0x80, s1, s25, $0xb8;
	[tilespmem:$0x17400] =	vst v63  }
0x68: {  	s1 =	simm.s32 $0x80  }
0x69: {  	[spmem:s3] =	stream.indirect.scatter.add.f32 [tilespmem:s24], [sflag:$0x2], $0x80, s1, s25, $0xb8;
	[tilespmem:$0x17400] =	vst v63  }
0x6a: {  	_ =	swait.ge [sflag:s26], $0x2000  }
0x6b: {  	[sflag:s26] =	ssyncset.done $0x0  }
0x6c: {  	[sflag:s26] =	ssyncadd.s32 $0xFFFFE000  }
0x6d: {  	_ =	swait.ge [sflag:s28], $0x2000  }
0x6e: {  	s30 =	simm.s32 $0x400;
	s31 =	simm.s32 $0x800;
	[sflag:s28] =	ssyncset.done $0x0  }
.LBB2_4:
0x6f: {  	s0 =	sshra.s32 s30, $0x2  }
0x70: {  	[sflag:s28] =	ssyncadd.s32 $0xFFFFE000;
	s30 =	smov.u32 s31;
	s1 =	sadd.s32 $0x400, s31  }
0x71: {  	[spmem:s3] =	stream.indirect.scatter.add.f32 [tilespmem:s24], [sflag:$0x1], $0x80, s0, s25, $0xb8;
	[tilespmem:$0x17400] =	vst v63  }
0x72: {  	p0 =	sne.s32 s31, $0x4C00;
	s0 =	sadd.s32 $0x80, s0  }
0x73: {  	[spmem:s3] =	stream.indirect.scatter.add.f32 [tilespmem:s24], [sflag:$0x2], $0x80, s0, s25, $0xb8;
	[tilespmem:$0x17400] =	vst v63  }
.Ltmp1:
0x74: {  	_ =	swait.ge [sflag:s26], $0x2000;
	(pc) =	sbr.rel @p0 .LBB2_4-.Ltmp1, $4  }
0x75: {  	[sflag:s26] =	ssyncset.done $0x0  }
0x76: {  	[sflag:s26] =	ssyncadd.s32 $0xFFFFE000  }
0x77: {  	_ =	swait.ge [sflag:s28], $0x2000  }
0x78: {  	s31 =	smov.u32 s1;
	[sflag:s28] =	ssyncset.done $0x0  }
0x79: {  	s0 =	sshra.s32 s30, $0x2;
	[sflag:s28] =	ssyncadd.s32 $0xFFFFE000  }
0x7a: {  	[spmem:s3] =	stream.indirect.scatter.add.f32 [tilespmem:s24], [sflag:$0x1], $0x80, s0, s25, $0xb8;
	[tilespmem:$0x17400] =	vst v63  }
0x7b: {  	s0 =	sadd.s32 $0x80, s0  }
0x7c: {  	[spmem:s3] =	stream.indirect.scatter.add.f32 [tilespmem:s24], [sflag:$0x2], $0x80, s0, s25, $0xb8;
	[tilespmem:$0x17400] =	vst v63  }
0x7d: {  	_ =	swait.ge [sflag:s26], $0x2000  }
0x7e: {  	[sflag:s26] =	ssyncset.done $0x0  }
0x7f: {  	[sflag:s26] =	ssyncadd.s32 $0xFFFFE000  }
0x80: {  	_ =	swait.ge [sflag:s28], $0x2000  }
0x81: {  	[sflag:s28] =	ssyncset.done $0x0  }
0x82: {  	s1 =	simm.s32 $0x0;
	[sflag:s28] =	ssyncadd.s32 $0xFFFFE000  }
0x83: {  	[tilespmem:s1], [sflag:$0x3] =	stream.linear.gather [hbm4b:s11+s1], $0x1400, $0x38;
	[tilespmem:$0x17400] =	vst v63  }
0x84: {  	_ =	swait.ge [sflag:s14], $0x1400  }
0x85: {  	[sflag:s14] =	ssyncset.done $0x0  }
0x86: {  	s1 =	simm.s32 $0x0;
	[sflag:s14] =	ssyncadd.s32 $0xFFFFEC00  }
0x87: {  	[spmem:s3] =	stream.indirect.scatter.add.f32 [tilespmem:s24], [sflag:$0x1], $0x80, s1, s25, $0xb8;
	[tilespmem:$0x17400] =	vst v63  }
0x88: {  	s1 =	simm.s32 $0x80  }
0x89: {  	[spmem:s3] =	stream.indirect.scatter.add.f32 [tilespmem:s24], [sflag:$0x2], $0x80, s1, s25, $0xb8;
	[tilespmem:$0x17400] =	vst v63  }
0x8a: {  	_ =	swait.ge [sflag:s26], $0x2000  }
0x8b: {  	[sflag:s26] =	ssyncset.done $0x0  }
0x8c: {  	[sflag:s26] =	ssyncadd.s32 $0xFFFFE000  }
0x8d: {  	_ =	swait.ge [sflag:s28], $0x2000  }
0x8e: {  	s30 =	simm.s32 $0x400;
	s31 =	simm.s32 $0x800;
	[sflag:s28] =	ssyncset.done $0x0  }
.LBB2_6:
0x8f: {  	s0 =	sshra.s32 s30, $0x2  }
0x90: {  	[sflag:s28] =	ssyncadd.s32 $0xFFFFE000;
	s30 =	smov.u32 s31;
	s1 =	sadd.s32 $0x400, s31  }
0x91: {  	[spmem:s3] =	stream.indirect.scatter.add.f32 [tilespmem:s24], [sflag:$0x1], $0x80, s0, s25, $0xb8;
	[tilespmem:$0x17400] =	vst v63  }
0x92: {  	p0 =	sne.s32 s31, $0x4C00;
	s0 =	sadd.s32 $0x80, s0  }
0x93: {  	[spmem:s3] =	stream.indirect.scatter.add.f32 [tilespmem:s24], [sflag:$0x2], $0x80, s0, s25, $0xb8;
	[tilespmem:$0x17400] =	vst v63  }
.Ltmp2:
0x94: {  	_ =	swait.ge [sflag:s26], $0x2000;
	(pc) =	sbr.rel @p0 .LBB2_6-.Ltmp2, $4  }
0x95: {  	[sflag:s26] =	ssyncset.done $0x0  }
0x96: {  	[sflag:s26] =	ssyncadd.s32 $0xFFFFE000  }
0x97: {  	_ =	swait.ge [sflag:s28], $0x2000  }
0x98: {  	s31 =	smov.u32 s1;
	[sflag:s28] =	ssyncset.done $0x0  }
0x99: {  	s0 =	sshra.s32 s30, $0x2;
	[sflag:s28] =	ssyncadd.s32 $0xFFFFE000  }
0x9a: {  	[spmem:s3] =	stream.indirect.scatter.add.f32 [tilespmem:s24], [sflag:$0x1], $0x80, s0, s25, $0xb8;
	[tilespmem:$0x17400] =	vst v63  }
0x9b: {  	s0 =	sadd.s32 $0x80, s0  }
0x9c: {  	[spmem:s3] =	stream.indirect.scatter.add.f32 [tilespmem:s24], [sflag:$0x2], $0x80, s0, s25, $0xb8;
	[tilespmem:$0x17400] =	vst v63  }
0x9d: {  	_ =	swait.ge [sflag:s26], $0x2000  }
0x9e: {  	[sflag:s26] =	ssyncset.done $0x0  }
0x9f: {  	[sflag:s26] =	ssyncadd.s32 $0xFFFFE000  }
0xa0: {  	_ =	swait.ge [sflag:s28], $0x2000  }
0xa1: {  	[sflag:s28] =	ssyncset.done $0x0  }
0xa2: {  	s1 =	simm.s32 $0x0;
	[sflag:s28] =	ssyncadd.s32 $0xFFFFE000  }
0xa3: {  	[tilespmem:s1], [sflag:$0x3] =	stream.linear.gather [hbm4b:s12+s1], $0x1400, $0x38;
	[tilespmem:$0x17400] =	vst v63  }
0xa4: {  	_ =	swait.ge [sflag:s14], $0x1400  }
0xa5: {  	[sflag:s14] =	ssyncset.done $0x0  }
0xa6: {  	s1 =	simm.s32 $0x0;
	[sflag:s14] =	ssyncadd.s32 $0xFFFFEC00  }
0xa7: {  	[spmem:s3] =	stream.indirect.scatter.add.f32 [tilespmem:s24], [sflag:$0x1], $0x80, s1, s25, $0xb8;
	[tilespmem:$0x17400] =	vst v63  }
0xa8: {  	s1 =	simm.s32 $0x80  }
0xa9: {  	[spmem:s3] =	stream.indirect.scatter.add.f32 [tilespmem:s24], [sflag:$0x2], $0x80, s1, s25, $0xb8;
	[tilespmem:$0x17400] =	vst v63  }
0xaa: {  	_ =	swait.ge [sflag:s26], $0x2000  }
0xab: {  	[sflag:s26] =	ssyncset.done $0x0  }
0xac: {  	[sflag:s26] =	ssyncadd.s32 $0xFFFFE000  }
0xad: {  	_ =	swait.ge [sflag:s28], $0x2000  }
0xae: {  	s30 =	simm.s32 $0x400;
	s31 =	simm.s32 $0x800;
	[sflag:s28] =	ssyncset.done $0x0  }
.LBB2_8:
0xaf: {  	s0 =	sshra.s32 s30, $0x2  }
0xb0: {  	[sflag:s28] =	ssyncadd.s32 $0xFFFFE000;
	s30 =	smov.u32 s31;
	s1 =	sadd.s32 $0x400, s31  }
0xb1: {  	[spmem:s3] =	stream.indirect.scatter.add.f32 [tilespmem:s24], [sflag:$0x1], $0x80, s0, s25, $0xb8;
	[tilespmem:$0x17400] =	vst v63  }
0xb2: {  	p0 =	sne.s32 s31, $0x4C00;
	s0 =	sadd.s32 $0x80, s0  }
0xb3: {  	[spmem:s3] =	stream.indirect.scatter.add.f32 [tilespmem:s24], [sflag:$0x2], $0x80, s0, s25, $0xb8;
	[tilespmem:$0x17400] =	vst v63  }
.Ltmp3:
0xb4: {  	_ =	swait.ge [sflag:s26], $0x2000;
	(pc) =	sbr.rel @p0 .LBB2_8-.Ltmp3, $4  }
0xb5: {  	[sflag:s26] =	ssyncset.done $0x0  }
0xb6: {  	[sflag:s26] =	ssyncadd.s32 $0xFFFFE000  }
0xb7: {  	_ =	swait.ge [sflag:s28], $0x2000  }
0xb8: {  	s31 =	smov.u32 s1;
	[sflag:s28] =	ssyncset.done $0x0  }
0xb9: {  	s0 =	sshra.s32 s30, $0x2;
	[sflag:s28] =	ssyncadd.s32 $0xFFFFE000  }
0xba: {  	[spmem:s3] =	stream.indirect.scatter.add.f32 [tilespmem:s24], [sflag:$0x1], $0x80, s0, s25, $0xb8;
	[tilespmem:$0x17400] =	vst v63  }
0xbb: {  	s0 =	sadd.s32 $0x80, s0  }
0xbc: {  	[spmem:s3] =	stream.indirect.scatter.add.f32 [tilespmem:s24], [sflag:$0x2], $0x80, s0, s25, $0xb8;
	[tilespmem:$0x17400] =	vst v63  }
0xbd: {  	_ =	swait.ge [sflag:s26], $0x2000  }
0xbe: {  	[sflag:s26] =	ssyncset.done $0x0  }
0xbf: {  	[sflag:s26] =	ssyncadd.s32 $0xFFFFE000  }
0xc0: {  	_ =	swait.ge [sflag:s28], $0x2000  }
0xc1: {  	s29 =	sadd.s32 $0x1, s29;
	[sflag:s28] =	ssyncset.done $0x0  }
0xc2: {  	p0 =	sne.s32 s29, s8;
	[sflag:s28] =	ssyncadd.s32 $0xFFFFE000  }
.Ltmp4:
0xc3: {  	[bflag:$0x0] =	sbarrier.arrive $0xFFFF;
	(pc) =	sbr.rel @p0 .LBB2_1-.Ltmp4, $4  }
0xc4: {  	[hbm:s7], [sflag:s6] =	dma.local [spmem:s13], $0x2800  }
0xc5: {  	_ =	swait.ge [sflag:s14], $0x2800  }
0xc6: {  	[sflag:s14] =	ssyncset.done $0x0  }
0xc7: {  	[sflag:s14] =	ssyncadd.s32 $0xFFFFD800  }
0xc8: {  	_ =	sfence.sel $0x180000  }
0xc9: {  	[bflag:$0x0] =	sbarrier.arrive $0xFFFF  }
0xca: {  	_ =	strace $0x9000004A  }
0xcb: {  	s0 =	stileid.u32;
	[bflag:$0x2] =	sbarrier.arrive $0xFFFF  }
0xcc: {  	p0 =	sne.s32 s0, $0x0;
	s0 =	rddreg [dreg:$0x3]  }
0xcd: {  	s0 =	sadd.s32 @!p0 $0x100000, s0  }
0xce: {  	[sflag:s0] =	ssyncadd.tile.s32 @!p0 $0x1;
	_ =	shalt  }
.Lfunc_end2:
_tile_overlayer_lowered:
.L_overlay_start_2:
0xcf: {  	(tag) =	ssettag $0x2  }
0xd0: {  	s0 =	rddreg [dreg:$0x0];
	s2 =	stileid.u32  }
0xd1: {  	s1 =	rddreg [dreg:$0x1];
	p0 =	sne.s32 s2, $0x0  }
0xd2: {  	s3 =	rddreg [dreg:$0x2];
	[bflag:$0x3] =	sbarrier.arrive $0xFFFF;
	s2 =	simm.s32 @!p0 $0x1C03  }
0xd3: {  	[timem:s3], [sflag:s2] =	dma.local @!p0 [hbm:s0], s1  }
0xd4: {  	s0 =	simm.s32 @!p0 $0x3  }
0xd5: {  	_ =	swait.ge @!p0 [sflag:s0], s1  }
0xd6: {  	s1 =	ssub.s32 @!p0 $0x0, s1;
	[sflag:s0] =	ssyncset.done @!p0 $0x0  }
0xd7: {  	[sflag:s0] =	ssyncadd.s32 @!p0 s1  }
0xd8: {  	[bflag:$0x3] =	sbarrier.arrive $0xFFFF  }
0xd9: {  	_ =	shalt  }

</sc_bundles>
